<compile_context>
chip_gen: v7x
topology: tpu7x:2x2x1
jax: 0.10.2.dev20260603
libtpu: 0.0.44.dev20260713+nightly
codegen_flags: <defaults>
</compile_context>

<pallas_src>
import functools

import jax
import jax.numpy as jnp
from jax import lax
from jax.experimental import pallas as pl
from jax.experimental.pallas import tpu as pltpu
from jax.experimental.pallas import tpu_sc as plsc

_N = 320000
_D = 128
_C = 1000
_CPAD = 1024
_MOM = 0.1

_NC = 2
_NS = 16
_NW = _NC * _NS
_ROWS_PER = _N // _NW
_CH = 400
_NITER = _ROWS_PER // _CH
_NPAIR = _NITER // 2
_RPT = _CPAD // _NS

_HROWS = 2560
_HP = _HROWS * _D
_HSUB = 128


def _sc_segment_sums(z, y, zsum):
    mesh = plsc.VectorSubcoreMesh(
        core_axis_name="c", subcore_axis_name="s",
        num_cores=_NC, num_subcores=_NS)

    @functools.partial(
        pl.kernel,
        out_type=jax.ShapeDtypeStruct((_NC, _CPAD, _D), jnp.float32),
        mesh=mesh,
        scratch_types=[
            pltpu.VMEM((_CH, _D), jnp.float32),
            pltpu.VMEM((_CH, _D), jnp.float32),
            pltpu.VMEM((_CH,), jnp.int32),
            pltpu.VMEM((_CH,), jnp.int32),
            pltpu.VMEM_SHARED((_CPAD, _D), jnp.float32),
            pltpu.SemaphoreType.DMA,
            pltpu.SemaphoreType.DMA,
        ],
    )
    def k(z_hbm, y_hbm, zsum_hbm, osum_hbm,
          zbuf0, zbuf1, idx0, idx1, acc_sh, sem0, sem1):
        c = lax.axis_index("c")
        s = lax.axis_index("s")
        wid = c * _NS + s
        base = wid * _ROWS_PER
        zbufs, idxs, sems = (zbuf0, zbuf1), (idx0, idx1), (sem0, sem1)
        pltpu.sync_copy(zsum_hbm.at[pl.ds(s * _RPT, _RPT)],
                        acc_sh.at[pl.ds(s * _RPT, _RPT)])
        plsc.subcore_barrier()

        def start_load(chunk, slot):
            off = base + chunk * _CH
            pltpu.async_copy(z_hbm.at[pl.ds(off, _CH)], zbufs[slot], sems[slot])
            pltpu.async_copy(y_hbm.at[pl.ds(off, _CH)], idxs[slot], sems[slot])

        def wait_load(chunk, slot):
            off = base + chunk * _CH
            pltpu.make_async_copy(z_hbm.at[pl.ds(off, _CH)], zbufs[slot],
                                  sems[slot]).wait()
            pltpu.make_async_copy(y_hbm.at[pl.ds(off, _CH)], idxs[slot],
                                  sems[slot]).wait()

        def scatter(slot):
            pltpu.sync_copy(zbufs[slot], acc_sh.at[idxs[slot]], add=True)

        start_load(0, 0)

        def body(g, carry):
            i0 = g * 2
            wait_load(i0, 0)
            start_load(i0 + 1, 1)
            scatter(0)
            wait_load(i0 + 1, 1)
            start_load(i0 + 2, 0)
            scatter(1)
            return carry

        lax.fori_loop(0, _NPAIR, body, 0)
        wait_load(_NITER - 1, 0)
        scatter(0)
        plsc.subcore_barrier()
        pltpu.sync_copy(acc_sh.at[pl.ds(s * _RPT, _RPT)],
                        osum_hbm.at[c, pl.ds(s * _RPT, _RPT)])

    return k(z, y, zsum)


def _hist_body(y_ref, out_ref):
    blk = y_ref[0]
    hi_all = blk >> 5
    lo_all = blk & 31
    iot = lax.broadcasted_iota(jnp.int32, (32, _D), 0)
    acc = jnp.zeros((32, 32), jnp.float32)
    for s in range(_HSUB):
        eh = (iot == hi_all[s:s + 1, :]).astype(jnp.float32)
        el = (iot == lo_all[s:s + 1, :]).astype(jnp.float32)
        acc = acc + lax.dot_general(eh, el.T, (((1,), (0,)), ((), ())),
                                    preferred_element_type=jnp.float32)

    @pl.when(pl.program_id(0) == 0)
    def _():
        out_ref[...] = jnp.zeros_like(out_ref)

    out_ref[...] += acc


def _class_counts(y):
    pad = jnp.full((_HP - _N,), _C, jnp.int32)
    y2 = jnp.concatenate([y, pad]).reshape(_HROWS // _HSUB, _HSUB, _D)
    return pl.pallas_call(
        _hist_body,
        grid=(_HROWS // _HSUB,),
        in_specs=[pl.BlockSpec((1, _HSUB, _D), lambda i: (i, 0, 0))],
        out_specs=pl.BlockSpec((32, 32), lambda i: (0, 0)),
        out_shape=jax.ShapeDtypeStruct((32, 32), jnp.float32),
    )(y2)


def _combine_body(psum_ref, cnt_ref, cen_ref, init_ref, oc_ref, oi_ref):
    sums = (psum_ref[0] + psum_ref[1])[:_C]
    counts = cnt_ref[...][:_C]
    centers = cen_ref[...]
    init = init_ref[...]
    present = counts > 0.0
    safe = jnp.where(present, counts, 1.0)
    means = sums / safe
    ema = (1.0 - _MOM) * centers + _MOM * means
    upd = jnp.where(init > 0.0, ema, means)
    oc_ref[...] = jnp.where(present, upd, centers)
    oi_ref[...] = jnp.where(present, 1.0, init)


def kernel(z, y, centers, initialized):
    y = y.astype(jnp.int32)
    zsum = jnp.zeros((_CPAD, _D), jnp.float32)
    counts = _class_counts(y).reshape(_CPAD, 1)
    psum = _sc_segment_sums(z, y, zsum)

    init_f = initialized.astype(jnp.float32).reshape(_C, 1)
    new_centers, new_init = pl.pallas_call(
        _combine_body,
        out_shape=(
            jax.ShapeDtypeStruct((_C, _D), jnp.float32),
            jax.ShapeDtypeStruct((_C, 1), jnp.float32),
        ),
    )(psum, counts, centers, init_f)
    return new_centers, new_init.reshape(_C) > 0.0

# --- scband reference (transcript-rebuilt; emitter-appended) ---
"""Pipeline reference for scband-euclidean-class-centroids-5746666242187 (READ-ONLY COPY).

The authoritative reference and input builder live on the scoring server;
editing this copy changes nothing except your own understanding.
"""

import jax, jax.numpy as jnp
import numpy as np

N_CLASSES = 1000
EMBED_DIM = 128
N = 320000
MOMENTUM = 0.1


def setup_inputs(seed: int = 0) -> dict:
    key = jax.random.key(seed)
    k1, k2 = jax.random.split(key)
    z = jax.random.normal(k1, (N, EMBED_DIM), dtype=jnp.float32)
    y = jax.random.randint(k2, (N,), 0, N_CLASSES, dtype=jnp.int32)
    centers = jnp.zeros((N_CLASSES, EMBED_DIM), dtype=jnp.float32)
    initialized = jnp.zeros((N_CLASSES,), dtype=bool)
    return {"z": z, "y": y, "centers": centers, "initialized": initialized}


def reference(z, y, centers, initialized):
    # Vectorized equivalent of the per-class python loop in update():
    #   for each class c present in y: mean_c = mean(z[y==c]);
    #   centers[c] = mean_c if not initialized[c] else EMA(centers[c], mean_c)
    y = y.astype(jnp.int32)
    ones = jnp.ones((z.shape[0],), dtype=jnp.float32)
    counts = jax.ops.segment_sum(ones, y, num_segments=N_CLASSES)
    sums = jax.ops.segment_sum(z, y, num_segments=N_CLASSES)
    present = counts > 0
    safe_counts = jnp.where(present, counts, 1.0)
    means = sums / safe_counts[:, None]
    ema = (1.0 - MOMENTUM) * centers + MOMENTUM * means
    updated = jnp.where(initialized[:, None], ema, means)
    new_centers = jnp.where(present[:, None], updated, centers)
    new_initialized = jnp.logical_or(initialized, present)
    return new_centers, new_initialized

if __name__ == "__main__":
    import jax
    _d = setup_inputs()
    print(jax.jit(kernel)(*tuple(_d.values())))

</pallas_src>

<mosaic_0001>
#map = affine_map<(d0, d1) -> (0, 0)>
#map1 = affine_map<(d0, d1) -> (0)>
#map2 = affine_map<(d0, d1) -> (0, 0, 0)>
module attributes {stable_mosaic.version = 14 : i64} {
  func.func @k(%arg0: i32, %arg1: i32, %arg2: memref<320000x128xf32, #tpu.memory_space<hbm>>, %arg3: memref<320000xi32, #tpu.memory_space<hbm>>, %arg4: memref<1024x128xf32, #tpu.memory_space<hbm>>, %arg5: memref<2x1024x128xf32, #tpu.memory_space<hbm>>, %arg6: memref<400x128xf32, #tpu.memory_space<vmem>>, %arg7: memref<400x128xf32, #tpu.memory_space<vmem>>, %arg8: memref<400xi32, #tpu.memory_space<vmem>>, %arg9: memref<400xi32, #tpu.memory_space<vmem>>, %arg10: memref<1024x128xf32, #tpu.memory_space<vmem_shared>>, %arg11: memref<!tpu.dma_semaphore, #tpu.memory_space<semaphore_mem>>, %arg12: memref<!tpu.dma_semaphore, #tpu.memory_space<semaphore_mem>>) attributes {dimension_semantics = [#tpu.dimension_semantics<core_parallel>, #tpu.dimension_semantics<subcore_parallel>], iteration_bounds = array<i64: 2, 16>, scalar_prefetch = 0 : i64, scratch_operands = 7 : i64, tpu.core_type = #tpu.core_type<sc_vector_subcore>, window_params = [{transform_indices = #map}, {transform_indices = #map1}, {transform_indices = #map}, {transform_indices = #map2}]} {
    %mul3A = arith.constant 16 : i32
    %mul3A_0 = arith.muli %arg0, %mul3A : i32
    %add3A = arith.addi %mul3A_0, %arg1 : i32
    %mul3A_1 = arith.constant 10000 : i32
    %mul3A_2 = arith.muli %add3A, %mul3A_1 : i32
    %mul3A_3 = arith.constant 64 : i32
    %mul3A_4 = arith.muli %arg1, %mul3A_3 : i32
    %mul3A_5 = arith.constant 64 : i32
    %mul3A_6 = arith.muli %arg1, %mul3A_5 : i32
    "tpu.region"() ({
      %run_scoped3A = tpu.sem_alloc : memref<!tpu.dma_semaphore, #tpu.memory_space<semaphore_mem>>
      %dma_start3A_31 = arith.constant 0 : i32
      %dma_start3A_32 = tpu.memref_slice %arg10[%mul3A_6, %dma_start3A_31] : memref<1024x128xf32, #tpu.memory_space<vmem_shared>> -> memref<64x128xf32, #tpu.memory_space<vmem_shared>>
      %dma_start3A_33 = arith.constant 0 : i32
      %dma_start3A_34 = tpu.memref_slice %arg4[%mul3A_4, %dma_start3A_33] : memref<1024x128xf32, #tpu.memory_space<hbm>> -> memref<64x128xf32, #tpu.memory_space<hbm>>
      tpu.enqueue_dma source(%dma_start3A_34 : memref<64x128xf32, #tpu.memory_space<hbm>>) target(%dma_start3A_32 : memref<64x128xf32, #tpu.memory_space<vmem_shared>>) target_semaphore(%run_scoped3A : memref<!tpu.dma_semaphore, #tpu.memory_space<semaphore_mem>>)
      %dma_wait3A_35 = arith.constant 0 : i32
      %dma_wait3A_36 = tpu.memref_slice %arg10[%mul3A_6, %dma_wait3A_35] : memref<1024x128xf32, #tpu.memory_space<vmem_shared>> -> memref<64x128xf32, #tpu.memory_space<vmem_shared>>
      %dma_wait3A_37 = arith.constant 0 : i32
      %dma_wait3A_38 = tpu.memref_slice %arg4[%mul3A_4, %dma_wait3A_37] : memref<1024x128xf32, #tpu.memory_space<hbm>> -> memref<64x128xf32, #tpu.memory_space<hbm>>
      tpu.wait_dma2 semaphore(%run_scoped3A : memref<!tpu.dma_semaphore, #tpu.memory_space<semaphore_mem>>) src(%dma_wait3A_38 : memref<64x128xf32, #tpu.memory_space<hbm>>) dst(%dma_wait3A_36 : memref<64x128xf32, #tpu.memory_space<vmem_shared>>)
      tpu.yield
    }) : () -> ()
    %barrier3A = arith.constant 0 : index
    tpu.barrier barrier_id(%barrier3A)
    %add3A_7 = arith.constant 0 : i32
    %add3A_8 = arith.addi %mul3A_2, %add3A_7 : i32
    %dma_start3A = arith.constant 0 : i32
    %dma_start3A_9 = tpu.memref_slice %arg2[%add3A_8, %dma_start3A] : memref<320000x128xf32, #tpu.memory_space<hbm>> -> memref<400x128xf32, #tpu.memory_space<hbm>>
    %dma_start3A_10 = arith.constant 0 : i32
    %dma_start3A_11 = tpu.memref_slice %arg2[%add3A_8, %dma_start3A_10] : memref<320000x128xf32, #tpu.memory_space<hbm>> -> memref<400x128xf32, #tpu.memory_space<hbm>>
    tpu.enqueue_dma source(%dma_start3A_11 : memref<400x128xf32, #tpu.memory_space<hbm>>) target(%arg6 : memref<400x128xf32, #tpu.memory_space<vmem>>) target_semaphore(%arg11 : memref<!tpu.dma_semaphore, #tpu.memory_space<semaphore_mem>>)
    %dma_start3A_12 = tpu.memref_slice %arg3[%add3A_8] : memref<320000xi32, #tpu.memory_space<hbm>> -> memref<400xi32, #tpu.memory_space<hbm>>
    %dma_start3A_13 = tpu.memref_slice %arg3[%add3A_8] : memref<320000xi32, #tpu.memory_space<hbm>> -> memref<400xi32, #tpu.memory_space<hbm>>
    tpu.enqueue_dma source(%dma_start3A_13 : memref<400xi32, #tpu.memory_space<hbm>>) target(%arg8 : memref<400xi32, #tpu.memory_space<vmem>>) target_semaphore(%arg11 : memref<!tpu.dma_semaphore, #tpu.memory_space<semaphore_mem>>)
    %scan3A = arith.constant 0 : i32
    %scan3A_14 = arith.constant 0 : i32
    %scan3A_15 = arith.constant 12 : i32
    %scan3A_16 = arith.addi %scan3A_14, %scan3A_15 : i32
    %scan3A_17 = arith.constant 1 : i32
    scf.for %scan3A_31 = %scan3A_14 to %scan3A_16 step %scan3A_17  : i32 {
      %mul3A_32 = arith.constant 2 : i32
      %mul3A_33 = arith.muli %scan3A_31, %mul3A_32 : i32
      %mul3A_34 = arith.constant 400 : i32
      %mul3A_35 = arith.muli %mul3A_33, %mul3A_34 : i32
      %add3A_36 = arith.addi %mul3A_2, %mul3A_35 : i32
      %dma_wait3A_37 = arith.constant 0 : i32
      %dma_wait3A_38 = tpu.memref_slice %arg2[%add3A_36, %dma_wait3A_37] : memref<320000x128xf32, #tpu.memory_space<hbm>> -> memref<400x128xf32, #tpu.memory_space<hbm>>
      %dma_wait3A_39 = arith.constant 0 : i32
      %dma_wait3A_40 = tpu.memref_slice %arg2[%add3A_36, %dma_wait3A_39] : memref<320000x128xf32, #tpu.memory_space<hbm>> -> memref<400x128xf32, #tpu.memory_space<hbm>>
      tpu.wait_dma2 semaphore(%arg11 : memref<!tpu.dma_semaphore, #tpu.memory_space<semaphore_mem>>) src(%dma_wait3A_40 : memref<400x128xf32, #tpu.memory_space<hbm>>) dst(%arg6 : memref<400x128xf32, #tpu.memory_space<vmem>>)
      %dma_wait3A_41 = tpu.memref_slice %arg3[%add3A_36] : memref<320000xi32, #tpu.memory_space<hbm>> -> memref<400xi32, #tpu.memory_space<hbm>>
      %dma_wait3A_42 = tpu.memref_slice %arg3[%add3A_36] : memref<320000xi32, #tpu.memory_space<hbm>> -> memref<400xi32, #tpu.memory_space<hbm>>
      tpu.wait_dma2 semaphore(%arg11 : memref<!tpu.dma_semaphore, #tpu.memory_space<semaphore_mem>>) src(%dma_wait3A_42 : memref<400xi32, #tpu.memory_space<hbm>>) dst(%arg8 : memref<400xi32, #tpu.memory_space<vmem>>)
      %add3A_43 = arith.constant 1 : i32
      %add3A_44 = arith.addi %mul3A_33, %add3A_43 : i32
      %mul3A_45 = arith.constant 400 : i32
      %mul3A_46 = arith.muli %add3A_44, %mul3A_45 : i32
      %add3A_47 = arith.addi %mul3A_2, %mul3A_46 : i32
      %dma_start3A_48 = arith.constant 0 : i32
      %dma_start3A_49 = tpu.memref_slice %arg2[%add3A_47, %dma_start3A_48] : memref<320000x128xf32, #tpu.memory_space<hbm>> -> memref<400x128xf32, #tpu.memory_space<hbm>>
      %dma_start3A_50 = arith.constant 0 : i32
      %dma_start3A_51 = tpu.memref_slice %arg2[%add3A_47, %dma_start3A_50] : memref<320000x128xf32, #tpu.memory_space<hbm>> -> memref<400x128xf32, #tpu.memory_space<hbm>>
      tpu.enqueue_dma source(%dma_start3A_51 : memref<400x128xf32, #tpu.memory_space<hbm>>) target(%arg7 : memref<400x128xf32, #tpu.memory_space<vmem>>) target_semaphore(%arg12 : memref<!tpu.dma_semaphore, #tpu.memory_space<semaphore_mem>>)
      %dma_start3A_52 = tpu.memref_slice %arg3[%add3A_47] : memref<320000xi32, #tpu.memory_space<hbm>> -> memref<400xi32, #tpu.memory_space<hbm>>
      %dma_start3A_53 = tpu.memref_slice %arg3[%add3A_47] : memref<320000xi32, #tpu.memory_space<hbm>> -> memref<400xi32, #tpu.memory_space<hbm>>
      tpu.enqueue_dma source(%dma_start3A_53 : memref<400xi32, #tpu.memory_space<hbm>>) target(%arg9 : memref<400xi32, #tpu.memory_space<vmem>>) target_semaphore(%arg12 : memref<!tpu.dma_semaphore, #tpu.memory_space<semaphore_mem>>)
      "tpu.region"() ({
        %run_scoped3A = tpu.sem_alloc : memref<!tpu.dma_semaphore, #tpu.memory_space<semaphore_mem>>
        %dma_start3A_76 = arith.constant 0 : i32
        %dma_start3A_77 = arith.constant 0 : i32
        %dma_start3A_78 = tpu.memref_slice %arg10[%dma_start3A_76, %dma_start3A_77] : memref<1024x128xf32, #tpu.memory_space<vmem_shared>> -> memref<1024x128xf32, #tpu.memory_space<vmem_shared>>
        tpu.enqueue_indirect_dma source(%arg6 : memref<400x128xf32, #tpu.memory_space<vmem>>) target(%dma_start3A_78 : memref<1024x128xf32, #tpu.memory_space<vmem_shared>>) offsets(%arg8 : memref<400xi32, #tpu.memory_space<vmem>>) semaphore(%run_scoped3A : memref<!tpu.dma_semaphore, #tpu.memory_space<semaphore_mem>>) {add = true}
        %dma_wait3A_79 = arith.constant 0 : i32
        %dma_wait3A_80 = arith.constant 0 : i32
        %dma_wait3A_81 = tpu.memref_slice %arg10[%dma_wait3A_79, %dma_wait3A_80] : memref<1024x128xf32, #tpu.memory_space<vmem_shared>> -> memref<1024x128xf32, #tpu.memory_space<vmem_shared>>
        tpu.wait_indirect_dma semaphore(%run_scoped3A : memref<!tpu.dma_semaphore, #tpu.memory_space<semaphore_mem>>) src(%arg6 : memref<400x128xf32, #tpu.memory_space<vmem>>) dst(%dma_wait3A_81 : memref<1024x128xf32, #tpu.memory_space<vmem_shared>>)
        tpu.yield
      }) : () -> ()
      %add3A_54 = arith.constant 1 : i32
      %add3A_55 = arith.addi %mul3A_33, %add3A_54 : i32
      %mul3A_56 = arith.constant 400 : i32
      %mul3A_57 = arith.muli %add3A_55, %mul3A_56 : i32
      %add3A_58 = arith.addi %mul3A_2, %mul3A_57 : i32
      %dma_wait3A_59 = arith.constant 0 : i32
      %dma_wait3A_60 = tpu.memref_slice %arg2[%add3A_58, %dma_wait3A_59] : memref<320000x128xf32, #tpu.memory_space<hbm>> -> memref<400x128xf32, #tpu.memory_space<hbm>>
      %dma_wait3A_61 = arith.constant 0 : i32
      %dma_wait3A_62 = tpu.memref_slice %arg2[%add3A_58, %dma_wait3A_61] : memref<320000x128xf32, #tpu.memory_space<hbm>> -> memref<400x128xf32, #tpu.memory_space<hbm>>
      tpu.wait_dma2 semaphore(%arg12 : memref<!tpu.dma_semaphore, #tpu.memory_space<semaphore_mem>>) src(%dma_wait3A_62 : memref<400x128xf32, #tpu.memory_space<hbm>>) dst(%arg7 : memref<400x128xf32, #tpu.memory_space<vmem>>)
      %dma_wait3A_63 = tpu.memref_slice %arg3[%add3A_58] : memref<320000xi32, #tpu.memory_space<hbm>> -> memref<400xi32, #tpu.memory_space<hbm>>
      %dma_wait3A_64 = tpu.memref_slice %arg3[%add3A_58] : memref<320000xi32, #tpu.memory_space<hbm>> -> memref<400xi32, #tpu.memory_space<hbm>>
      tpu.wait_dma2 semaphore(%arg12 : memref<!tpu.dma_semaphore, #tpu.memory_space<semaphore_mem>>) src(%dma_wait3A_64 : memref<400xi32, #tpu.memory_space<hbm>>) dst(%arg9 : memref<400xi32, #tpu.memory_space<vmem>>)
      %add3A_65 = arith.constant 2 : i32
      %add3A_66 = arith.addi %mul3A_33, %add3A_65 : i32
      %mul3A_67 = arith.constant 400 : i32
      %mul3A_68 = arith.muli %add3A_66, %mul3A_67 : i32
      %add3A_69 = arith.addi %mul3A_2, %mul3A_68 : i32
      %dma_start3A_70 = arith.constant 0 : i32
      %dma_start3A_71 = tpu.memref_slice %arg2[%add3A_69, %dma_start3A_70] : memref<320000x128xf32, #tpu.memory_space<hbm>> -> memref<400x128xf32, #tpu.memory_space<hbm>>
      %dma_start3A_72 = arith.constant 0 : i32
      %dma_start3A_73 = tpu.memref_slice %arg2[%add3A_69, %dma_start3A_72] : memref<320000x128xf32, #tpu.memory_space<hbm>> -> memref<400x128xf32, #tpu.memory_space<hbm>>
      tpu.enqueue_dma source(%dma_start3A_73 : memref<400x128xf32, #tpu.memory_space<hbm>>) target(%arg6 : memref<400x128xf32, #tpu.memory_space<vmem>>) target_semaphore(%arg11 : memref<!tpu.dma_semaphore, #tpu.memory_space<semaphore_mem>>)
      %dma_start3A_74 = tpu.memref_slice %arg3[%add3A_69] : memref<320000xi32, #tpu.memory_space<hbm>> -> memref<400xi32, #tpu.memory_space<hbm>>
      %dma_start3A_75 = tpu.memref_slice %arg3[%add3A_69] : memref<320000xi32, #tpu.memory_space<hbm>> -> memref<400xi32, #tpu.memory_space<hbm>>
      tpu.enqueue_dma source(%dma_start3A_75 : memref<400xi32, #tpu.memory_space<hbm>>) target(%arg8 : memref<400xi32, #tpu.memory_space<vmem>>) target_semaphore(%arg11 : memref<!tpu.dma_semaphore, #tpu.memory_space<semaphore_mem>>)
      "tpu.region"() ({
        %run_scoped3A = tpu.sem_alloc : memref<!tpu.dma_semaphore, #tpu.memory_space<semaphore_mem>>
        %dma_start3A_76 = arith.constant 0 : i32
        %dma_start3A_77 = arith.constant 0 : i32
        %dma_start3A_78 = tpu.memref_slice %arg10[%dma_start3A_76, %dma_start3A_77] : memref<1024x128xf32, #tpu.memory_space<vmem_shared>> -> memref<1024x128xf32, #tpu.memory_space<vmem_shared>>
        tpu.enqueue_indirect_dma source(%arg7 : memref<400x128xf32, #tpu.memory_space<vmem>>) target(%dma_start3A_78 : memref<1024x128xf32, #tpu.memory_space<vmem_shared>>) offsets(%arg9 : memref<400xi32, #tpu.memory_space<vmem>>) semaphore(%run_scoped3A : memref<!tpu.dma_semaphore, #tpu.memory_space<semaphore_mem>>) {add = true}
        %dma_wait3A_79 = arith.constant 0 : i32
        %dma_wait3A_80 = arith.constant 0 : i32
        %dma_wait3A_81 = tpu.memref_slice %arg10[%dma_wait3A_79, %dma_wait3A_80] : memref<1024x128xf32, #tpu.memory_space<vmem_shared>> -> memref<1024x128xf32, #tpu.memory_space<vmem_shared>>
        tpu.wait_indirect_dma semaphore(%run_scoped3A : memref<!tpu.dma_semaphore, #tpu.memory_space<semaphore_mem>>) src(%arg7 : memref<400x128xf32, #tpu.memory_space<vmem>>) dst(%dma_wait3A_81 : memref<1024x128xf32, #tpu.memory_space<vmem_shared>>)
        tpu.yield
      }) : () -> ()
    }
    %scan3A_18 = arith.constant 12 : i32
    %add3A_19 = arith.constant 9600 : i32
    %add3A_20 = arith.addi %mul3A_2, %add3A_19 : i32
    %dma_wait3A = arith.constant 0 : i32
    %dma_wait3A_21 = tpu.memref_slice %arg2[%add3A_20, %dma_wait3A] : memref<320000x128xf32, #tpu.memory_space<hbm>> -> memref<400x128xf32, #tpu.memory_space<hbm>>
    %dma_wait3A_22 = arith.constant 0 : i32
    %dma_wait3A_23 = tpu.memref_slice %arg2[%add3A_20, %dma_wait3A_22] : memref<320000x128xf32, #tpu.memory_space<hbm>> -> memref<400x128xf32, #tpu.memory_space<hbm>>
    tpu.wait_dma2 semaphore(%arg11 : memref<!tpu.dma_semaphore, #tpu.memory_space<semaphore_mem>>) src(%dma_wait3A_23 : memref<400x128xf32, #tpu.memory_space<hbm>>) dst(%arg6 : memref<400x128xf32, #tpu.memory_space<vmem>>)
    %dma_wait3A_24 = tpu.memref_slice %arg3[%add3A_20] : memref<320000xi32, #tpu.memory_space<hbm>> -> memref<400xi32, #tpu.memory_space<hbm>>
    %dma_wait3A_25 = tpu.memref_slice %arg3[%add3A_20] : memref<320000xi32, #tpu.memory_space<hbm>> -> memref<400xi32, #tpu.memory_space<hbm>>
    tpu.wait_dma2 semaphore(%arg11 : memref<!tpu.dma_semaphore, #tpu.memory_space<semaphore_mem>>) src(%dma_wait3A_25 : memref<400xi32, #tpu.memory_space<hbm>>) dst(%arg8 : memref<400xi32, #tpu.memory_space<vmem>>)
    "tpu.region"() ({
      %run_scoped3A = tpu.sem_alloc : memref<!tpu.dma_semaphore, #tpu.memory_space<semaphore_mem>>
      %dma_start3A_31 = arith.constant 0 : i32
      %dma_start3A_32 = arith.constant 0 : i32
      %dma_start3A_33 = tpu.memref_slice %arg10[%dma_start3A_31, %dma_start3A_32] : memref<1024x128xf32, #tpu.memory_space<vmem_shared>> -> memref<1024x128xf32, #tpu.memory_space<vmem_shared>>
      tpu.enqueue_indirect_dma source(%arg6 : memref<400x128xf32, #tpu.memory_space<vmem>>) target(%dma_start3A_33 : memref<1024x128xf32, #tpu.memory_space<vmem_shared>>) offsets(%arg8 : memref<400xi32, #tpu.memory_space<vmem>>) semaphore(%run_scoped3A : memref<!tpu.dma_semaphore, #tpu.memory_space<semaphore_mem>>) {add = true}
      %dma_wait3A_34 = arith.constant 0 : i32
      %dma_wait3A_35 = arith.constant 0 : i32
      %dma_wait3A_36 = tpu.memref_slice %arg10[%dma_wait3A_34, %dma_wait3A_35] : memref<1024x128xf32, #tpu.memory_space<vmem_shared>> -> memref<1024x128xf32, #tpu.memory_space<vmem_shared>>
      tpu.wait_indirect_dma semaphore(%run_scoped3A : memref<!tpu.dma_semaphore, #tpu.memory_space<semaphore_mem>>) src(%arg6 : memref<400x128xf32, #tpu.memory_space<vmem>>) dst(%dma_wait3A_36 : memref<1024x128xf32, #tpu.memory_space<vmem_shared>>)
      tpu.yield
    }) : () -> ()
    %barrier3A_26 = arith.constant 0 : index
    tpu.barrier barrier_id(%barrier3A_26)
    %mul3A_27 = arith.constant 64 : i32
    %mul3A_28 = arith.muli %arg1, %mul3A_27 : i32
    %mul3A_29 = arith.constant 64 : i32
    %mul3A_30 = arith.muli %arg1, %mul3A_29 : i32
    "tpu.region"() ({
      %run_scoped3A = tpu.sem_alloc : memref<!tpu.dma_semaphore, #tpu.memory_space<semaphore_mem>>
      %dma_start3A_31 = arith.constant 0 : i32
      %dma_start3A_32 = tpu.memref_slice %arg5[%arg0, %mul3A_30, %dma_start3A_31] : memref<2x1024x128xf32, #tpu.memory_space<hbm>> -> memref<1x64x128xf32, #tpu.memory_space<hbm>>
      %dma_start3A_33 = tpu.memref_squeeze %dma_start3A_32 : memref<1x64x128xf32, #tpu.memory_space<hbm>> -> memref<64x128xf32, #tpu.memory_space<hbm>>
      %dma_start3A_34 = arith.constant 0 : i32
      %dma_start3A_35 = tpu.memref_slice %arg10[%mul3A_28, %dma_start3A_34] : memref<1024x128xf32, #tpu.memory_space<vmem_shared>> -> memref<64x128xf32, #tpu.memory_space<vmem_shared>>
      tpu.enqueue_dma source(%dma_start3A_35 : memref<64x128xf32, #tpu.memory_space<vmem_shared>>) target(%dma_start3A_33 : memref<64x128xf32, #tpu.memory_space<hbm>>) target_semaphore(%run_scoped3A : memref<!tpu.dma_semaphore, #tpu.memory_space<semaphore_mem>>)
      %dma_wait3A_36 = arith.constant 0 : i32
      %dma_wait3A_37 = tpu.memref_slice %arg5[%arg0, %mul3A_30, %dma_wait3A_36] : memref<2x1024x128xf32, #tpu.memory_space<hbm>> -> memref<1x64x128xf32, #tpu.memory_space<hbm>>
      %dma_wait3A_38 = tpu.memref_squeeze %dma_wait3A_37 : memref<1x64x128xf32, #tpu.memory_space<hbm>> -> memref<64x128xf32, #tpu.memory_space<hbm>>
      %dma_wait3A_39 = arith.constant 0 : i32
      %dma_wait3A_40 = tpu.memref_slice %arg10[%mul3A_28, %dma_wait3A_39] : memref<1024x128xf32, #tpu.memory_space<vmem_shared>> -> memref<64x128xf32, #tpu.memory_space<vmem_shared>>
      tpu.wait_dma2 semaphore(%run_scoped3A : memref<!tpu.dma_semaphore, #tpu.memory_space<semaphore_mem>>) src(%dma_wait3A_40 : memref<64x128xf32, #tpu.memory_space<vmem_shared>>) dst(%dma_wait3A_38 : memref<64x128xf32, #tpu.memory_space<hbm>>)
      tpu.yield
    }) : () -> ()
    return
  }
}

module attributes {stable_mosaic.version = 14 : i64} {
  func.func @_hist_body(%arg0: i32, %arg1: memref<1x128x128xi32, #tpu.memory_space<vmem>>, %arg2: memref<32x32xf32, #tpu.memory_space<vmem>>) attributes {dimension_semantics = [#tpu.dimension_semantics<arbitrary>], iteration_bounds = array<i64: 20>, scalar_prefetch = 0 : i64, scratch_operands = 0 : i64, tpu.core_type = #tpu.core_type<tc>, window_params = [{transform_indices = @transform_0, window_bounds = array<i64: 1, 128, 128>}, {pipeline_mode = #tpu.pipeline_mode<synchronous>, transform_indices = @transform_1, window_bounds = array<i64: 32, 32>}]} {
    %get3A = arith.constant 0 : index
    %get3A_0 = arith.constant 0 : index
    %get3A_1 = arith.constant 0 : index
    %get3A_2 = vector.load %arg1[%get3A, %get3A_0, %get3A_1] : memref<1x128x128xi32, #tpu.memory_space<vmem>>, vector<1x128x128xi32>
    %get3A_3 = vector.shape_cast %get3A_2 : vector<1x128x128xi32> to vector<128x128xi32>
    %shift_right_arithmetic3A = arith.constant 5 : i32
    %shift_right_arithmetic3A_4 = vector.broadcast %shift_right_arithmetic3A : i32 to vector<128x128xi32>
    %shift_right_arithmetic3A_5 = arith.shrsi %get3A_3, %shift_right_arithmetic3A_4 : vector<128x128xi32>
    %and3A = arith.constant 31 : i32
    %and3A_6 = vector.broadcast %and3A : i32 to vector<128x128xi32>
    %and3A_7 = arith.andi %get3A_3, %and3A_6 : vector<128x128xi32>
    %iota3A = tpu.iota {dimensions = array<i32: 0>} : vector<32x128xi32>
    %broadcast_in_dim3A = arith.constant 0.000000e+00 : f32
    %broadcast_in_dim3A_8 = vector.broadcast %broadcast_in_dim3A : f32 to vector<32x32xf32>
    %slice3A = vector.extract_strided_slice %shift_right_arithmetic3A_5 {offsets = [0, 0], sizes = [1, 128], strides = [1, 1]} : vector<128x128xi32> to vector<1x128xi32>
    %eq3A = vector.broadcast %slice3A : vector<1x128xi32> to vector<32x128xi32>
    %eq3A_9 = arith.cmpi eq, %iota3A, %eq3A : vector<32x128xi32>
    %convert_element_type3A = arith.extui %eq3A_9 : vector<32x128xi1> to vector<32x128xi32>
    %convert_element_type3A_10 = arith.sitofp %convert_element_type3A : vector<32x128xi32> to vector<32x128xf32>
    %slice3A_11 = vector.extract_strided_slice %and3A_7 {offsets = [0, 0], sizes = [1, 128], strides = [1, 1]} : vector<128x128xi32> to vector<1x128xi32>
    %eq3A_12 = vector.broadcast %slice3A_11 : vector<1x128xi32> to vector<32x128xi32>
    %eq3A_13 = arith.cmpi eq, %iota3A, %eq3A_12 : vector<32x128xi32>
    %convert_element_type3A_14 = arith.extui %eq3A_13 : vector<32x128xi1> to vector<32x128xi32>
    %convert_element_type3A_15 = arith.sitofp %convert_element_type3A_14 : vector<32x128xi32> to vector<32x128xf32>
    %transpose3A = tpu.transpose %convert_element_type3A_15, [1, 0] : vector<32x128xf32> -> vector<128x32xf32>
    %dot_general3A = arith.constant dense<0.000000e+00> : vector<32x32xf32>
    %dot_general3A_16 = tpu.matmul %convert_element_type3A_10, %transpose3A, %dot_general3A {dimension_numbers = #tpu.dot_dimension_numbers<[1], [0], [0], [1], [0, 0, 1, 1], [], []>, transpose_lhs_hint = false} : vector<32x128xf32>, vector<128x32xf32>, vector<32x32xf32> -> vector<32x32xf32>
    %add3A = arith.addf %broadcast_in_dim3A_8, %dot_general3A_16 : vector<32x32xf32>
    %slice3A_17 = vector.extract_strided_slice %shift_right_arithmetic3A_5 {offsets = [1, 0], sizes = [1, 128], strides = [1, 1]} : vector<128x128xi32> to vector<1x128xi32>
    %eq3A_18 = vector.broadcast %slice3A_17 : vector<1x128xi32> to vector<32x128xi32>
    %eq3A_19 = arith.cmpi eq, %iota3A, %eq3A_18 : vector<32x128xi32>
    %convert_element_type3A_20 = arith.extui %eq3A_19 : vector<32x128xi1> to vector<32x128xi32>
    %convert_element_type3A_21 = arith.sitofp %convert_element_type3A_20 : vector<32x128xi32> to vector<32x128xf32>
    %slice3A_22 = vector.extract_strided_slice %and3A_7 {offsets = [1, 0], sizes = [1, 128], strides = [1, 1]} : vector<128x128xi32> to vector<1x128xi32>
    %eq3A_23 = vector.broadcast %slice3A_22 : vector<1x128xi32> to vector<32x128xi32>
    %eq3A_24 = arith.cmpi eq, %iota3A, %eq3A_23 : vector<32x128xi32>
    %convert_element_type3A_25 = arith.extui %eq3A_24 : vector<32x128xi1> to vector<32x128xi32>
    %convert_element_type3A_26 = arith.sitofp %convert_element_type3A_25 : vector<32x128xi32> to vector<32x128xf32>
    %transpose3A_27 = tpu.transpose %convert_element_type3A_26, [1, 0] : vector<32x128xf32> -> vector<128x32xf32>
    %dot_general3A_28 = arith.constant dense<0.000000e+00> : vector<32x32xf32>
    %dot_general3A_29 = tpu.matmul %convert_element_type3A_21, %transpose3A_27, %dot_general3A_28 {dimension_numbers = #tpu.dot_dimension_numbers<[1], [0], [0], [1], [0, 0, 1, 1], [], []>, transpose_lhs_hint = false} : vector<32x128xf32>, vector<128x32xf32>, vector<32x32xf32> -> vector<32x32xf32>
    %add3A_30 = arith.addf %add3A, %dot_general3A_29 : vector<32x32xf32>
    %slice3A_31 = vector.extract_strided_slice %shift_right_arithmetic3A_5 {offsets = [2, 0], sizes = [1, 128], strides = [1, 1]} : vector<128x128xi32> to vector<1x128xi32>
    %eq3A_32 = vector.broadcast %slice3A_31 : vector<1x128xi32> to vector<32x128xi32>
    %eq3A_33 = arith.cmpi eq, %iota3A, %eq3A_32 : vector<32x128xi32>
    %convert_element_type3A_34 = arith.extui %eq3A_33 : vector<32x128xi1> to vector<32x128xi32>
    %convert_element_type3A_35 = arith.sitofp %convert_element_type3A_34 : vector<32x128xi32> to vector<32x128xf32>
    %slice3A_36 = vector.extract_strided_slice %and3A_7 {offsets = [2, 0], sizes = [1, 128], strides = [1, 1]} : vector<128x128xi32> to vector<1x128xi32>
    %eq3A_37 = vector.broadcast %slice3A_36 : vector<1x128xi32> to vector<32x128xi32>
    %eq3A_38 = arith.cmpi eq, %iota3A, %eq3A_37 : vector<32x128xi32>
    %convert_element_type3A_39 = arith.extui %eq3A_38 : vector<32x128xi1> to vector<32x128xi32>
    %convert_element_type3A_40 = arith.sitofp %convert_element_type3A_39 : vector<32x128xi32> to vector<32x128xf32>
    %transpose3A_41 = tpu.transpose %convert_element_type3A_40, [1, 0] : vector<32x128xf32> -> vector<128x32xf32>
    %dot_general3A_42 = arith.constant dense<0.000000e+00> : vector<32x32xf32>
    %dot_general3A_43 = tpu.matmul %convert_element_type3A_35, %transpose3A_41, %dot_general3A_42 {dimension_numbers = #tpu.dot_dimension_numbers<[1], [0], [0], [1], [0, 0, 1, 1], [], []>, transpose_lhs_hint = false} : vector<32x128xf32>, vector<128x32xf32>, vector<32x32xf32> -> vector<32x32xf32>
    %add3A_44 = arith.addf %add3A_30, %dot_general3A_43 : vector<32x32xf32>
    %slice3A_45 = vector.extract_strided_slice %shift_right_arithmetic3A_5 {offsets = [3, 0], sizes = [1, 128], strides = [1, 1]} : vector<128x128xi32> to vector<1x128xi32>
    %eq3A_46 = vector.broadcast %slice3A_45 : vector<1x128xi32> to vector<32x128xi32>
    %eq3A_47 = arith.cmpi eq, %iota3A, %eq3A_46 : vector<32x128xi32>
    %convert_element_type3A_48 = arith.extui %eq3A_47 : vector<32x128xi1> to vector<32x128xi32>
    %convert_element_type3A_49 = arith.sitofp %convert_element_type3A_48 : vector<32x128xi32> to vector<32x128xf32>
    %slice3A_50 = vector.extract_strided_slice %and3A_7 {offsets = [3, 0], sizes = [1, 128], strides = [1, 1]} : vector<128x128xi32> to vector<1x128xi32>
    %eq3A_51 = vector.broadcast %slice3A_50 : vector<1x128xi32> to vector<32x128xi32>
    %eq3A_52 = arith.cmpi eq, %iota3A, %eq3A_51 : vector<32x128xi32>
    %convert_element_type3A_53 = arith.extui %eq3A_52 : vector<32x128xi1> to vector<32x128xi32>
    %convert_element_type3A_54 = arith.sitofp %convert_element_type3A_53 : vector<32x128xi32> to vector<32x128xf32>
    %transpose3A_55 = tpu.transpose %convert_element_type3A_54, [1, 0] : vector<32x128xf32> -> vector<128x32xf32>
    %dot_general3A_56 = arith.constant dense<0.000000e+00> : vector<32x32xf32>
    %dot_general3A_57 = tpu.matmul %convert_element_type3A_49, %transpose3A_55, %dot_general3A_56 {dimension_numbers = #tpu.dot_dimension_numbers<[1], [0], [0], [1], [0, 0, 1, 1], [], []>, transpose_lhs_hint = false} : vector<32x128xf32>, vector<128x32xf32>, vector<32x32xf32> -> vector<32x32xf32>
    %add3A_58 = arith.addf %add3A_44, %dot_general3A_57 : vector<32x32xf32>
    %slice3A_59 = vector.extract_strided_slice %shift_right_arithmetic3A_5 {offsets = [4, 0], sizes = [1, 128], strides = [1, 1]} : vector<128x128xi32> to vector<1x128xi32>
    %eq3A_60 = vector.broadcast %slice3A_59 : vector<1x128xi32> to vector<32x128xi32>
    %eq3A_61 = arith.cmpi eq, %iota3A, %eq3A_60 : vector<32x128xi32>
    %convert_element_type3A_62 = arith.extui %eq3A_61 : vector<32x128xi1> to vector<32x128xi32>
    %convert_element_type3A_63 = arith.sitofp %convert_element_type3A_62 : vector<32x128xi32> to vector<32x128xf32>
    %slice3A_64 = vector.extract_strided_slice %and3A_7 {offsets = [4, 0], sizes = [1, 128], strides = [1, 1]} : vector<128x128xi32> to vector<1x128xi32>
    %eq3A_65 = vector.broadcast %slice3A_64 : vector<1x128xi32> to vector<32x128xi32>
    %eq3A_66 = arith.cmpi eq, %iota3A, %eq3A_65 : vector<32x128xi32>
    %convert_element_type3A_67 = arith.extui %eq3A_66 : vector<32x128xi1> to vector<32x128xi32>
    %convert_element_type3A_68 = arith.sitofp %convert_element_type3A_67 : vector<32x128xi32> to vector<32x128xf32>
    %transpose3A_69 = tpu.transpose %convert_element_type3A_68, [1, 0] : vector<32x128xf32> -> vector<128x32xf32>
    %dot_general3A_70 = arith.constant dense<0.000000e+00> : vector<32x32xf32>
    %dot_general3A_71 = tpu.matmul %convert_element_type3A_63, %transpose3A_69, %dot_general3A_70 {dimension_numbers = #tpu.dot_dimension_numbers<[1], [0], [0], [1], [0, 0, 1, 1], [], []>, transpose_lhs_hint = false} : vector<32x128xf32>, vector<128x32xf32>, vector<32x32xf32> -> vector<32x32xf32>
    %add3A_72 = arith.addf %add3A_58, %dot_general3A_71 : vector<32x32xf32>
    %slice3A_73 = vector.extract_strided_slice %shift_right_arithmetic3A_5 {offsets = [5, 0], sizes = [1, 128], strides = [1, 1]} : vector<128x128xi32> to vector<1x128xi32>
    %eq3A_74 = vector.broadcast %slice3A_73 : vector<1x128xi32> to vector<32x128xi32>
    %eq3A_75 = arith.cmpi eq, %iota3A, %eq3A_74 : vector<32x128xi32>
    %convert_element_type3A_76 = arith.extui %eq3A_75 : vector<32x128xi1> to vector<32x128xi32>
    %convert_element_type3A_77 = arith.sitofp %convert_element_type3A_76 : vector<32x128xi32> to vector<32x128xf32>
    %slice3A_78 = vector.extract_strided_slice %and3A_7 {offsets = [5, 0], sizes = [1, 128], strides = [1, 1]} : vector<128x128xi32> to vector<1x128xi32>
    %eq3A_79 = vector.broadcast %slice3A_78 : vector<1x128xi32> to vector<32x128xi32>
    %eq3A_80 = arith.cmpi eq, %iota3A, %eq3A_79 : vector<32x128xi32>
    %convert_element_type3A_81 = arith.extui %eq3A_80 : vector<32x128xi1> to vector<32x128xi32>
    %convert_element_type3A_82 = arith.sitofp %convert_element_type3A_81 : vector<32x128xi32> to vector<32x128xf32>
    %transpose3A_83 = tpu.transpose %convert_element_type3A_82, [1, 0] : vector<32x128xf32> -> vector<128x32xf32>
    %dot_general3A_84 = arith.constant dense<0.000000e+00> : vector<32x32xf32>
    %dot_general3A_85 = tpu.matmul %convert_element_type3A_77, %transpose3A_83, %dot_general3A_84 {dimension_numbers = #tpu.dot_dimension_numbers<[1], [0], [0], [1], [0, 0, 1, 1], [], []>, transpose_lhs_hint = false} : vector<32x128xf32>, vector<128x32xf32>, vector<32x32xf32> -> vector<32x32xf32>
    %add3A_86 = arith.addf %add3A_72, %dot_general3A_85 : vector<32x32xf32>
    %slice3A_87 = vector.extract_strided_slice %shift_right_arithmetic3A_5 {offsets = [6, 0], sizes = [1, 128], strides = [1, 1]} : vector<128x128xi32> to vector<1x128xi32>
    %eq3A_88 = vector.broadcast %slice3A_87 : vector<1x128xi32> to vector<32x128xi32>
    %eq3A_89 = arith.cmpi eq, %iota3A, %eq3A_88 : vector<32x128xi32>
    %convert_element_type3A_90 = arith.extui %eq3A_89 : vector<32x128xi1> to vector<32x128xi32>
    %convert_element_type3A_91 = arith.sitofp %convert_element_type3A_90 : vector<32x128xi32> to vector<32x128xf32>
    %slice3A_92 = vector.extract_strided_slice %and3A_7 {offsets = [6, 0], sizes = [1, 128], strides = [1, 1]} : vector<128x128xi32> to vector<1x128xi32>
    %eq3A_93 = vector.broadcast %slice3A_92 : vector<1x128xi32> to vector<32x128xi32>
    %eq3A_94 = arith.cmpi eq, %iota3A, %eq3A_93 : vector<32x128xi32>
    %convert_element_type3A_95 = arith.extui %eq3A_94 : vector<32x128xi1> to vector<32x128xi32>
    %convert_element_type3A_96 = arith.sitofp %convert_element_type3A_95 : vector<32x128xi32> to vector<32x128xf32>
    %transpose3A_97 = tpu.transpose %convert_element_type3A_96, [1, 0] : vector<32x128xf32> -> vector<128x32xf32>
    %dot_general3A_98 = arith.constant dense<0.000000e+00> : vector<32x32xf32>
    %dot_general3A_99 = tpu.matmul %convert_element_type3A_91, %transpose3A_97, %dot_general3A_98 {dimension_numbers = #tpu.dot_dimension_numbers<[1], [0], [0], [1], [0, 0, 1, 1], [], []>, transpose_lhs_hint = false} : vector<32x128xf32>, vector<128x32xf32>, vector<32x32xf32> -> vector<32x32xf32>
    %add3A_100 = arith.addf %add3A_86, %dot_general3A_99 : vector<32x32xf32>
    %slice3A_101 = vector.extract_strided_slice %shift_right_arithmetic3A_5 {offsets = [7, 0], sizes = [1, 128], strides = [1, 1]} : vector<128x128xi32> to vector<1x128xi32>
    %eq3A_102 = vector.broadcast %slice3A_101 : vector<1x128xi32> to vector<32x128xi32>
    %eq3A_103 = arith.cmpi eq, %iota3A, %eq3A_102 : vector<32x128xi32>
    %convert_element_type3A_104 = arith.extui %eq3A_103 : vector<32x128xi1> to vector<32x128xi32>
    %convert_element_type3A_105 = arith.sitofp %convert_element_type3A_104 : vector<32x128xi32> to vector<32x128xf32>
    %slice3A_106 = vector.extract_strided_slice %and3A_7 {offsets = [7, 0], sizes = [1, 128], strides = [1, 1]} : vector<128x128xi32> to vector<1x128xi32>
    %eq3A_107 = vector.broadcast %slice3A_106 : vector<1x128xi32> to vector<32x128xi32>
    %eq3A_108 = arith.cmpi eq, %iota3A, %eq3A_107 : vector<32x128xi32>
    %convert_element_type3A_109 = arith.extui %eq3A_108 : vector<32x128xi1> to vector<32x128xi32>
    %convert_element_type3A_110 = arith.sitofp %convert_element_type3A_109 : vector<32x128xi32> to vector<32x128xf32>
    %transpose3A_111 = tpu.transpose %convert_element_type3A_110, [1, 0] : vector<32x128xf32> -> vector<128x32xf32>
    %dot_general3A_112 = arith.constant dense<0.000000e+00> : vector<32x32xf32>
    %dot_general3A_113 = tpu.matmul %convert_element_type3A_105, %transpose3A_111, %dot_general3A_112 {dimension_numbers = #tpu.dot_dimension_numbers<[1], [0], [0], [1], [0, 0, 1, 1], [], []>, transpose_lhs_hint = false} : vector<32x128xf32>, vector<128x32xf32>, vector<32x32xf32> -> vector<32x32xf32>
    %add3A_114 = arith.addf %add3A_100, %dot_general3A_113 : vector<32x32xf32>
    %slice3A_115 = vector.extract_strided_slice %shift_right_arithmetic3A_5 {offsets = [8, 0], sizes = [1, 128], strides = [1, 1]} : vector<128x128xi32> to vector<1x128xi32>
    %eq3A_116 = vector.broadcast %slice3A_115 : vector<1x128xi32> to vector<32x128xi32>
    %eq3A_117 = arith.cmpi eq, %iota3A, %eq3A_116 : vector<32x128xi32>
    %convert_element_type3A_118 = arith.extui %eq3A_117 : vector<32x128xi1> to vector<32x128xi32>
    %convert_element_type3A_119 = arith.sitofp %convert_element_type3A_118 : vector<32x128xi32> to vector<32x128xf32>
    %slice3A_120 = vector.extract_strided_slice %and3A_7 {offsets = [8, 0], sizes = [1, 128], strides = [1, 1]} : vector<128x128xi32> to vector<1x128xi32>
    %eq3A_121 = vector.broadcast %slice3A_120 : vector<1x128xi32> to vector<32x128xi32>
    %eq3A_122 = arith.cmpi eq, %iota3A, %eq3A_121 : vector<32x128xi32>
    %convert_element_type3A_123 = arith.extui %eq3A_122 : vector<32x128xi1> to vector<32x128xi32>
    %convert_element_type3A_124 = arith.sitofp %convert_element_type3A_123 : vector<32x128xi32> to vector<32x128xf32>
    %transpose3A_125 = tpu.transpose %convert_element_type3A_124, [1, 0] : vector<32x128xf32> -> vector<128x32xf32>
    %dot_general3A_126 = arith.constant dense<0.000000e+00> : vector<32x32xf32>
    %dot_general3A_127 = tpu.matmul %convert_element_type3A_119, %transpose3A_125, %dot_general3A_126 {dimension_numbers = #tpu.dot_dimension_numbers<[1], [0], [0], [1], [0, 0, 1, 1], [], []>, transpose_lhs_hint = false} : vector<32x128xf32>, vector<128x32xf32>, vector<32x32xf32> -> vector<32x32xf32>
    %add3A_128 = arith.addf %add3A_114, %dot_general3A_127 : vector<32x32xf32>
    %slice3A_129 = vector.extract_strided_slice %shift_right_arithmetic3A_5 {offsets = [9, 0], sizes = [1, 128], strides = [1, 1]} : vector<128x128xi32> to vector<1x128xi32>
    %eq3A_130 = vector.broadcast %slice3A_129 : vector<1x128xi32> to vector<32x128xi32>
    %eq3A_131 = arith.cmpi eq, %iota3A, %eq3A_130 : vector<32x128xi32>
    %convert_element_type3A_132 = arith.extui %eq3A_131 : vector<32x128xi1> to vector<32x128xi32>
    %convert_element_type3A_133 = arith.sitofp %convert_element_type3A_132 : vector<32x128xi32> to vector<32x128xf32>
    %slice3A_134 = vector.extract_strided_slice %and3A_7 {offsets = [9, 0], sizes = [1, 128], strides = [1, 1]} : vector<128x128xi32> to vector<1x128xi32>
    %eq3A_135 = vector.broadcast %slice3A_134 : vector<1x128xi32> to vector<32x128xi32>
    %eq3A_136 = arith.cmpi eq, %iota3A, %eq3A_135 : vector<32x128xi32>
    %convert_element_type3A_137 = arith.extui %eq3A_136 : vector<32x128xi1> to vector<32x128xi32>
    %convert_element_type3A_138 = arith.sitofp %convert_element_type3A_137 : vector<32x128xi32> to vector<32x128xf32>
    %transpose3A_139 = tpu.transpose %convert_element_type3A_138, [1, 0] : vector<32x128xf32> -> vector<128x32xf32>
    %dot_general3A_140 = arith.constant dense<0.000000e+00> : vector<32x32xf32>
    %dot_general3A_141 = tpu.matmul %convert_element_type3A_133, %transpose3A_139, %dot_general3A_140 {dimension_numbers = #tpu.dot_dimension_numbers<[1], [0], [0], [1], [0, 0, 1, 1], [], []>, transpose_lhs_hint = false} : vector<32x128xf32>, vector<128x32xf32>, vector<32x32xf32> -> vector<32x32xf32>
    %add3A_142 = arith.addf %add3A_128, %dot_general3A_141 : vector<32x32xf32>
    %slice3A_143 = vector.extract_strided_slice %shift_right_arithmetic3A_5 {offsets = [10, 0], sizes = [1, 128], strides = [1, 1]} : vector<128x128xi32> to vector<1x128xi32>
    %eq3A_144 = vector.broadcast %slice3A_143 : vector<1x128xi32> to vector<32x128xi32>
    %eq3A_145 = arith.cmpi eq, %iota3A, %eq3A_144 : vector<32x128xi32>
    %convert_element_type3A_146 = arith.extui %eq3A_145 : vector<32x128xi1> to vector<32x128xi32>
    %convert_element_type3A_147 = arith.sitofp %convert_element_type3A_146 : vector<32x128xi32> to vector<32x128xf32>
    %slice3A_148 = vector.extract_strided_slice %and3A_7 {offsets = [10, 0], sizes = [1, 128], strides = [1, 1]} : vector<128x128xi32> to vector<1x128xi32>
    %eq3A_149 = vector.broadcast %slice3A_148 : vector<1x128xi32> to vector<32x128xi32>
    %eq3A_150 = arith.cmpi eq, %iota3A, %eq3A_149 : vector<32x128xi32>
    %convert_element_type3A_151 = arith.extui %eq3A_150 : vector<32x128xi1> to vector<32x128xi32>
    %convert_element_type3A_152 = arith.sitofp %convert_element_type3A_151 : vector<32x128xi32> to vector<32x128xf32>
    %transpose3A_153 = tpu.transpose %convert_element_type3A_152, [1, 0] : vector<32x128xf32> -> vector<128x32xf32>
    %dot_general3A_154 = arith.constant dense<0.000000e+00> : vector<32x32xf32>
    %dot_general3A_155 = tpu.matmul %convert_element_type3A_147, %transpose3A_153, %dot_general3A_154 {dimension_numbers = #tpu.dot_dimension_numbers<[1], [0], [0], [1], [0, 0, 1, 1], [], []>, transpose_lhs_hint = false} : vector<32x128xf32>, vector<128x32xf32>, vector<32x32xf32> -> vector<32x32xf32>
    %add3A_156 = arith.addf %add3A_142, %dot_general3A_155 : vector<32x32xf32>
    %slice3A_157 = vector.extract_strided_slice %shift_right_arithmetic3A_5 {offsets = [11, 0], sizes = [1, 128], strides = [1, 1]} : vector<128x128xi32> to vector<1x128xi32>
    %eq3A_158 = vector.broadcast %slice3A_157 : vector<1x128xi32> to vector<32x128xi32>
    %eq3A_159 = arith.cmpi eq, %iota3A, %eq3A_158 : vector<32x128xi32>
    %convert_element_type3A_160 = arith.extui %eq3A_159 : vector<32x128xi1> to vector<32x128xi32>
    %convert_element_type3A_161 = arith.sitofp %convert_element_type3A_160 : vector<32x128xi32> to vector<32x128xf32>
    %slice3A_162 = vector.extract_strided_slice %and3A_7 {offsets = [11, 0], sizes = [1, 128], strides = [1, 1]} : vector<128x128xi32> to vector<1x128xi32>
    %eq3A_163 = vector.broadcast %slice3A_162 : vector<1x128xi32> to vector<32x128xi32>
    %eq3A_164 = arith.cmpi eq, %iota3A, %eq3A_163 : vector<32x128xi32>
    %convert_element_type3A_165 = arith.extui %eq3A_164 : vector<32x128xi1> to vector<32x128xi32>
    %convert_element_type3A_166 = arith.sitofp %convert_element_type3A_165 : vector<32x128xi32> to vector<32x128xf32>
    %transpose3A_167 = tpu.transpose %convert_element_type3A_166, [1, 0] : vector<32x128xf32> -> vector<128x32xf32>
    %dot_general3A_168 = arith.constant dense<0.000000e+00> : vector<32x32xf32>
    %dot_general3A_169 = tpu.matmul %convert_element_type3A_161, %transpose3A_167, %dot_general3A_168 {dimension_numbers = #tpu.dot_dimension_numbers<[1], [0], [0], [1], [0, 0, 1, 1], [], []>, transpose_lhs_hint = false} : vector<32x128xf32>, vector<128x32xf32>, vector<32x32xf32> -> vector<32x32xf32>
    %add3A_170 = arith.addf %add3A_156, %dot_general3A_169 : vector<32x32xf32>
    %slice3A_171 = vector.extract_strided_slice %shift_right_arithmetic3A_5 {offsets = [12, 0], sizes = [1, 128], strides = [1, 1]} : vector<128x128xi32> to vector<1x128xi32>
    %eq3A_172 = vector.broadcast %slice3A_171 : vector<1x128xi32> to vector<32x128xi32>
    %eq3A_173 = arith.cmpi eq, %iota3A, %eq3A_172 : vector<32x128xi32>
    %convert_element_type3A_174 = arith.extui %eq3A_173 : vector<32x128xi1> to vector<32x128xi32>
    %convert_element_type3A_175 = arith.sitofp %convert_element_type3A_174 : vector<32x128xi32> to vector<32x128xf32>
    %slice3A_176 = vector.extract_strided_slice %and3A_7 {offsets = [12, 0], sizes = [1, 128], strides = [1, 1]} : vector<128x128xi32> to vector<1x128xi32>
    %eq3A_177 = vector.broadcast %slice3A_176 : vector<1x128xi32> to vector<32x128xi32>
    %eq3A_178 = arith.cmpi eq, %iota3A, %eq3A_177 : vector<32x128xi32>
    %convert_element_type3A_179 = arith.extui %eq3A_178 : vector<32x128xi1> to vector<32x128xi32>
    %convert_element_type3A_180 = arith.sitofp %convert_element_type3A_179 : vector<32x128xi32> to vector<32x128xf32>
    %transpose3A_181 = tpu.transpose %convert_element_type3A_180, [1, 0] : vector<32x128xf32> -> vector<128x32xf32>
    %dot_general3A_182 = arith.constant dense<0.000000e+00> : vector<32x32xf32>
    %dot_general3A_183 = tpu.matmul %convert_element_type3A_175, %transpose3A_181, %dot_general3A_182 {dimension_numbers = #tpu.dot_dimension_numbers<[1], [0], [0], [1], [0, 0, 1, 1], [], []>, transpose_lhs_hint = false} : vector<32x128xf32>, vector<128x32xf32>, vector<32x32xf32> -> vector<32x32xf32>
    %add3A_184 = arith.addf %add3A_170, %dot_general3A_183 : vector<32x32xf32>
    %slice3A_185 = vector.extract_strided_slice %shift_right_arithmetic3A_5 {offsets = [13, 0], sizes = [1, 128], strides = [1, 1]} : vector<128x128xi32> to vector<1x128xi32>
    %eq3A_186 = vector.broadcast %slice3A_185 : vector<1x128xi32> to vector<32x128xi32>
    %eq3A_187 = arith.cmpi eq, %iota3A, %eq3A_186 : vector<32x128xi32>
    %convert_element_type3A_188 = arith.extui %eq3A_187 : vector<32x128xi1> to vector<32x128xi32>
    %convert_element_type3A_189 = arith.sitofp %convert_element_type3A_188 : vector<32x128xi32> to vector<32x128xf32>
    %slice3A_190 = vector.extract_strided_slice %and3A_7 {offsets = [13, 0], sizes = [1, 128], strides = [1, 1]} : vector<128x128xi32> to vector<1x128xi32>
    %eq3A_191 = vector.broadcast %slice3A_190 : vector<1x128xi32> to vector<32x128xi32>
    %eq3A_192 = arith.cmpi eq, %iota3A, %eq3A_191 : vector<32x128xi32>
    %convert_element_type3A_193 = arith.extui %eq3A_192 : vector<32x128xi1> to vector<32x128xi32>
    %convert_element_type3A_194 = arith.sitofp %convert_element_type3A_193 : vector<32x128xi32> to vector<32x128xf32>
    %transpose3A_195 = tpu.transpose %convert_element_type3A_194, [1, 0] : vector<32x128xf32> -> vector<128x32xf32>
    %dot_general3A_196 = arith.constant dense<0.000000e+00> : vector<32x32xf32>
    %dot_general3A_197 = tpu.matmul %convert_element_type3A_189, %transpose3A_195, %dot_general3A_196 {dimension_numbers = #tpu.dot_dimension_numbers<[1], [0], [0], [1], [0, 0, 1, 1], [], []>, transpose_lhs_hint = false} : vector<32x128xf32>, vector<128x32xf32>, vector<32x32xf32> -> vector<32x32xf32>
    %add3A_198 = arith.addf %add3A_184, %dot_general3A_197 : vector<32x32xf32>
    %slice3A_199 = vector.extract_strided_slice %shift_right_arithmetic3A_5 {offsets = [14, 0], sizes = [1, 128], strides = [1, 1]} : vector<128x128xi32> to vector<1x128xi32>
    %eq3A_200 = vector.broadcast %slice3A_199 : vector<1x128xi32> to vector<32x128xi32>
    %eq3A_201 = arith.cmpi eq, %iota3A, %eq3A_200 : vector<32x128xi32>
    %convert_element_type3A_202 = arith.extui %eq3A_201 : vector<32x128xi1> to vector<32x128xi32>
    %convert_element_type3A_203 = arith.sitofp %convert_element_type3A_202 : vector<32x128xi32> to vector<32x128xf32>
    %slice3A_204 = vector.extract_strided_slice %and3A_7 {offsets = [14, 0], sizes = [1, 128], strides = [1, 1]} : vector<128x128xi32> to vector<1x128xi32>
    %eq3A_205 = vector.broadcast %slice3A_204 : vector<1x128xi32> to vector<32x128xi32>
    %eq3A_206 = arith.cmpi eq, %iota3A, %eq3A_205 : vector<32x128xi32>
    %convert_element_type3A_207 = arith.extui %eq3A_206 : vector<32x128xi1> to vector<32x128xi32>
    %convert_element_type3A_208 = arith.sitofp %convert_element_type3A_207 : vector<32x128xi32> to vector<32x128xf32>
    %transpose3A_209 = tpu.transpose %convert_element_type3A_208, [1, 0] : vector<32x128xf32> -> vector<128x32xf32>
    %dot_general3A_210 = arith.constant dense<0.000000e+00> : vector<32x32xf32>
    %dot_general3A_211 = tpu.matmul %convert_element_type3A_203, %transpose3A_209, %dot_general3A_210 {dimension_numbers = #tpu.dot_dimension_numbers<[1], [0], [0], [1], [0, 0, 1, 1], [], []>, transpose_lhs_hint = false} : vector<32x128xf32>, vector<128x32xf32>, vector<32x32xf32> -> vector<32x32xf32>
    %add3A_212 = arith.addf %add3A_198, %dot_general3A_211 : vector<32x32xf32>
    %slice3A_213 = vector.extract_strided_slice %shift_right_arithmetic3A_5 {offsets = [15, 0], sizes = [1, 128], strides = [1, 1]} : vector<128x128xi32> to vector<1x128xi32>
    %eq3A_214 = vector.broadcast %slice3A_213 : vector<1x128xi32> to vector<32x128xi32>
    %eq3A_215 = arith.cmpi eq, %iota3A, %eq3A_214 : vector<32x128xi32>
    %convert_element_type3A_216 = arith.extui %eq3A_215 : vector<32x128xi1> to vector<32x128xi32>
    %convert_element_type3A_217 = arith.sitofp %convert_element_type3A_216 : vector<32x128xi32> to vector<32x128xf32>
    %slice3A_218 = vector.extract_strided_slice %and3A_7 {offsets = [15, 0], sizes = [1, 128], strides = [1, 1]} : vector<128x128xi32> to vector<1x128xi32>
    %eq3A_219 = vector.broadcast %slice3A_218 : vector<1x128xi32> to vector<32x128xi32>
    %eq3A_220 = arith.cmpi eq, %iota3A, %eq3A_219 : vector<32x128xi32>
    %convert_element_type3A_221 = arith.extui %eq3A_220 : vector<32x128xi1> to vector<32x128xi32>
    %convert_element_type3A_222 = arith.sitofp %convert_element_type3A_221 : vector<32x128xi32> to vector<32x128xf32>
    %transpose3A_223 = tpu.transpose %convert_element_type3A_222, [1, 0] : vector<32x128xf32> -> vector<128x32xf32>
    %dot_general3A_224 = arith.constant dense<0.000000e+00> : vector<32x32xf32>
    %dot_general3A_225 = tpu.matmul %convert_element_type3A_217, %transpose3A_223, %dot_general3A_224 {dimension_numbers = #tpu.dot_dimension_numbers<[1], [0], [0], [1], [0, 0, 1, 1], [], []>, transpose_lhs_hint = false} : vector<32x128xf32>, vector<128x32xf32>, vector<32x32xf32> -> vector<32x32xf32>
    %add3A_226 = arith.addf %add3A_212, %dot_general3A_225 : vector<32x32xf32>
    %slice3A_227 = vector.extract_strided_slice %shift_right_arithmetic3A_5 {offsets = [16, 0], sizes = [1, 128], strides = [1, 1]} : vector<128x128xi32> to vector<1x128xi32>
    %eq3A_228 = vector.broadcast %slice3A_227 : vector<1x128xi32> to vector<32x128xi32>
    %eq3A_229 = arith.cmpi eq, %iota3A, %eq3A_228 : vector<32x128xi32>
    %convert_element_type3A_230 = arith.extui %eq3A_229 : vector<32x128xi1> to vector<32x128xi32>
    %convert_element_type3A_231 = arith.sitofp %convert_element_type3A_230 : vector<32x128xi32> to vector<32x128xf32>
    %slice3A_232 = vector.extract_strided_slice %and3A_7 {offsets = [16, 0], sizes = [1, 128], strides = [1, 1]} : vector<128x128xi32> to vector<1x128xi32>
    %eq3A_233 = vector.broadcast %slice3A_232 : vector<1x128xi32> to vector<32x128xi32>
    %eq3A_234 = arith.cmpi eq, %iota3A, %eq3A_233 : vector<32x128xi32>
    %convert_element_type3A_235 = arith.extui %eq3A_234 : vector<32x128xi1> to vector<32x128xi32>
    %convert_element_type3A_236 = arith.sitofp %convert_element_type3A_235 : vector<32x128xi32> to vector<32x128xf32>
    %transpose3A_237 = tpu.transpose %convert_element_type3A_236, [1, 0] : vector<32x128xf32> -> vector<128x32xf32>
    %dot_general3A_238 = arith.constant dense<0.000000e+00> : vector<32x32xf32>
    %dot_general3A_239 = tpu.matmul %convert_element_type3A_231, %transpose3A_237, %dot_general3A_238 {dimension_numbers = #tpu.dot_dimension_numbers<[1], [0], [0], [1], [0, 0, 1, 1], [], []>, transpose_lhs_hint = false} : vector<32x128xf32>, vector<128x32xf32>, vector<32x32xf32> -> vector<32x32xf32>
    %add3A_240 = arith.addf %add3A_226, %dot_general3A_239 : vector<32x32xf32>
    %slice3A_241 = vector.extract_strided_slice %shift_right_arithmetic3A_5 {offsets = [17, 0], sizes = [1, 128], strides = [1, 1]} : vector<128x128xi32> to vector<1x128xi32>
    %eq3A_242 = vector.broadcast %slice3A_241 : vector<1x128xi32> to vector<32x128xi32>
    %eq3A_243 = arith.cmpi eq, %iota3A, %eq3A_242 : vector<32x128xi32>
    %convert_element_type3A_244 = arith.extui %eq3A_243 : vector<32x128xi1> to vector<32x128xi32>
    %convert_element_type3A_245 = arith.sitofp %convert_element_type3A_244 : vector<32x128xi32> to vector<32x128xf32>
    %slice3A_246 = vector.extract_strided_slice %and3A_7 {offsets = [17, 0], sizes = [1, 128], strides = [1, 1]} : vector<128x128xi32> to vector<1x128xi32>
    %eq3A_247 = vector.broadcast %slice3A_246 : vector<1x128xi32> to vector<32x128xi32>
    %eq3A_248 = arith.cmpi eq, %iota3A, %eq3A_247 : vector<32x128xi32>
    %convert_element_type3A_249 = arith.extui %eq3A_248 : vector<32x128xi1> to vector<32x128xi32>
    %convert_element_type3A_250 = arith.sitofp %convert_element_type3A_249 : vector<32x128xi32> to vector<32x128xf32>
    %transpose3A_251 = tpu.transpose %convert_element_type3A_250, [1, 0] : vector<32x128xf32> -> vector<128x32xf32>
    %dot_general3A_252 = arith.constant dense<0.000000e+00> : vector<32x32xf32>
    %dot_general3A_253 = tpu.matmul %convert_element_type3A_245, %transpose3A_251, %dot_general3A_252 {dimension_numbers = #tpu.dot_dimension_numbers<[1], [0], [0], [1], [0, 0, 1, 1], [], []>, transpose_lhs_hint = false} : vector<32x128xf32>, vector<128x32xf32>, vector<32x32xf32> -> vector<32x32xf32>
    %add3A_254 = arith.addf %add3A_240, %dot_general3A_253 : vector<32x32xf32>
    %slice3A_255 = vector.extract_strided_slice %shift_right_arithmetic3A_5 {offsets = [18, 0], sizes = [1, 128], strides = [1, 1]} : vector<128x128xi32> to vector<1x128xi32>
    %eq3A_256 = vector.broadcast %slice3A_255 : vector<1x128xi32> to vector<32x128xi32>
    %eq3A_257 = arith.cmpi eq, %iota3A, %eq3A_256 : vector<32x128xi32>
    %convert_element_type3A_258 = arith.extui %eq3A_257 : vector<32x128xi1> to vector<32x128xi32>
    %convert_element_type3A_259 = arith.sitofp %convert_element_type3A_258 : vector<32x128xi32> to vector<32x128xf32>
    %slice3A_260 = vector.extract_strided_slice %and3A_7 {offsets = [18, 0], sizes = [1, 128], strides = [1, 1]} : vector<128x128xi32> to vector<1x128xi32>
    %eq3A_261 = vector.broadcast %slice3A_260 : vector<1x128xi32> to vector<32x128xi32>
    %eq3A_262 = arith.cmpi eq, %iota3A, %eq3A_261 : vector<32x128xi32>
    %convert_element_type3A_263 = arith.extui %eq3A_262 : vector<32x128xi1> to vector<32x128xi32>
    %convert_element_type3A_264 = arith.sitofp %convert_element_type3A_263 : vector<32x128xi32> to vector<32x128xf32>
    %transpose3A_265 = tpu.transpose %convert_element_type3A_264, [1, 0] : vector<32x128xf32> -> vector<128x32xf32>
    %dot_general3A_266 = arith.constant dense<0.000000e+00> : vector<32x32xf32>
    %dot_general3A_267 = tpu.matmul %convert_element_type3A_259, %transpose3A_265, %dot_general3A_266 {dimension_numbers = #tpu.dot_dimension_numbers<[1], [0], [0], [1], [0, 0, 1, 1], [], []>, transpose_lhs_hint = false} : vector<32x128xf32>, vector<128x32xf32>, vector<32x32xf32> -> vector<32x32xf32>
    %add3A_268 = arith.addf %add3A_254, %dot_general3A_267 : vector<32x32xf32>
    %slice3A_269 = vector.extract_strided_slice %shift_right_arithmetic3A_5 {offsets = [19, 0], sizes = [1, 128], strides = [1, 1]} : vector<128x128xi32> to vector<1x128xi32>
    %eq3A_270 = vector.broadcast %slice3A_269 : vector<1x128xi32> to vector<32x128xi32>
    %eq3A_271 = arith.cmpi eq, %iota3A, %eq3A_270 : vector<32x128xi32>
    %convert_element_type3A_272 = arith.extui %eq3A_271 : vector<32x128xi1> to vector<32x128xi32>
    %convert_element_type3A_273 = arith.sitofp %convert_element_type3A_272 : vector<32x128xi32> to vector<32x128xf32>
    %slice3A_274 = vector.extract_strided_slice %and3A_7 {offsets = [19, 0], sizes = [1, 128], strides = [1, 1]} : vector<128x128xi32> to vector<1x128xi32>
    %eq3A_275 = vector.broadcast %slice3A_274 : vector<1x128xi32> to vector<32x128xi32>
    %eq3A_276 = arith.cmpi eq, %iota3A, %eq3A_275 : vector<32x128xi32>
    %convert_element_type3A_277 = arith.extui %eq3A_276 : vector<32x128xi1> to vector<32x128xi32>
    %convert_element_type3A_278 = arith.sitofp %convert_element_type3A_277 : vector<32x128xi32> to vector<32x128xf32>
    %transpose3A_279 = tpu.transpose %convert_element_type3A_278, [1, 0] : vector<32x128xf32> -> vector<128x32xf32>
    %dot_general3A_280 = arith.constant dense<0.000000e+00> : vector<32x32xf32>
    %dot_general3A_281 = tpu.matmul %convert_element_type3A_273, %transpose3A_279, %dot_general3A_280 {dimension_numbers = #tpu.dot_dimension_numbers<[1], [0], [0], [1], [0, 0, 1, 1], [], []>, transpose_lhs_hint = false} : vector<32x128xf32>, vector<128x32xf32>, vector<32x32xf32> -> vector<32x32xf32>
    %add3A_282 = arith.addf %add3A_268, %dot_general3A_281 : vector<32x32xf32>
    %slice3A_283 = vector.extract_strided_slice %shift_right_arithmetic3A_5 {offsets = [20, 0], sizes = [1, 128], strides = [1, 1]} : vector<128x128xi32> to vector<1x128xi32>
    %eq3A_284 = vector.broadcast %slice3A_283 : vector<1x128xi32> to vector<32x128xi32>
    %eq3A_285 = arith.cmpi eq, %iota3A, %eq3A_284 : vector<32x128xi32>
    %convert_element_type3A_286 = arith.extui %eq3A_285 : vector<32x128xi1> to vector<32x128xi32>
    %convert_element_type3A_287 = arith.sitofp %convert_element_type3A_286 : vector<32x128xi32> to vector<32x128xf32>
    %slice3A_288 = vector.extract_strided_slice %and3A_7 {offsets = [20, 0], sizes = [1, 128], strides = [1, 1]} : vector<128x128xi32> to vector<1x128xi32>
    %eq3A_289 = vector.broadcast %slice3A_288 : vector<1x128xi32> to vector<32x128xi32>
    %eq3A_290 = arith.cmpi eq, %iota3A, %eq3A_289 : vector<32x128xi32>
    %convert_element_type3A_291 = arith.extui %eq3A_290 : vector<32x128xi1> to vector<32x128xi32>
    %convert_element_type3A_292 = arith.sitofp %convert_element_type3A_291 : vector<32x128xi32> to vector<32x128xf32>
    %transpose3A_293 = tpu.transpose %convert_element_type3A_292, [1, 0] : vector<32x128xf32> -> vector<128x32xf32>
    %dot_general3A_294 = arith.constant dense<0.000000e+00> : vector<32x32xf32>
    %dot_general3A_295 = tpu.matmul %convert_element_type3A_287, %transpose3A_293, %dot_general3A_294 {dimension_numbers = #tpu.dot_dimension_numbers<[1], [0], [0], [1], [0, 0, 1, 1], [], []>, transpose_lhs_hint = false} : vector<32x128xf32>, vector<128x32xf32>, vector<32x32xf32> -> vector<32x32xf32>
    %add3A_296 = arith.addf %add3A_282, %dot_general3A_295 : vector<32x32xf32>
    %slice3A_297 = vector.extract_strided_slice %shift_right_arithmetic3A_5 {offsets = [21, 0], sizes = [1, 128], strides = [1, 1]} : vector<128x128xi32> to vector<1x128xi32>
    %eq3A_298 = vector.broadcast %slice3A_297 : vector<1x128xi32> to vector<32x128xi32>
    %eq3A_299 = arith.cmpi eq, %iota3A, %eq3A_298 : vector<32x128xi32>
    %convert_element_type3A_300 = arith.extui %eq3A_299 : vector<32x128xi1> to vector<32x128xi32>
    %convert_element_type3A_301 = arith.sitofp %convert_element_type3A_300 : vector<32x128xi32> to vector<32x128xf32>
    %slice3A_302 = vector.extract_strided_slice %and3A_7 {offsets = [21, 0], sizes = [1, 128], strides = [1, 1]} : vector<128x128xi32> to vector<1x128xi32>
    %eq3A_303 = vector.broadcast %slice3A_302 : vector<1x128xi32> to vector<32x128xi32>
    %eq3A_304 = arith.cmpi eq, %iota3A, %eq3A_303 : vector<32x128xi32>
    %convert_element_type3A_305 = arith.extui %eq3A_304 : vector<32x128xi1> to vector<32x128xi32>
    %convert_element_type3A_306 = arith.sitofp %convert_element_type3A_305 : vector<32x128xi32> to vector<32x128xf32>
    %transpose3A_307 = tpu.transpose %convert_element_type3A_306, [1, 0] : vector<32x128xf32> -> vector<128x32xf32>
    %dot_general3A_308 = arith.constant dense<0.000000e+00> : vector<32x32xf32>
    %dot_general3A_309 = tpu.matmul %convert_element_type3A_301, %transpose3A_307, %dot_general3A_308 {dimension_numbers = #tpu.dot_dimension_numbers<[1], [0], [0], [1], [0, 0, 1, 1], [], []>, transpose_lhs_hint = false} : vector<32x128xf32>, vector<128x32xf32>, vector<32x32xf32> -> vector<32x32xf32>
    %add3A_310 = arith.addf %add3A_296, %dot_general3A_309 : vector<32x32xf32>
    %slice3A_311 = vector.extract_strided_slice %shift_right_arithmetic3A_5 {offsets = [22, 0], sizes = [1, 128], strides = [1, 1]} : vector<128x128xi32> to vector<1x128xi32>
    %eq3A_312 = vector.broadcast %slice3A_311 : vector<1x128xi32> to vector<32x128xi32>
    %eq3A_313 = arith.cmpi eq, %iota3A, %eq3A_312 : vector<32x128xi32>
    %convert_element_type3A_314 = arith.extui %eq3A_313 : vector<32x128xi1> to vector<32x128xi32>
    %convert_element_type3A_315 = arith.sitofp %convert_element_type3A_314 : vector<32x128xi32> to vector<32x128xf32>
    %slice3A_316 = vector.extract_strided_slice %and3A_7 {offsets = [22, 0], sizes = [1, 128], strides = [1, 1]} : vector<128x128xi32> to vector<1x128xi32>
    %eq3A_317 = vector.broadcast %slice3A_316 : vector<1x128xi32> to vector<32x128xi32>
    %eq3A_318 = arith.cmpi eq, %iota3A, %eq3A_317 : vector<32x128xi32>
    %convert_element_type3A_319 = arith.extui %eq3A_318 : vector<32x128xi1> to vector<32x128xi32>
    %convert_element_type3A_320 = arith.sitofp %convert_element_type3A_319 : vector<32x128xi32> to vector<32x128xf32>
    %transpose3A_321 = tpu.transpose %convert_element_type3A_320, [1, 0] : vector<32x128xf32> -> vector<128x32xf32>
    %dot_general3A_322 = arith.constant dense<0.000000e+00> : vector<32x32xf32>
    %dot_general3A_323 = tpu.matmul %convert_element_type3A_315, %transpose3A_321, %dot_general3A_322 {dimension_numbers = #tpu.dot_dimension_numbers<[1], [0], [0], [1], [0, 0, 1, 1], [], []>, transpose_lhs_hint = false} : vector<32x128xf32>, vector<128x32xf32>, vector<32x32xf32> -> vector<32x32xf32>
    %add3A_324 = arith.addf %add3A_310, %dot_general3A_323 : vector<32x32xf32>
    %slice3A_325 = vector.extract_strided_slice %shift_right_arithmetic3A_5 {offsets = [23, 0], sizes = [1, 128], strides = [1, 1]} : vector<128x128xi32> to vector<1x128xi32>
    %eq3A_326 = vector.broadcast %slice3A_325 : vector<1x128xi32> to vector<32x128xi32>
    %eq3A_327 = arith.cmpi eq, %iota3A, %eq3A_326 : vector<32x128xi32>
    %convert_element_type3A_328 = arith.extui %eq3A_327 : vector<32x128xi1> to vector<32x128xi32>
    %convert_element_type3A_329 = arith.sitofp %convert_element_type3A_328 : vector<32x128xi32> to vector<32x128xf32>
    %slice3A_330 = vector.extract_strided_slice %and3A_7 {offsets = [23, 0], sizes = [1, 128], strides = [1, 1]} : vector<128x128xi32> to vector<1x128xi32>
    %eq3A_331 = vector.broadcast %slice3A_330 : vector<1x128xi32> to vector<32x128xi32>
    %eq3A_332 = arith.cmpi eq, %iota3A, %eq3A_331 : vector<32x128xi32>
    %convert_element_type3A_333 = arith.extui %eq3A_332 : vector<32x128xi1> to vector<32x128xi32>
    %convert_element_type3A_334 = arith.sitofp %convert_element_type3A_333 : vector<32x128xi32> to vector<32x128xf32>
    %transpose3A_335 = tpu.transpose %convert_element_type3A_334, [1, 0] : vector<32x128xf32> -> vector<128x32xf32>
    %dot_general3A_336 = arith.constant dense<0.000000e+00> : vector<32x32xf32>
    %dot_general3A_337 = tpu.matmul %convert_element_type3A_329, %transpose3A_335, %dot_general3A_336 {dimension_numbers = #tpu.dot_dimension_numbers<[1], [0], [0], [1], [0, 0, 1, 1], [], []>, transpose_lhs_hint = false} : vector<32x128xf32>, vector<128x32xf32>, vector<32x32xf32> -> vector<32x32xf32>
    %add3A_338 = arith.addf %add3A_324, %dot_general3A_337 : vector<32x32xf32>
    %slice3A_339 = vector.extract_strided_slice %shift_right_arithmetic3A_5 {offsets = [24, 0], sizes = [1, 128], strides = [1, 1]} : vector<128x128xi32> to vector<1x128xi32>
    %eq3A_340 = vector.broadcast %slice3A_339 : vector<1x128xi32> to vector<32x128xi32>
    %eq3A_341 = arith.cmpi eq, %iota3A, %eq3A_340 : vector<32x128xi32>
    %convert_element_type3A_342 = arith.extui %eq3A_341 : vector<32x128xi1> to vector<32x128xi32>
    %convert_element_type3A_343 = arith.sitofp %convert_element_type3A_342 : vector<32x128xi32> to vector<32x128xf32>
    %slice3A_344 = vector.extract_strided_slice %and3A_7 {offsets = [24, 0], sizes = [1, 128], strides = [1, 1]} : vector<128x128xi32> to vector<1x128xi32>
    %eq3A_345 = vector.broadcast %slice3A_344 : vector<1x128xi32> to vector<32x128xi32>
    %eq3A_346 = arith.cmpi eq, %iota3A, %eq3A_345 : vector<32x128xi32>
    %convert_element_type3A_347 = arith.extui %eq3A_346 : vector<32x128xi1> to vector<32x128xi32>
    %convert_element_type3A_348 = arith.sitofp %convert_element_type3A_347 : vector<32x128xi32> to vector<32x128xf32>
    %transpose3A_349 = tpu.transpose %convert_element_type3A_348, [1, 0] : vector<32x128xf32> -> vector<128x32xf32>
    %dot_general3A_350 = arith.constant dense<0.000000e+00> : vector<32x32xf32>
    %dot_general3A_351 = tpu.matmul %convert_element_type3A_343, %transpose3A_349, %dot_general3A_350 {dimension_numbers = #tpu.dot_dimension_numbers<[1], [0], [0], [1], [0, 0, 1, 1], [], []>, transpose_lhs_hint = false} : vector<32x128xf32>, vector<128x32xf32>, vector<32x32xf32> -> vector<32x32xf32>
    %add3A_352 = arith.addf %add3A_338, %dot_general3A_351 : vector<32x32xf32>
    %slice3A_353 = vector.extract_strided_slice %shift_right_arithmetic3A_5 {offsets = [25, 0], sizes = [1, 128], strides = [1, 1]} : vector<128x128xi32> to vector<1x128xi32>
    %eq3A_354 = vector.broadcast %slice3A_353 : vector<1x128xi32> to vector<32x128xi32>
    %eq3A_355 = arith.cmpi eq, %iota3A, %eq3A_354 : vector<32x128xi32>
    %convert_element_type3A_356 = arith.extui %eq3A_355 : vector<32x128xi1> to vector<32x128xi32>
    %convert_element_type3A_357 = arith.sitofp %convert_element_type3A_356 : vector<32x128xi32> to vector<32x128xf32>
    %slice3A_358 = vector.extract_strided_slice %and3A_7 {offsets = [25, 0], sizes = [1, 128], strides = [1, 1]} : vector<128x128xi32> to vector<1x128xi32>
    %eq3A_359 = vector.broadcast %slice3A_358 : vector<1x128xi32> to vector<32x128xi32>
    %eq3A_360 = arith.cmpi eq, %iota3A, %eq3A_359 : vector<32x128xi32>
    %convert_element_type3A_361 = arith.extui %eq3A_360 : vector<32x128xi1> to vector<32x128xi32>
    %convert_element_type3A_362 = arith.sitofp %convert_element_type3A_361 : vector<32x128xi32> to vector<32x128xf32>
    %transpose3A_363 = tpu.transpose %convert_element_type3A_362, [1, 0] : vector<32x128xf32> -> vector<128x32xf32>
    %dot_general3A_364 = arith.constant dense<0.000000e+00> : vector<32x32xf32>
    %dot_general3A_365 = tpu.matmul %convert_element_type3A_357, %transpose3A_363, %dot_general3A_364 {dimension_numbers = #tpu.dot_dimension_numbers<[1], [0], [0], [1], [0, 0, 1, 1], [], []>, transpose_lhs_hint = false} : vector<32x128xf32>, vector<128x32xf32>, vector<32x32xf32> -> vector<32x32xf32>
    %add3A_366 = arith.addf %add3A_352, %dot_general3A_365 : vector<32x32xf32>
    %slice3A_367 = vector.extract_strided_slice %shift_right_arithmetic3A_5 {offsets = [26, 0], sizes = [1, 128], strides = [1, 1]} : vector<128x128xi32> to vector<1x128xi32>
    %eq3A_368 = vector.broadcast %slice3A_367 : vector<1x128xi32> to vector<32x128xi32>
    %eq3A_369 = arith.cmpi eq, %iota3A, %eq3A_368 : vector<32x128xi32>
    %convert_element_type3A_370 = arith.extui %eq3A_369 : vector<32x128xi1> to vector<32x128xi32>
    %convert_element_type3A_371 = arith.sitofp %convert_element_type3A_370 : vector<32x128xi32> to vector<32x128xf32>
    %slice3A_372 = vector.extract_strided_slice %and3A_7 {offsets = [26, 0], sizes = [1, 128], strides = [1, 1]} : vector<128x128xi32> to vector<1x128xi32>
    %eq3A_373 = vector.broadcast %slice3A_372 : vector<1x128xi32> to vector<32x128xi32>
    %eq3A_374 = arith.cmpi eq, %iota3A, %eq3A_373 : vector<32x128xi32>
    %convert_element_type3A_375 = arith.extui %eq3A_374 : vector<32x128xi1> to vector<32x128xi32>
    %convert_element_type3A_376 = arith.sitofp %convert_element_type3A_375 : vector<32x128xi32> to vector<32x128xf32>
    %transpose3A_377 = tpu.transpose %convert_element_type3A_376, [1, 0] : vector<32x128xf32> -> vector<128x32xf32>
    %dot_general3A_378 = arith.constant dense<0.000000e+00> : vector<32x32xf32>
    %dot_general3A_379 = tpu.matmul %convert_element_type3A_371, %transpose3A_377, %dot_general3A_378 {dimension_numbers = #tpu.dot_dimension_numbers<[1], [0], [0], [1], [0, 0, 1, 1], [], []>, transpose_lhs_hint = false} : vector<32x128xf32>, vector<128x32xf32>, vector<32x32xf32> -> vector<32x32xf32>
    %add3A_380 = arith.addf %add3A_366, %dot_general3A_379 : vector<32x32xf32>
    %slice3A_381 = vector.extract_strided_slice %shift_right_arithmetic3A_5 {offsets = [27, 0], sizes = [1, 128], strides = [1, 1]} : vector<128x128xi32> to vector<1x128xi32>
    %eq3A_382 = vector.broadcast %slice3A_381 : vector<1x128xi32> to vector<32x128xi32>
    %eq3A_383 = arith.cmpi eq, %iota3A, %eq3A_382 : vector<32x128xi32>
    %convert_element_type3A_384 = arith.extui %eq3A_383 : vector<32x128xi1> to vector<32x128xi32>
    %convert_element_type3A_385 = arith.sitofp %convert_element_type3A_384 : vector<32x128xi32> to vector<32x128xf32>
    %slice3A_386 = vector.extract_strided_slice %and3A_7 {offsets = [27, 0], sizes = [1, 128], strides = [1, 1]} : vector<128x128xi32> to vector<1x128xi32>
    %eq3A_387 = vector.broadcast %slice3A_386 : vector<1x128xi32> to vector<32x128xi32>
    %eq3A_388 = arith.cmpi eq, %iota3A, %eq3A_387 : vector<32x128xi32>
    %convert_element_type3A_389 = arith.extui %eq3A_388 : vector<32x128xi1> to vector<32x128xi32>
    %convert_element_type3A_390 = arith.sitofp %convert_element_type3A_389 : vector<32x128xi32> to vector<32x128xf32>
    %transpose3A_391 = tpu.transpose %convert_element_type3A_390, [1, 0] : vector<32x128xf32> -> vector<128x32xf32>
    %dot_general3A_392 = arith.constant dense<0.000000e+00> : vector<32x32xf32>
    %dot_general3A_393 = tpu.matmul %convert_element_type3A_385, %transpose3A_391, %dot_general3A_392 {dimension_numbers = #tpu.dot_dimension_numbers<[1], [0], [0], [1], [0, 0, 1, 1], [], []>, transpose_lhs_hint = false} : vector<32x128xf32>, vector<128x32xf32>, vector<32x32xf32> -> vector<32x32xf32>
    %add3A_394 = arith.addf %add3A_380, %dot_general3A_393 : vector<32x32xf32>
    %slice3A_395 = vector.extract_strided_slice %shift_right_arithmetic3A_5 {offsets = [28, 0], sizes = [1, 128], strides = [1, 1]} : vector<128x128xi32> to vector<1x128xi32>
    %eq3A_396 = vector.broadcast %slice3A_395 : vector<1x128xi32> to vector<32x128xi32>
    %eq3A_397 = arith.cmpi eq, %iota3A, %eq3A_396 : vector<32x128xi32>
    %convert_element_type3A_398 = arith.extui %eq3A_397 : vector<32x128xi1> to vector<32x128xi32>
    %convert_element_type3A_399 = arith.sitofp %convert_element_type3A_398 : vector<32x128xi32> to vector<32x128xf32>
    %slice3A_400 = vector.extract_strided_slice %and3A_7 {offsets = [28, 0], sizes = [1, 128], strides = [1, 1]} : vector<128x128xi32> to vector<1x128xi32>
    %eq3A_401 = vector.broadcast %slice3A_400 : vector<1x128xi32> to vector<32x128xi32>
    %eq3A_402 = arith.cmpi eq, %iota3A, %eq3A_401 : vector<32x128xi32>
    %convert_element_type3A_403 = arith.extui %eq3A_402 : vector<32x128xi1> to vector<32x128xi32>
    %convert_element_type3A_404 = arith.sitofp %convert_element_type3A_403 : vector<32x128xi32> to vector<32x128xf32>
    %transpose3A_405 = tpu.transpose %convert_element_type3A_404, [1, 0] : vector<32x128xf32> -> vector<128x32xf32>
    %dot_general3A_406 = arith.constant dense<0.000000e+00> : vector<32x32xf32>
    %dot_general3A_407 = tpu.matmul %convert_element_type3A_399, %transpose3A_405, %dot_general3A_406 {dimension_numbers = #tpu.dot_dimension_numbers<[1], [0], [0], [1], [0, 0, 1, 1], [], []>, transpose_lhs_hint = false} : vector<32x128xf32>, vector<128x32xf32>, vector<32x32xf32> -> vector<32x32xf32>
    %add3A_408 = arith.addf %add3A_394, %dot_general3A_407 : vector<32x32xf32>
    %slice3A_409 = vector.extract_strided_slice %shift_right_arithmetic3A_5 {offsets = [29, 0], sizes = [1, 128], strides = [1, 1]} : vector<128x128xi32> to vector<1x128xi32>
    %eq3A_410 = vector.broadcast %slice3A_409 : vector<1x128xi32> to vector<32x128xi32>
    %eq3A_411 = arith.cmpi eq, %iota3A, %eq3A_410 : vector<32x128xi32>
    %convert_element_type3A_412 = arith.extui %eq3A_411 : vector<32x128xi1> to vector<32x128xi32>
    %convert_element_type3A_413 = arith.sitofp %convert_element_type3A_412 : vector<32x128xi32> to vector<32x128xf32>
    %slice3A_414 = vector.extract_strided_slice %and3A_7 {offsets = [29, 0], sizes = [1, 128], strides = [1, 1]} : vector<128x128xi32> to vector<1x128xi32>
    %eq3A_415 = vector.broadcast %slice3A_414 : vector<1x128xi32> to vector<32x128xi32>
    %eq3A_416 = arith.cmpi eq, %iota3A, %eq3A_415 : vector<32x128xi32>
    %convert_element_type3A_417 = arith.extui %eq3A_416 : vector<32x128xi1> to vector<32x128xi32>
    %convert_element_type3A_418 = arith.sitofp %convert_element_type3A_417 : vector<32x128xi32> to vector<32x128xf32>
    %transpose3A_419 = tpu.transpose %convert_element_type3A_418, [1, 0] : vector<32x128xf32> -> vector<128x32xf32>
    %dot_general3A_420 = arith.constant dense<0.000000e+00> : vector<32x32xf32>
    %dot_general3A_421 = tpu.matmul %convert_element_type3A_413, %transpose3A_419, %dot_general3A_420 {dimension_numbers = #tpu.dot_dimension_numbers<[1], [0], [0], [1], [0, 0, 1, 1], [], []>, transpose_lhs_hint = false} : vector<32x128xf32>, vector<128x32xf32>, vector<32x32xf32> -> vector<32x32xf32>
    %add3A_422 = arith.addf %add3A_408, %dot_general3A_421 : vector<32x32xf32>
    %slice3A_423 = vector.extract_strided_slice %shift_right_arithmetic3A_5 {offsets = [30, 0], sizes = [1, 128], strides = [1, 1]} : vector<128x128xi32> to vector<1x128xi32>
    %eq3A_424 = vector.broadcast %slice3A_423 : vector<1x128xi32> to vector<32x128xi32>
    %eq3A_425 = arith.cmpi eq, %iota3A, %eq3A_424 : vector<32x128xi32>
    %convert_element_type3A_426 = arith.extui %eq3A_425 : vector<32x128xi1> to vector<32x128xi32>
    %convert_element_type3A_427 = arith.sitofp %convert_element_type3A_426 : vector<32x128xi32> to vector<32x128xf32>
    %slice3A_428 = vector.extract_strided_slice %and3A_7 {offsets = [30, 0], sizes = [1, 128], strides = [1, 1]} : vector<128x128xi32> to vector<1x128xi32>
    %eq3A_429 = vector.broadcast %slice3A_428 : vector<1x128xi32> to vector<32x128xi32>
    %eq3A_430 = arith.cmpi eq, %iota3A, %eq3A_429 : vector<32x128xi32>
    %convert_element_type3A_431 = arith.extui %eq3A_430 : vector<32x128xi1> to vector<32x128xi32>
    %convert_element_type3A_432 = arith.sitofp %convert_element_type3A_431 : vector<32x128xi32> to vector<32x128xf32>
    %transpose3A_433 = tpu.transpose %convert_element_type3A_432, [1, 0] : vector<32x128xf32> -> vector<128x32xf32>
    %dot_general3A_434 = arith.constant dense<0.000000e+00> : vector<32x32xf32>
    %dot_general3A_435 = tpu.matmul %convert_element_type3A_427, %transpose3A_433, %dot_general3A_434 {dimension_numbers = #tpu.dot_dimension_numbers<[1], [0], [0], [1], [0, 0, 1, 1], [], []>, transpose_lhs_hint = false} : vector<32x128xf32>, vector<128x32xf32>, vector<32x32xf32> -> vector<32x32xf32>
    %add3A_436 = arith.addf %add3A_422, %dot_general3A_435 : vector<32x32xf32>
    %slice3A_437 = vector.extract_strided_slice %shift_right_arithmetic3A_5 {offsets = [31, 0], sizes = [1, 128], strides = [1, 1]} : vector<128x128xi32> to vector<1x128xi32>
    %eq3A_438 = vector.broadcast %slice3A_437 : vector<1x128xi32> to vector<32x128xi32>
    %eq3A_439 = arith.cmpi eq, %iota3A, %eq3A_438 : vector<32x128xi32>
    %convert_element_type3A_440 = arith.extui %eq3A_439 : vector<32x128xi1> to vector<32x128xi32>
    %convert_element_type3A_441 = arith.sitofp %convert_element_type3A_440 : vector<32x128xi32> to vector<32x128xf32>
    %slice3A_442 = vector.extract_strided_slice %and3A_7 {offsets = [31, 0], sizes = [1, 128], strides = [1, 1]} : vector<128x128xi32> to vector<1x128xi32>
    %eq3A_443 = vector.broadcast %slice3A_442 : vector<1x128xi32> to vector<32x128xi32>
    %eq3A_444 = arith.cmpi eq, %iota3A, %eq3A_443 : vector<32x128xi32>
    %convert_element_type3A_445 = arith.extui %eq3A_444 : vector<32x128xi1> to vector<32x128xi32>
    %convert_element_type3A_446 = arith.sitofp %convert_element_type3A_445 : vector<32x128xi32> to vector<32x128xf32>
    %transpose3A_447 = tpu.transpose %convert_element_type3A_446, [1, 0] : vector<32x128xf32> -> vector<128x32xf32>
    %dot_general3A_448 = arith.constant dense<0.000000e+00> : vector<32x32xf32>
    %dot_general3A_449 = tpu.matmul %convert_element_type3A_441, %transpose3A_447, %dot_general3A_448 {dimension_numbers = #tpu.dot_dimension_numbers<[1], [0], [0], [1], [0, 0, 1, 1], [], []>, transpose_lhs_hint = false} : vector<32x128xf32>, vector<128x32xf32>, vector<32x32xf32> -> vector<32x32xf32>
    %add3A_450 = arith.addf %add3A_436, %dot_general3A_449 : vector<32x32xf32>
    %slice3A_451 = vector.extract_strided_slice %shift_right_arithmetic3A_5 {offsets = [32, 0], sizes = [1, 128], strides = [1, 1]} : vector<128x128xi32> to vector<1x128xi32>
    %eq3A_452 = vector.broadcast %slice3A_451 : vector<1x128xi32> to vector<32x128xi32>
    %eq3A_453 = arith.cmpi eq, %iota3A, %eq3A_452 : vector<32x128xi32>
    %convert_element_type3A_454 = arith.extui %eq3A_453 : vector<32x128xi1> to vector<32x128xi32>
    %convert_element_type3A_455 = arith.sitofp %convert_element_type3A_454 : vector<32x128xi32> to vector<32x128xf32>
    %slice3A_456 = vector.extract_strided_slice %and3A_7 {offsets = [32, 0], sizes = [1, 128], strides = [1, 1]} : vector<128x128xi32> to vector<1x128xi32>
    %eq3A_457 = vector.broadcast %slice3A_456 : vector<1x128xi32> to vector<32x128xi32>
    %eq3A_458 = arith.cmpi eq, %iota3A, %eq3A_457 : vector<32x128xi32>
    %convert_element_type3A_459 = arith.extui %eq3A_458 : vector<32x128xi1> to vector<32x128xi32>
    %convert_element_type3A_460 = arith.sitofp %convert_element_type3A_459 : vector<32x128xi32> to vector<32x128xf32>
    %transpose3A_461 = tpu.transpose %convert_element_type3A_460, [1, 0] : vector<32x128xf32> -> vector<128x32xf32>
    %dot_general3A_462 = arith.constant dense<0.000000e+00> : vector<32x32xf32>
    %dot_general3A_463 = tpu.matmul %convert_element_type3A_455, %transpose3A_461, %dot_general3A_462 {dimension_numbers = #tpu.dot_dimension_numbers<[1], [0], [0], [1], [0, 0, 1, 1], [], []>, transpose_lhs_hint = false} : vector<32x128xf32>, vector<128x32xf32>, vector<32x32xf32> -> vector<32x32xf32>
    %add3A_464 = arith.addf %add3A_450, %dot_general3A_463 : vector<32x32xf32>
    %slice3A_465 = vector.extract_strided_slice %shift_right_arithmetic3A_5 {offsets = [33, 0], sizes = [1, 128], strides = [1, 1]} : vector<128x128xi32> to vector<1x128xi32>
    %eq3A_466 = vector.broadcast %slice3A_465 : vector<1x128xi32> to vector<32x128xi32>
    %eq3A_467 = arith.cmpi eq, %iota3A, %eq3A_466 : vector<32x128xi32>
    %convert_element_type3A_468 = arith.extui %eq3A_467 : vector<32x128xi1> to vector<32x128xi32>
    %convert_element_type3A_469 = arith.sitofp %convert_element_type3A_468 : vector<32x128xi32> to vector<32x128xf32>
    %slice3A_470 = vector.extract_strided_slice %and3A_7 {offsets = [33, 0], sizes = [1, 128], strides = [1, 1]} : vector<128x128xi32> to vector<1x128xi32>
    %eq3A_471 = vector.broadcast %slice3A_470 : vector<1x128xi32> to vector<32x128xi32>
    %eq3A_472 = arith.cmpi eq, %iota3A, %eq3A_471 : vector<32x128xi32>
    %convert_element_type3A_473 = arith.extui %eq3A_472 : vector<32x128xi1> to vector<32x128xi32>
    %convert_element_type3A_474 = arith.sitofp %convert_element_type3A_473 : vector<32x128xi32> to vector<32x128xf32>
    %transpose3A_475 = tpu.transpose %convert_element_type3A_474, [1, 0] : vector<32x128xf32> -> vector<128x32xf32>
    %dot_general3A_476 = arith.constant dense<0.000000e+00> : vector<32x32xf32>
    %dot_general3A_477 = tpu.matmul %convert_element_type3A_469, %transpose3A_475, %dot_general3A_476 {dimension_numbers = #tpu.dot_dimension_numbers<[1], [0], [0], [1], [0, 0, 1, 1], [], []>, transpose_lhs_hint = false} : vector<32x128xf32>, vector<128x32xf32>, vector<32x32xf32> -> vector<32x32xf32>
    %add3A_478 = arith.addf %add3A_464, %dot_general3A_477 : vector<32x32xf32>
    %slice3A_479 = vector.extract_strided_slice %shift_right_arithmetic3A_5 {offsets = [34, 0], sizes = [1, 128], strides = [1, 1]} : vector<128x128xi32> to vector<1x128xi32>
    %eq3A_480 = vector.broadcast %slice3A_479 : vector<1x128xi32> to vector<32x128xi32>
    %eq3A_481 = arith.cmpi eq, %iota3A, %eq3A_480 : vector<32x128xi32>
    %convert_element_type3A_482 = arith.extui %eq3A_481 : vector<32x128xi1> to vector<32x128xi32>
    %convert_element_type3A_483 = arith.sitofp %convert_element_type3A_482 : vector<32x128xi32> to vector<32x128xf32>
    %slice3A_484 = vector.extract_strided_slice %and3A_7 {offsets = [34, 0], sizes = [1, 128], strides = [1, 1]} : vector<128x128xi32> to vector<1x128xi32>
    %eq3A_485 = vector.broadcast %slice3A_484 : vector<1x128xi32> to vector<32x128xi32>
    %eq3A_486 = arith.cmpi eq, %iota3A, %eq3A_485 : vector<32x128xi32>
    %convert_element_type3A_487 = arith.extui %eq3A_486 : vector<32x128xi1> to vector<32x128xi32>
    %convert_element_type3A_488 = arith.sitofp %convert_element_type3A_487 : vector<32x128xi32> to vector<32x128xf32>
    %transpose3A_489 = tpu.transpose %convert_element_type3A_488, [1, 0] : vector<32x128xf32> -> vector<128x32xf32>
    %dot_general3A_490 = arith.constant dense<0.000000e+00> : vector<32x32xf32>
    %dot_general3A_491 = tpu.matmul %convert_element_type3A_483, %transpose3A_489, %dot_general3A_490 {dimension_numbers = #tpu.dot_dimension_numbers<[1], [0], [0], [1], [0, 0, 1, 1], [], []>, transpose_lhs_hint = false} : vector<32x128xf32>, vector<128x32xf32>, vector<32x32xf32> -> vector<32x32xf32>
    %add3A_492 = arith.addf %add3A_478, %dot_general3A_491 : vector<32x32xf32>
    %slice3A_493 = vector.extract_strided_slice %shift_right_arithmetic3A_5 {offsets = [35, 0], sizes = [1, 128], strides = [1, 1]} : vector<128x128xi32> to vector<1x128xi32>
    %eq3A_494 = vector.broadcast %slice3A_493 : vector<1x128xi32> to vector<32x128xi32>
    %eq3A_495 = arith.cmpi eq, %iota3A, %eq3A_494 : vector<32x128xi32>
    %convert_element_type3A_496 = arith.extui %eq3A_495 : vector<32x128xi1> to vector<32x128xi32>
    %convert_element_type3A_497 = arith.sitofp %convert_element_type3A_496 : vector<32x128xi32> to vector<32x128xf32>
    %slice3A_498 = vector.extract_strided_slice %and3A_7 {offsets = [35, 0], sizes = [1, 128], strides = [1, 1]} : vector<128x128xi32> to vector<1x128xi32>
    %eq3A_499 = vector.broadcast %slice3A_498 : vector<1x128xi32> to vector<32x128xi32>
    %eq3A_500 = arith.cmpi eq, %iota3A, %eq3A_499 : vector<32x128xi32>
    %convert_element_type3A_501 = arith.extui %eq3A_500 : vector<32x128xi1> to vector<32x128xi32>
    %convert_element_type3A_502 = arith.sitofp %convert_element_type3A_501 : vector<32x128xi32> to vector<32x128xf32>
    %transpose3A_503 = tpu.transpose %convert_element_type3A_502, [1, 0] : vector<32x128xf32> -> vector<128x32xf32>
    %dot_general3A_504 = arith.constant dense<0.000000e+00> : vector<32x32xf32>
    %dot_general3A_505 = tpu.matmul %convert_element_type3A_497, %transpose3A_503, %dot_general3A_504 {dimension_numbers = #tpu.dot_dimension_numbers<[1], [0], [0], [1], [0, 0, 1, 1], [], []>, transpose_lhs_hint = false} : vector<32x128xf32>, vector<128x32xf32>, vector<32x32xf32> -> vector<32x32xf32>
    %add3A_506 = arith.addf %add3A_492, %dot_general3A_505 : vector<32x32xf32>
    %slice3A_507 = vector.extract_strided_slice %shift_right_arithmetic3A_5 {offsets = [36, 0], sizes = [1, 128], strides = [1, 1]} : vector<128x128xi32> to vector<1x128xi32>
    %eq3A_508 = vector.broadcast %slice3A_507 : vector<1x128xi32> to vector<32x128xi32>
    %eq3A_509 = arith.cmpi eq, %iota3A, %eq3A_508 : vector<32x128xi32>
    %convert_element_type3A_510 = arith.extui %eq3A_509 : vector<32x128xi1> to vector<32x128xi32>
    %convert_element_type3A_511 = arith.sitofp %convert_element_type3A_510 : vector<32x128xi32> to vector<32x128xf32>
    %slice3A_512 = vector.extract_strided_slice %and3A_7 {offsets = [36, 0], sizes = [1, 128], strides = [1, 1]} : vector<128x128xi32> to vector<1x128xi32>
    %eq3A_513 = vector.broadcast %slice3A_512 : vector<1x128xi32> to vector<32x128xi32>
    %eq3A_514 = arith.cmpi eq, %iota3A, %eq3A_513 : vector<32x128xi32>
    %convert_element_type3A_515 = arith.extui %eq3A_514 : vector<32x128xi1> to vector<32x128xi32>
    %convert_element_type3A_516 = arith.sitofp %convert_element_type3A_515 : vector<32x128xi32> to vector<32x128xf32>
    %transpose3A_517 = tpu.transpose %convert_element_type3A_516, [1, 0] : vector<32x128xf32> -> vector<128x32xf32>
    %dot_general3A_518 = arith.constant dense<0.000000e+00> : vector<32x32xf32>
    %dot_general3A_519 = tpu.matmul %convert_element_type3A_511, %transpose3A_517, %dot_general3A_518 {dimension_numbers = #tpu.dot_dimension_numbers<[1], [0], [0], [1], [0, 0, 1, 1], [], []>, transpose_lhs_hint = false} : vector<32x128xf32>, vector<128x32xf32>, vector<32x32xf32> -> vector<32x32xf32>
    %add3A_520 = arith.addf %add3A_506, %dot_general3A_519 : vector<32x32xf32>
    %slice3A_521 = vector.extract_strided_slice %shift_right_arithmetic3A_5 {offsets = [37, 0], sizes = [1, 128], strides = [1, 1]} : vector<128x128xi32> to vector<1x128xi32>
    %eq3A_522 = vector.broadcast %slice3A_521 : vector<1x128xi32> to vector<32x128xi32>
    %eq3A_523 = arith.cmpi eq, %iota3A, %eq3A_522 : vector<32x128xi32>
    %convert_element_type3A_524 = arith.extui %eq3A_523 : vector<32x128xi1> to vector<32x128xi32>
    %convert_element_type3A_525 = arith.sitofp %convert_element_type3A_524 : vector<32x128xi32> to vector<32x128xf32>
    %slice3A_526 = vector.extract_strided_slice %and3A_7 {offsets = [37, 0], sizes = [1, 128], strides = [1, 1]} : vector<128x128xi32> to vector<1x128xi32>
    %eq3A_527 = vector.broadcast %slice3A_526 : vector<1x128xi32> to vector<32x128xi32>
    %eq3A_528 = arith.cmpi eq, %iota3A, %eq3A_527 : vector<32x128xi32>
    %convert_element_type3A_529 = arith.extui %eq3A_528 : vector<32x128xi1> to vector<32x128xi32>
    %convert_element_type3A_530 = arith.sitofp %convert_element_type3A_529 : vector<32x128xi32> to vector<32x128xf32>
    %transpose3A_531 = tpu.transpose %convert_element_type3A_530, [1, 0] : vector<32x128xf32> -> vector<128x32xf32>
    %dot_general3A_532 = arith.constant dense<0.000000e+00> : vector<32x32xf32>
    %dot_general3A_533 = tpu.matmul %convert_element_type3A_525, %transpose3A_531, %dot_general3A_532 {dimension_numbers = #tpu.dot_dimension_numbers<[1], [0], [0], [1], [0, 0, 1, 1], [], []>, transpose_lhs_hint = false} : vector<32x128xf32>, vector<128x32xf32>, vector<32x32xf32> -> vector<32x32xf32>
    %add3A_534 = arith.addf %add3A_520, %dot_general3A_533 : vector<32x32xf32>
    %slice3A_535 = vector.extract_strided_slice %shift_right_arithmetic3A_5 {offsets = [38, 0], sizes = [1, 128], strides = [1, 1]} : vector<128x128xi32> to vector<1x128xi32>
    %eq3A_536 = vector.broadcast %slice3A_535 : vector<1x128xi32> to vector<32x128xi32>
    %eq3A_537 = arith.cmpi eq, %iota3A, %eq3A_536 : vector<32x128xi32>
    %convert_element_type3A_538 = arith.extui %eq3A_537 : vector<32x128xi1> to vector<32x128xi32>
    %convert_element_type3A_539 = arith.sitofp %convert_element_type3A_538 : vector<32x128xi32> to vector<32x128xf32>
    %slice3A_540 = vector.extract_strided_slice %and3A_7 {offsets = [38, 0], sizes = [1, 128], strides = [1, 1]} : vector<128x128xi32> to vector<1x128xi32>
    %eq3A_541 = vector.broadcast %slice3A_540 : vector<1x128xi32> to vector<32x128xi32>
    %eq3A_542 = arith.cmpi eq, %iota3A, %eq3A_541 : vector<32x128xi32>
    %convert_element_type3A_543 = arith.extui %eq3A_542 : vector<32x128xi1> to vector<32x128xi32>
    %convert_element_type3A_544 = arith.sitofp %convert_element_type3A_543 : vector<32x128xi32> to vector<32x128xf32>
    %transpose3A_545 = tpu.transpose %convert_element_type3A_544, [1, 0] : vector<32x128xf32> -> vector<128x32xf32>
    %dot_general3A_546 = arith.constant dense<0.000000e+00> : vector<32x32xf32>
    %dot_general3A_547 = tpu.matmul %convert_element_type3A_539, %transpose3A_545, %dot_general3A_546 {dimension_numbers = #tpu.dot_dimension_numbers<[1], [0], [0], [1], [0, 0, 1, 1], [], []>, transpose_lhs_hint = false} : vector<32x128xf32>, vector<128x32xf32>, vector<32x32xf32> -> vector<32x32xf32>
    %add3A_548 = arith.addf %add3A_534, %dot_general3A_547 : vector<32x32xf32>
    %slice3A_549 = vector.extract_strided_slice %shift_right_arithmetic3A_5 {offsets = [39, 0], sizes = [1, 128], strides = [1, 1]} : vector<128x128xi32> to vector<1x128xi32>
    %eq3A_550 = vector.broadcast %slice3A_549 : vector<1x128xi32> to vector<32x128xi32>
    %eq3A_551 = arith.cmpi eq, %iota3A, %eq3A_550 : vector<32x128xi32>
    %convert_element_type3A_552 = arith.extui %eq3A_551 : vector<32x128xi1> to vector<32x128xi32>
    %convert_element_type3A_553 = arith.sitofp %convert_element_type3A_552 : vector<32x128xi32> to vector<32x128xf32>
    %slice3A_554 = vector.extract_strided_slice %and3A_7 {offsets = [39, 0], sizes = [1, 128], strides = [1, 1]} : vector<128x128xi32> to vector<1x128xi32>
    %eq3A_555 = vector.broadcast %slice3A_554 : vector<1x128xi32> to vector<32x128xi32>
    %eq3A_556 = arith.cmpi eq, %iota3A, %eq3A_555 : vector<32x128xi32>
    %convert_element_type3A_557 = arith.extui %eq3A_556 : vector<32x128xi1> to vector<32x128xi32>
    %convert_element_type3A_558 = arith.sitofp %convert_element_type3A_557 : vector<32x128xi32> to vector<32x128xf32>
    %transpose3A_559 = tpu.transpose %convert_element_type3A_558, [1, 0] : vector<32x128xf32> -> vector<128x32xf32>
    %dot_general3A_560 = arith.constant dense<0.000000e+00> : vector<32x32xf32>
    %dot_general3A_561 = tpu.matmul %convert_element_type3A_553, %transpose3A_559, %dot_general3A_560 {dimension_numbers = #tpu.dot_dimension_numbers<[1], [0], [0], [1], [0, 0, 1, 1], [], []>, transpose_lhs_hint = false} : vector<32x128xf32>, vector<128x32xf32>, vector<32x32xf32> -> vector<32x32xf32>
    %add3A_562 = arith.addf %add3A_548, %dot_general3A_561 : vector<32x32xf32>
    %slice3A_563 = vector.extract_strided_slice %shift_right_arithmetic3A_5 {offsets = [40, 0], sizes = [1, 128], strides = [1, 1]} : vector<128x128xi32> to vector<1x128xi32>
    %eq3A_564 = vector.broadcast %slice3A_563 : vector<1x128xi32> to vector<32x128xi32>
    %eq3A_565 = arith.cmpi eq, %iota3A, %eq3A_564 : vector<32x128xi32>
    %convert_element_type3A_566 = arith.extui %eq3A_565 : vector<32x128xi1> to vector<32x128xi32>
    %convert_element_type3A_567 = arith.sitofp %convert_element_type3A_566 : vector<32x128xi32> to vector<32x128xf32>
    %slice3A_568 = vector.extract_strided_slice %and3A_7 {offsets = [40, 0], sizes = [1, 128], strides = [1, 1]} : vector<128x128xi32> to vector<1x128xi32>
    %eq3A_569 = vector.broadcast %slice3A_568 : vector<1x128xi32> to vector<32x128xi32>
    %eq3A_570 = arith.cmpi eq, %iota3A, %eq3A_569 : vector<32x128xi32>
    %convert_element_type3A_571 = arith.extui %eq3A_570 : vector<32x128xi1> to vector<32x128xi32>
    %convert_element_type3A_572 = arith.sitofp %convert_element_type3A_571 : vector<32x128xi32> to vector<32x128xf32>
    %transpose3A_573 = tpu.transpose %convert_element_type3A_572, [1, 0] : vector<32x128xf32> -> vector<128x32xf32>
    %dot_general3A_574 = arith.constant dense<0.000000e+00> : vector<32x32xf32>
    %dot_general3A_575 = tpu.matmul %convert_element_type3A_567, %transpose3A_573, %dot_general3A_574 {dimension_numbers = #tpu.dot_dimension_numbers<[1], [0], [0], [1], [0, 0, 1, 1], [], []>, transpose_lhs_hint = false} : vector<32x128xf32>, vector<128x32xf32>, vector<32x32xf32> -> vector<32x32xf32>
    %add3A_576 = arith.addf %add3A_562, %dot_general3A_575 : vector<32x32xf32>
    %slice3A_577 = vector.extract_strided_slice %shift_right_arithmetic3A_5 {offsets = [41, 0], sizes = [1, 128], strides = [1, 1]} : vector<128x128xi32> to vector<1x128xi32>
    %eq3A_578 = vector.broadcast %slice3A_577 : vector<1x128xi32> to vector<32x128xi32>
    %eq3A_579 = arith.cmpi eq, %iota3A, %eq3A_578 : vector<32x128xi32>
    %convert_element_type3A_580 = arith.extui %eq3A_579 : vector<32x128xi1> to vector<32x128xi32>
    %convert_element_type3A_581 = arith.sitofp %convert_element_type3A_580 : vector<32x128xi32> to vector<32x128xf32>
    %slice3A_582 = vector.extract_strided_slice %and3A_7 {offsets = [41, 0], sizes = [1, 128], strides = [1, 1]} : vector<128x128xi32> to vector<1x128xi32>
    %eq3A_583 = vector.broadcast %slice3A_582 : vector<1x128xi32> to vector<32x128xi32>
    %eq3A_584 = arith.cmpi eq, %iota3A, %eq3A_583 : vector<32x128xi32>
    %convert_element_type3A_585 = arith.extui %eq3A_584 : vector<32x128xi1> to vector<32x128xi32>
    %convert_element_type3A_586 = arith.sitofp %convert_element_type3A_585 : vector<32x128xi32> to vector<32x128xf32>
    %transpose3A_587 = tpu.transpose %convert_element_type3A_586, [1, 0] : vector<32x128xf32> -> vector<128x32xf32>
    %dot_general3A_588 = arith.constant dense<0.000000e+00> : vector<32x32xf32>
    %dot_general3A_589 = tpu.matmul %convert_element_type3A_581, %transpose3A_587, %dot_general3A_588 {dimension_numbers = #tpu.dot_dimension_numbers<[1], [0], [0], [1], [0, 0, 1, 1], [], []>, transpose_lhs_hint = false} : vector<32x128xf32>, vector<128x32xf32>, vector<32x32xf32> -> vector<32x32xf32>
    %add3A_590 = arith.addf %add3A_576, %dot_general3A_589 : vector<32x32xf32>
    %slice3A_591 = vector.extract_strided_slice %shift_right_arithmetic3A_5 {offsets = [42, 0], sizes = [1, 128], strides = [1, 1]} : vector<128x128xi32> to vector<1x128xi32>
    %eq3A_592 = vector.broadcast %slice3A_591 : vector<1x128xi32> to vector<32x128xi32>
    %eq3A_593 = arith.cmpi eq, %iota3A, %eq3A_592 : vector<32x128xi32>
    %convert_element_type3A_594 = arith.extui %eq3A_593 : vector<32x128xi1> to vector<32x128xi32>
    %convert_element_type3A_595 = arith.sitofp %convert_element_type3A_594 : vector<32x128xi32> to vector<32x128xf32>
    %slice3A_596 = vector.extract_strided_slice %and3A_7 {offsets = [42, 0], sizes = [1, 128], strides = [1, 1]} : vector<128x128xi32> to vector<1x128xi32>
    %eq3A_597 = vector.broadcast %slice3A_596 : vector<1x128xi32> to vector<32x128xi32>
    %eq3A_598 = arith.cmpi eq, %iota3A, %eq3A_597 : vector<32x128xi32>
    %convert_element_type3A_599 = arith.extui %eq3A_598 : vector<32x128xi1> to vector<32x128xi32>
    %convert_element_type3A_600 = arith.sitofp %convert_element_type3A_599 : vector<32x128xi32> to vector<32x128xf32>
    %transpose3A_601 = tpu.transpose %convert_element_type3A_600, [1, 0] : vector<32x128xf32> -> vector<128x32xf32>
    %dot_general3A_602 = arith.constant dense<0.000000e+00> : vector<32x32xf32>
    %dot_general3A_603 = tpu.matmul %convert_element_type3A_595, %transpose3A_601, %dot_general3A_602 {dimension_numbers = #tpu.dot_dimension_numbers<[1], [0], [0], [1], [0, 0, 1, 1], [], []>, transpose_lhs_hint = false} : vector<32x128xf32>, vector<128x32xf32>, vector<32x32xf32> -> vector<32x32xf32>
    %add3A_604 = arith.addf %add3A_590, %dot_general3A_603 : vector<32x32xf32>
    %slice3A_605 = vector.extract_strided_slice %shift_right_arithmetic3A_5 {offsets = [43, 0], sizes = [1, 128], strides = [1, 1]} : vector<128x128xi32> to vector<1x128xi32>
    %eq3A_606 = vector.broadcast %slice3A_605 : vector<1x128xi32> to vector<32x128xi32>
    %eq3A_607 = arith.cmpi eq, %iota3A, %eq3A_606 : vector<32x128xi32>
    %convert_element_type3A_608 = arith.extui %eq3A_607 : vector<32x128xi1> to vector<32x128xi32>
    %convert_element_type3A_609 = arith.sitofp %convert_element_type3A_608 : vector<32x128xi32> to vector<32x128xf32>
    %slice3A_610 = vector.extract_strided_slice %and3A_7 {offsets = [43, 0], sizes = [1, 128], strides = [1, 1]} : vector<128x128xi32> to vector<1x128xi32>
    %eq3A_611 = vector.broadcast %slice3A_610 : vector<1x128xi32> to vector<32x128xi32>
    %eq3A_612 = arith.cmpi eq, %iota3A, %eq3A_611 : vector<32x128xi32>
    %convert_element_type3A_613 = arith.extui %eq3A_612 : vector<32x128xi1> to vector<32x128xi32>
    %convert_element_type3A_614 = arith.sitofp %convert_element_type3A_613 : vector<32x128xi32> to vector<32x128xf32>
    %transpose3A_615 = tpu.transpose %convert_element_type3A_614, [1, 0] : vector<32x128xf32> -> vector<128x32xf32>
    %dot_general3A_616 = arith.constant dense<0.000000e+00> : vector<32x32xf32>
    %dot_general3A_617 = tpu.matmul %convert_element_type3A_609, %transpose3A_615, %dot_general3A_616 {dimension_numbers = #tpu.dot_dimension_numbers<[1], [0], [0], [1], [0, 0, 1, 1], [], []>, transpose_lhs_hint = false} : vector<32x128xf32>, vector<128x32xf32>, vector<32x32xf32> -> vector<32x32xf32>
    %add3A_618 = arith.addf %add3A_604, %dot_general3A_617 : vector<32x32xf32>
    %slice3A_619 = vector.extract_strided_slice %shift_right_arithmetic3A_5 {offsets = [44, 0], sizes = [1, 128], strides = [1, 1]} : vector<128x128xi32> to vector<1x128xi32>
    %eq3A_620 = vector.broadcast %slice3A_619 : vector<1x128xi32> to vector<32x128xi32>
    %eq3A_621 = arith.cmpi eq, %iota3A, %eq3A_620 : vector<32x128xi32>
    %convert_element_type3A_622 = arith.extui %eq3A_621 : vector<32x128xi1> to vector<32x128xi32>
    %convert_element_type3A_623 = arith.sitofp %convert_element_type3A_622 : vector<32x128xi32> to vector<32x128xf32>
    %slice3A_624 = vector.extract_strided_slice %and3A_7 {offsets = [44, 0], sizes = [1, 128], strides = [1, 1]} : vector<128x128xi32> to vector<1x128xi32>
    %eq3A_625 = vector.broadcast %slice3A_624 : vector<1x128xi32> to vector<32x128xi32>
    %eq3A_626 = arith.cmpi eq, %iota3A, %eq3A_625 : vector<32x128xi32>
    %convert_element_type3A_627 = arith.extui %eq3A_626 : vector<32x128xi1> to vector<32x128xi32>
    %convert_element_type3A_628 = arith.sitofp %convert_element_type3A_627 : vector<32x128xi32> to vector<32x128xf32>
    %transpose3A_629 = tpu.transpose %convert_element_type3A_628, [1, 0] : vector<32x128xf32> -> vector<128x32xf32>
    %dot_general3A_630 = arith.constant dense<0.000000e+00> : vector<32x32xf32>
    %dot_general3A_631 = tpu.matmul %convert_element_type3A_623, %transpose3A_629, %dot_general3A_630 {dimension_numbers = #tpu.dot_dimension_numbers<[1], [0], [0], [1], [0, 0, 1, 1], [], []>, transpose_lhs_hint = false} : vector<32x128xf32>, vector<128x32xf32>, vector<32x32xf32> -> vector<32x32xf32>
    %add3A_632 = arith.addf %add3A_618, %dot_general3A_631 : vector<32x32xf32>
    %slice3A_633 = vector.extract_strided_slice %shift_right_arithmetic3A_5 {offsets = [45, 0], sizes = [1, 128], strides = [1, 1]} : vector<128x128xi32> to vector<1x128xi32>
    %eq3A_634 = vector.broadcast %slice3A_633 : vector<1x128xi32> to vector<32x128xi32>
    %eq3A_635 = arith.cmpi eq, %iota3A, %eq3A_634 : vector<32x128xi32>
    %convert_element_type3A_636 = arith.extui %eq3A_635 : vector<32x128xi1> to vector<32x128xi32>
    %convert_element_type3A_637 = arith.sitofp %convert_element_type3A_636 : vector<32x128xi32> to vector<32x128xf32>
    %slice3A_638 = vector.extract_strided_slice %and3A_7 {offsets = [45, 0], sizes = [1, 128], strides = [1, 1]} : vector<128x128xi32> to vector<1x128xi32>
    %eq3A_639 = vector.broadcast %slice3A_638 : vector<1x128xi32> to vector<32x128xi32>
    %eq3A_640 = arith.cmpi eq, %iota3A, %eq3A_639 : vector<32x128xi32>
    %convert_element_type3A_641 = arith.extui %eq3A_640 : vector<32x128xi1> to vector<32x128xi32>
    %convert_element_type3A_642 = arith.sitofp %convert_element_type3A_641 : vector<32x128xi32> to vector<32x128xf32>
    %transpose3A_643 = tpu.transpose %convert_element_type3A_642, [1, 0] : vector<32x128xf32> -> vector<128x32xf32>
    %dot_general3A_644 = arith.constant dense<0.000000e+00> : vector<32x32xf32>
    %dot_general3A_645 = tpu.matmul %convert_element_type3A_637, %transpose3A_643, %dot_general3A_644 {dimension_numbers = #tpu.dot_dimension_numbers<[1], [0], [0], [1], [0, 0, 1, 1], [], []>, transpose_lhs_hint = false} : vector<32x128xf32>, vector<128x32xf32>, vector<32x32xf32> -> vector<32x32xf32>
    %add3A_646 = arith.addf %add3A_632, %dot_general3A_645 : vector<32x32xf32>
    %slice3A_647 = vector.extract_strided_slice %shift_right_arithmetic3A_5 {offsets = [46, 0], sizes = [1, 128], strides = [1, 1]} : vector<128x128xi32> to vector<1x128xi32>
    %eq3A_648 = vector.broadcast %slice3A_647 : vector<1x128xi32> to vector<32x128xi32>
    %eq3A_649 = arith.cmpi eq, %iota3A, %eq3A_648 : vector<32x128xi32>
    %convert_element_type3A_650 = arith.extui %eq3A_649 : vector<32x128xi1> to vector<32x128xi32>
    %convert_element_type3A_651 = arith.sitofp %convert_element_type3A_650 : vector<32x128xi32> to vector<32x128xf32>
    %slice3A_652 = vector.extract_strided_slice %and3A_7 {offsets = [46, 0], sizes = [1, 128], strides = [1, 1]} : vector<128x128xi32> to vector<1x128xi32>
    %eq3A_653 = vector.broadcast %slice3A_652 : vector<1x128xi32> to vector<32x128xi32>
    %eq3A_654 = arith.cmpi eq, %iota3A, %eq3A_653 : vector<32x128xi32>
    %convert_element_type3A_655 = arith.extui %eq3A_654 : vector<32x128xi1> to vector<32x128xi32>
    %convert_element_type3A_656 = arith.sitofp %convert_element_type3A_655 : vector<32x128xi32> to vector<32x128xf32>
    %transpose3A_657 = tpu.transpose %convert_element_type3A_656, [1, 0] : vector<32x128xf32> -> vector<128x32xf32>
    %dot_general3A_658 = arith.constant dense<0.000000e+00> : vector<32x32xf32>
    %dot_general3A_659 = tpu.matmul %convert_element_type3A_651, %transpose3A_657, %dot_general3A_658 {dimension_numbers = #tpu.dot_dimension_numbers<[1], [0], [0], [1], [0, 0, 1, 1], [], []>, transpose_lhs_hint = false} : vector<32x128xf32>, vector<128x32xf32>, vector<32x32xf32> -> vector<32x32xf32>
    %add3A_660 = arith.addf %add3A_646, %dot_general3A_659 : vector<32x32xf32>
    %slice3A_661 = vector.extract_strided_slice %shift_right_arithmetic3A_5 {offsets = [47, 0], sizes = [1, 128], strides = [1, 1]} : vector<128x128xi32> to vector<1x128xi32>
    %eq3A_662 = vector.broadcast %slice3A_661 : vector<1x128xi32> to vector<32x128xi32>
    %eq3A_663 = arith.cmpi eq, %iota3A, %eq3A_662 : vector<32x128xi32>
    %convert_element_type3A_664 = arith.extui %eq3A_663 : vector<32x128xi1> to vector<32x128xi32>
    %convert_element_type3A_665 = arith.sitofp %convert_element_type3A_664 : vector<32x128xi32> to vector<32x128xf32>
    %slice3A_666 = vector.extract_strided_slice %and3A_7 {offsets = [47, 0], sizes = [1, 128], strides = [1, 1]} : vector<128x128xi32> to vector<1x128xi32>
    %eq3A_667 = vector.broadcast %slice3A_666 : vector<1x128xi32> to vector<32x128xi32>
    %eq3A_668 = arith.cmpi eq, %iota3A, %eq3A_667 : vector<32x128xi32>
    %convert_element_type3A_669 = arith.extui %eq3A_668 : vector<32x128xi1> to vector<32x128xi32>
    %convert_element_type3A_670 = arith.sitofp %convert_element_type3A_669 : vector<32x128xi32> to vector<32x128xf32>
    %transpose3A_671 = tpu.transpose %convert_element_type3A_670, [1, 0] : vector<32x128xf32> -> vector<128x32xf32>
    %dot_general3A_672 = arith.constant dense<0.000000e+00> : vector<32x32xf32>
    %dot_general3A_673 = tpu.matmul %convert_element_type3A_665, %transpose3A_671, %dot_general3A_672 {dimension_numbers = #tpu.dot_dimension_numbers<[1], [0], [0], [1], [0, 0, 1, 1], [], []>, transpose_lhs_hint = false} : vector<32x128xf32>, vector<128x32xf32>, vector<32x32xf32> -> vector<32x32xf32>
    %add3A_674 = arith.addf %add3A_660, %dot_general3A_673 : vector<32x32xf32>
    %slice3A_675 = vector.extract_strided_slice %shift_right_arithmetic3A_5 {offsets = [48, 0], sizes = [1, 128], strides = [1, 1]} : vector<128x128xi32> to vector<1x128xi32>
    %eq3A_676 = vector.broadcast %slice3A_675 : vector<1x128xi32> to vector<32x128xi32>
    %eq3A_677 = arith.cmpi eq, %iota3A, %eq3A_676 : vector<32x128xi32>
    %convert_element_type3A_678 = arith.extui %eq3A_677 : vector<32x128xi1> to vector<32x128xi32>
    %convert_element_type3A_679 = arith.sitofp %convert_element_type3A_678 : vector<32x128xi32> to vector<32x128xf32>
    %slice3A_680 = vector.extract_strided_slice %and3A_7 {offsets = [48, 0], sizes = [1, 128], strides = [1, 1]} : vector<128x128xi32> to vector<1x128xi32>
    %eq3A_681 = vector.broadcast %slice3A_680 : vector<1x128xi32> to vector<32x128xi32>
    %eq3A_682 = arith.cmpi eq, %iota3A, %eq3A_681 : vector<32x128xi32>
    %convert_element_type3A_683 = arith.extui %eq3A_682 : vector<32x128xi1> to vector<32x128xi32>
    %convert_element_type3A_684 = arith.sitofp %convert_element_type3A_683 : vector<32x128xi32> to vector<32x128xf32>
    %transpose3A_685 = tpu.transpose %convert_element_type3A_684, [1, 0] : vector<32x128xf32> -> vector<128x32xf32>
    %dot_general3A_686 = arith.constant dense<0.000000e+00> : vector<32x32xf32>
    %dot_general3A_687 = tpu.matmul %convert_element_type3A_679, %transpose3A_685, %dot_general3A_686 {dimension_numbers = #tpu.dot_dimension_numbers<[1], [0], [0], [1], [0, 0, 1, 1], [], []>, transpose_lhs_hint = false} : vector<32x128xf32>, vector<128x32xf32>, vector<32x32xf32> -> vector<32x32xf32>
    %add3A_688 = arith.addf %add3A_674, %dot_general3A_687 : vector<32x32xf32>
    %slice3A_689 = vector.extract_strided_slice %shift_right_arithmetic3A_5 {offsets = [49, 0], sizes = [1, 128], strides = [1, 1]} : vector<128x128xi32> to vector<1x128xi32>
    %eq3A_690 = vector.broadcast %slice3A_689 : vector<1x128xi32> to vector<32x128xi32>
    %eq3A_691 = arith.cmpi eq, %iota3A, %eq3A_690 : vector<32x128xi32>
    %convert_element_type3A_692 = arith.extui %eq3A_691 : vector<32x128xi1> to vector<32x128xi32>
    %convert_element_type3A_693 = arith.sitofp %convert_element_type3A_692 : vector<32x128xi32> to vector<32x128xf32>
    %slice3A_694 = vector.extract_strided_slice %and3A_7 {offsets = [49, 0], sizes = [1, 128], strides = [1, 1]} : vector<128x128xi32> to vector<1x128xi32>
    %eq3A_695 = vector.broadcast %slice3A_694 : vector<1x128xi32> to vector<32x128xi32>
    %eq3A_696 = arith.cmpi eq, %iota3A, %eq3A_695 : vector<32x128xi32>
    %convert_element_type3A_697 = arith.extui %eq3A_696 : vector<32x128xi1> to vector<32x128xi32>
    %convert_element_type3A_698 = arith.sitofp %convert_element_type3A_697 : vector<32x128xi32> to vector<32x128xf32>
    %transpose3A_699 = tpu.transpose %convert_element_type3A_698, [1, 0] : vector<32x128xf32> -> vector<128x32xf32>
    %dot_general3A_700 = arith.constant dense<0.000000e+00> : vector<32x32xf32>
    %dot_general3A_701 = tpu.matmul %convert_element_type3A_693, %transpose3A_699, %dot_general3A_700 {dimension_numbers = #tpu.dot_dimension_numbers<[1], [0], [0], [1], [0, 0, 1, 1], [], []>, transpose_lhs_hint = false} : vector<32x128xf32>, vector<128x32xf32>, vector<32x32xf32> -> vector<32x32xf32>
    %add3A_702 = arith.addf %add3A_688, %dot_general3A_701 : vector<32x32xf32>
    %slice3A_703 = vector.extract_strided_slice %shift_right_arithmetic3A_5 {offsets = [50, 0], sizes = [1, 128], strides = [1, 1]} : vector<128x128xi32> to vector<1x128xi32>
    %eq3A_704 = vector.broadcast %slice3A_703 : vector<1x128xi32> to vector<32x128xi32>
    %eq3A_705 = arith.cmpi eq, %iota3A, %eq3A_704 : vector<32x128xi32>
    %convert_element_type3A_706 = arith.extui %eq3A_705 : vector<32x128xi1> to vector<32x128xi32>
    %convert_element_type3A_707 = arith.sitofp %convert_element_type3A_706 : vector<32x128xi32> to vector<32x128xf32>
    %slice3A_708 = vector.extract_strided_slice %and3A_7 {offsets = [50, 0], sizes = [1, 128], strides = [1, 1]} : vector<128x128xi32> to vector<1x128xi32>
    %eq3A_709 = vector.broadcast %slice3A_708 : vector<1x128xi32> to vector<32x128xi32>
    %eq3A_710 = arith.cmpi eq, %iota3A, %eq3A_709 : vector<32x128xi32>
    %convert_element_type3A_711 = arith.extui %eq3A_710 : vector<32x128xi1> to vector<32x128xi32>
    %convert_element_type3A_712 = arith.sitofp %convert_element_type3A_711 : vector<32x128xi32> to vector<32x128xf32>
    %transpose3A_713 = tpu.transpose %convert_element_type3A_712, [1, 0] : vector<32x128xf32> -> vector<128x32xf32>
    %dot_general3A_714 = arith.constant dense<0.000000e+00> : vector<32x32xf32>
    %dot_general3A_715 = tpu.matmul %convert_element_type3A_707, %transpose3A_713, %dot_general3A_714 {dimension_numbers = #tpu.dot_dimension_numbers<[1], [0], [0], [1], [0, 0, 1, 1], [], []>, transpose_lhs_hint = false} : vector<32x128xf32>, vector<128x32xf32>, vector<32x32xf32> -> vector<32x32xf32>
    %add3A_716 = arith.addf %add3A_702, %dot_general3A_715 : vector<32x32xf32>
    %slice3A_717 = vector.extract_strided_slice %shift_right_arithmetic3A_5 {offsets = [51, 0], sizes = [1, 128], strides = [1, 1]} : vector<128x128xi32> to vector<1x128xi32>
    %eq3A_718 = vector.broadcast %slice3A_717 : vector<1x128xi32> to vector<32x128xi32>
    %eq3A_719 = arith.cmpi eq, %iota3A, %eq3A_718 : vector<32x128xi32>
    %convert_element_type3A_720 = arith.extui %eq3A_719 : vector<32x128xi1> to vector<32x128xi32>
    %convert_element_type3A_721 = arith.sitofp %convert_element_type3A_720 : vector<32x128xi32> to vector<32x128xf32>
    %slice3A_722 = vector.extract_strided_slice %and3A_7 {offsets = [51, 0], sizes = [1, 128], strides = [1, 1]} : vector<128x128xi32> to vector<1x128xi32>
    %eq3A_723 = vector.broadcast %slice3A_722 : vector<1x128xi32> to vector<32x128xi32>
    %eq3A_724 = arith.cmpi eq, %iota3A, %eq3A_723 : vector<32x128xi32>
    %convert_element_type3A_725 = arith.extui %eq3A_724 : vector<32x128xi1> to vector<32x128xi32>
    %convert_element_type3A_726 = arith.sitofp %convert_element_type3A_725 : vector<32x128xi32> to vector<32x128xf32>
    %transpose3A_727 = tpu.transpose %convert_element_type3A_726, [1, 0] : vector<32x128xf32> -> vector<128x32xf32>
    %dot_general3A_728 = arith.constant dense<0.000000e+00> : vector<32x32xf32>
    %dot_general3A_729 = tpu.matmul %convert_element_type3A_721, %transpose3A_727, %dot_general3A_728 {dimension_numbers = #tpu.dot_dimension_numbers<[1], [0], [0], [1], [0, 0, 1, 1], [], []>, transpose_lhs_hint = false} : vector<32x128xf32>, vector<128x32xf32>, vector<32x32xf32> -> vector<32x32xf32>
    %add3A_730 = arith.addf %add3A_716, %dot_general3A_729 : vector<32x32xf32>
    %slice3A_731 = vector.extract_strided_slice %shift_right_arithmetic3A_5 {offsets = [52, 0], sizes = [1, 128], strides = [1, 1]} : vector<128x128xi32> to vector<1x128xi32>
    %eq3A_732 = vector.broadcast %slice3A_731 : vector<1x128xi32> to vector<32x128xi32>
    %eq3A_733 = arith.cmpi eq, %iota3A, %eq3A_732 : vector<32x128xi32>
    %convert_element_type3A_734 = arith.extui %eq3A_733 : vector<32x128xi1> to vector<32x128xi32>
    %convert_element_type3A_735 = arith.sitofp %convert_element_type3A_734 : vector<32x128xi32> to vector<32x128xf32>
    %slice3A_736 = vector.extract_strided_slice %and3A_7 {offsets = [52, 0], sizes = [1, 128], strides = [1, 1]} : vector<128x128xi32> to vector<1x128xi32>
    %eq3A_737 = vector.broadcast %slice3A_736 : vector<1x128xi32> to vector<32x128xi32>
    %eq3A_738 = arith.cmpi eq, %iota3A, %eq3A_737 : vector<32x128xi32>
    %convert_element_type3A_739 = arith.extui %eq3A_738 : vector<32x128xi1> to vector<32x128xi32>
    %convert_element_type3A_740 = arith.sitofp %convert_element_type3A_739 : vector<32x128xi32> to vector<32x128xf32>
    %transpose3A_741 = tpu.transpose %convert_element_type3A_740, [1, 0] : vector<32x128xf32> -> vector<128x32xf32>
    %dot_general3A_742 = arith.constant dense<0.000000e+00> : vector<32x32xf32>
    %dot_general3A_743 = tpu.matmul %convert_element_type3A_735, %transpose3A_741, %dot_general3A_742 {dimension_numbers = #tpu.dot_dimension_numbers<[1], [0], [0], [1], [0, 0, 1, 1], [], []>, transpose_lhs_hint = false} : vector<32x128xf32>, vector<128x32xf32>, vector<32x32xf32> -> vector<32x32xf32>
    %add3A_744 = arith.addf %add3A_730, %dot_general3A_743 : vector<32x32xf32>
    %slice3A_745 = vector.extract_strided_slice %shift_right_arithmetic3A_5 {offsets = [53, 0], sizes = [1, 128], strides = [1, 1]} : vector<128x128xi32> to vector<1x128xi32>
    %eq3A_746 = vector.broadcast %slice3A_745 : vector<1x128xi32> to vector<32x128xi32>
    %eq3A_747 = arith.cmpi eq, %iota3A, %eq3A_746 : vector<32x128xi32>
    %convert_element_type3A_748 = arith.extui %eq3A_747 : vector<32x128xi1> to vector<32x128xi32>
    %convert_element_type3A_749 = arith.sitofp %convert_element_type3A_748 : vector<32x128xi32> to vector<32x128xf32>
    %slice3A_750 = vector.extract_strided_slice %and3A_7 {offsets = [53, 0], sizes = [1, 128], strides = [1, 1]} : vector<128x128xi32> to vector<1x128xi32>
    %eq3A_751 = vector.broadcast %slice3A_750 : vector<1x128xi32> to vector<32x128xi32>
    %eq3A_752 = arith.cmpi eq, %iota3A, %eq3A_751 : vector<32x128xi32>
    %convert_element_type3A_753 = arith.extui %eq3A_752 : vector<32x128xi1> to vector<32x128xi32>
    %convert_element_type3A_754 = arith.sitofp %convert_element_type3A_753 : vector<32x128xi32> to vector<32x128xf32>
    %transpose3A_755 = tpu.transpose %convert_element_type3A_754, [1, 0] : vector<32x128xf32> -> vector<128x32xf32>
    %dot_general3A_756 = arith.constant dense<0.000000e+00> : vector<32x32xf32>
    %dot_general3A_757 = tpu.matmul %convert_element_type3A_749, %transpose3A_755, %dot_general3A_756 {dimension_numbers = #tpu.dot_dimension_numbers<[1], [0], [0], [1], [0, 0, 1, 1], [], []>, transpose_lhs_hint = false} : vector<32x128xf32>, vector<128x32xf32>, vector<32x32xf32> -> vector<32x32xf32>
    %add3A_758 = arith.addf %add3A_744, %dot_general3A_757 : vector<32x32xf32>
    %slice3A_759 = vector.extract_strided_slice %shift_right_arithmetic3A_5 {offsets = [54, 0], sizes = [1, 128], strides = [1, 1]} : vector<128x128xi32> to vector<1x128xi32>
    %eq3A_760 = vector.broadcast %slice3A_759 : vector<1x128xi32> to vector<32x128xi32>
    %eq3A_761 = arith.cmpi eq, %iota3A, %eq3A_760 : vector<32x128xi32>
    %convert_element_type3A_762 = arith.extui %eq3A_761 : vector<32x128xi1> to vector<32x128xi32>
    %convert_element_type3A_763 = arith.sitofp %convert_element_type3A_762 : vector<32x128xi32> to vector<32x128xf32>
    %slice3A_764 = vector.extract_strided_slice %and3A_7 {offsets = [54, 0], sizes = [1, 128], strides = [1, 1]} : vector<128x128xi32> to vector<1x128xi32>
    %eq3A_765 = vector.broadcast %slice3A_764 : vector<1x128xi32> to vector<32x128xi32>
    %eq3A_766 = arith.cmpi eq, %iota3A, %eq3A_765 : vector<32x128xi32>
    %convert_element_type3A_767 = arith.extui %eq3A_766 : vector<32x128xi1> to vector<32x128xi32>
    %convert_element_type3A_768 = arith.sitofp %convert_element_type3A_767 : vector<32x128xi32> to vector<32x128xf32>
    %transpose3A_769 = tpu.transpose %convert_element_type3A_768, [1, 0] : vector<32x128xf32> -> vector<128x32xf32>
    %dot_general3A_770 = arith.constant dense<0.000000e+00> : vector<32x32xf32>
    %dot_general3A_771 = tpu.matmul %convert_element_type3A_763, %transpose3A_769, %dot_general3A_770 {dimension_numbers = #tpu.dot_dimension_numbers<[1], [0], [0], [1], [0, 0, 1, 1], [], []>, transpose_lhs_hint = false} : vector<32x128xf32>, vector<128x32xf32>, vector<32x32xf32> -> vector<32x32xf32>
    %add3A_772 = arith.addf %add3A_758, %dot_general3A_771 : vector<32x32xf32>
    %slice3A_773 = vector.extract_strided_slice %shift_right_arithmetic3A_5 {offsets = [55, 0], sizes = [1, 128], strides = [1, 1]} : vector<128x128xi32> to vector<1x128xi32>
    %eq3A_774 = vector.broadcast %slice3A_773 : vector<1x128xi32> to vector<32x128xi32>
    %eq3A_775 = arith.cmpi eq, %iota3A, %eq3A_774 : vector<32x128xi32>
    %convert_element_type3A_776 = arith.extui %eq3A_775 : vector<32x128xi1> to vector<32x128xi32>
    %convert_element_type3A_777 = arith.sitofp %convert_element_type3A_776 : vector<32x128xi32> to vector<32x128xf32>
    %slice3A_778 = vector.extract_strided_slice %and3A_7 {offsets = [55, 0], sizes = [1, 128], strides = [1, 1]} : vector<128x128xi32> to vector<1x128xi32>
    %eq3A_779 = vector.broadcast %slice3A_778 : vector<1x128xi32> to vector<32x128xi32>
    %eq3A_780 = arith.cmpi eq, %iota3A, %eq3A_779 : vector<32x128xi32>
    %convert_element_type3A_781 = arith.extui %eq3A_780 : vector<32x128xi1> to vector<32x128xi32>
    %convert_element_type3A_782 = arith.sitofp %convert_element_type3A_781 : vector<32x128xi32> to vector<32x128xf32>
    %transpose3A_783 = tpu.transpose %convert_element_type3A_782, [1, 0] : vector<32x128xf32> -> vector<128x32xf32>
    %dot_general3A_784 = arith.constant dense<0.000000e+00> : vector<32x32xf32>
    %dot_general3A_785 = tpu.matmul %convert_element_type3A_777, %transpose3A_783, %dot_general3A_784 {dimension_numbers = #tpu.dot_dimension_numbers<[1], [0], [0], [1], [0, 0, 1, 1], [], []>, transpose_lhs_hint = false} : vector<32x128xf32>, vector<128x32xf32>, vector<32x32xf32> -> vector<32x32xf32>
    %add3A_786 = arith.addf %add3A_772, %dot_general3A_785 : vector<32x32xf32>
    %slice3A_787 = vector.extract_strided_slice %shift_right_arithmetic3A_5 {offsets = [56, 0], sizes = [1, 128], strides = [1, 1]} : vector<128x128xi32> to vector<1x128xi32>
    %eq3A_788 = vector.broadcast %slice3A_787 : vector<1x128xi32> to vector<32x128xi32>
    %eq3A_789 = arith.cmpi eq, %iota3A, %eq3A_788 : vector<32x128xi32>
    %convert_element_type3A_790 = arith.extui %eq3A_789 : vector<32x128xi1> to vector<32x128xi32>
    %convert_element_type3A_791 = arith.sitofp %convert_element_type3A_790 : vector<32x128xi32> to vector<32x128xf32>
    %slice3A_792 = vector.extract_strided_slice %and3A_7 {offsets = [56, 0], sizes = [1, 128], strides = [1, 1]} : vector<128x128xi32> to vector<1x128xi32>
    %eq3A_793 = vector.broadcast %slice3A_792 : vector<1x128xi32> to vector<32x128xi32>
    %eq3A_794 = arith.cmpi eq, %iota3A, %eq3A_793 : vector<32x128xi32>
    %convert_element_type3A_795 = arith.extui %eq3A_794 : vector<32x128xi1> to vector<32x128xi32>
    %convert_element_type3A_796 = arith.sitofp %convert_element_type3A_795 : vector<32x128xi32> to vector<32x128xf32>
    %transpose3A_797 = tpu.transpose %convert_element_type3A_796, [1, 0] : vector<32x128xf32> -> vector<128x32xf32>
    %dot_general3A_798 = arith.constant dense<0.000000e+00> : vector<32x32xf32>
    %dot_general3A_799 = tpu.matmul %convert_element_type3A_791, %transpose3A_797, %dot_general3A_798 {dimension_numbers = #tpu.dot_dimension_numbers<[1], [0], [0], [1], [0, 0, 1, 1], [], []>, transpose_lhs_hint = false} : vector<32x128xf32>, vector<128x32xf32>, vector<32x32xf32> -> vector<32x32xf32>
    %add3A_800 = arith.addf %add3A_786, %dot_general3A_799 : vector<32x32xf32>
    %slice3A_801 = vector.extract_strided_slice %shift_right_arithmetic3A_5 {offsets = [57, 0], sizes = [1, 128], strides = [1, 1]} : vector<128x128xi32> to vector<1x128xi32>
    %eq3A_802 = vector.broadcast %slice3A_801 : vector<1x128xi32> to vector<32x128xi32>
    %eq3A_803 = arith.cmpi eq, %iota3A, %eq3A_802 : vector<32x128xi32>
    %convert_element_type3A_804 = arith.extui %eq3A_803 : vector<32x128xi1> to vector<32x128xi32>
    %convert_element_type3A_805 = arith.sitofp %convert_element_type3A_804 : vector<32x128xi32> to vector<32x128xf32>
    %slice3A_806 = vector.extract_strided_slice %and3A_7 {offsets = [57, 0], sizes = [1, 128], strides = [1, 1]} : vector<128x128xi32> to vector<1x128xi32>
    %eq3A_807 = vector.broadcast %slice3A_806 : vector<1x128xi32> to vector<32x128xi32>
    %eq3A_808 = arith.cmpi eq, %iota3A, %eq3A_807 : vector<32x128xi32>
    %convert_element_type3A_809 = arith.extui %eq3A_808 : vector<32x128xi1> to vector<32x128xi32>
    %convert_element_type3A_810 = arith.sitofp %convert_element_type3A_809 : vector<32x128xi32> to vector<32x128xf32>
    %transpose3A_811 = tpu.transpose %convert_element_type3A_810, [1, 0] : vector<32x128xf32> -> vector<128x32xf32>
    %dot_general3A_812 = arith.constant dense<0.000000e+00> : vector<32x32xf32>
    %dot_general3A_813 = tpu.matmul %convert_element_type3A_805, %transpose3A_811, %dot_general3A_812 {dimension_numbers = #tpu.dot_dimension_numbers<[1], [0], [0], [1], [0, 0, 1, 1], [], []>, transpose_lhs_hint = false} : vector<32x128xf32>, vector<128x32xf32>, vector<32x32xf32> -> vector<32x32xf32>
    %add3A_814 = arith.addf %add3A_800, %dot_general3A_813 : vector<32x32xf32>
    %slice3A_815 = vector.extract_strided_slice %shift_right_arithmetic3A_5 {offsets = [58, 0], sizes = [1, 128], strides = [1, 1]} : vector<128x128xi32> to vector<1x128xi32>
    %eq3A_816 = vector.broadcast %slice3A_815 : vector<1x128xi32> to vector<32x128xi32>
    %eq3A_817 = arith.cmpi eq, %iota3A, %eq3A_816 : vector<32x128xi32>
    %convert_element_type3A_818 = arith.extui %eq3A_817 : vector<32x128xi1> to vector<32x128xi32>
    %convert_element_type3A_819 = arith.sitofp %convert_element_type3A_818 : vector<32x128xi32> to vector<32x128xf32>
    %slice3A_820 = vector.extract_strided_slice %and3A_7 {offsets = [58, 0], sizes = [1, 128], strides = [1, 1]} : vector<128x128xi32> to vector<1x128xi32>
    %eq3A_821 = vector.broadcast %slice3A_820 : vector<1x128xi32> to vector<32x128xi32>
    %eq3A_822 = arith.cmpi eq, %iota3A, %eq3A_821 : vector<32x128xi32>
    %convert_element_type3A_823 = arith.extui %eq3A_822 : vector<32x128xi1> to vector<32x128xi32>
    %convert_element_type3A_824 = arith.sitofp %convert_element_type3A_823 : vector<32x128xi32> to vector<32x128xf32>
    %transpose3A_825 = tpu.transpose %convert_element_type3A_824, [1, 0] : vector<32x128xf32> -> vector<128x32xf32>
    %dot_general3A_826 = arith.constant dense<0.000000e+00> : vector<32x32xf32>
    %dot_general3A_827 = tpu.matmul %convert_element_type3A_819, %transpose3A_825, %dot_general3A_826 {dimension_numbers = #tpu.dot_dimension_numbers<[1], [0], [0], [1], [0, 0, 1, 1], [], []>, transpose_lhs_hint = false} : vector<32x128xf32>, vector<128x32xf32>, vector<32x32xf32> -> vector<32x32xf32>
    %add3A_828 = arith.addf %add3A_814, %dot_general3A_827 : vector<32x32xf32>
    %slice3A_829 = vector.extract_strided_slice %shift_right_arithmetic3A_5 {offsets = [59, 0], sizes = [1, 128], strides = [1, 1]} : vector<128x128xi32> to vector<1x128xi32>
    %eq3A_830 = vector.broadcast %slice3A_829 : vector<1x128xi32> to vector<32x128xi32>
    %eq3A_831 = arith.cmpi eq, %iota3A, %eq3A_830 : vector<32x128xi32>
    %convert_element_type3A_832 = arith.extui %eq3A_831 : vector<32x128xi1> to vector<32x128xi32>
    %convert_element_type3A_833 = arith.sitofp %convert_element_type3A_832 : vector<32x128xi32> to vector<32x128xf32>
    %slice3A_834 = vector.extract_strided_slice %and3A_7 {offsets = [59, 0], sizes = [1, 128], strides = [1, 1]} : vector<128x128xi32> to vector<1x128xi32>
    %eq3A_835 = vector.broadcast %slice3A_834 : vector<1x128xi32> to vector<32x128xi32>
    %eq3A_836 = arith.cmpi eq, %iota3A, %eq3A_835 : vector<32x128xi32>
    %convert_element_type3A_837 = arith.extui %eq3A_836 : vector<32x128xi1> to vector<32x128xi32>
    %convert_element_type3A_838 = arith.sitofp %convert_element_type3A_837 : vector<32x128xi32> to vector<32x128xf32>
    %transpose3A_839 = tpu.transpose %convert_element_type3A_838, [1, 0] : vector<32x128xf32> -> vector<128x32xf32>
    %dot_general3A_840 = arith.constant dense<0.000000e+00> : vector<32x32xf32>
    %dot_general3A_841 = tpu.matmul %convert_element_type3A_833, %transpose3A_839, %dot_general3A_840 {dimension_numbers = #tpu.dot_dimension_numbers<[1], [0], [0], [1], [0, 0, 1, 1], [], []>, transpose_lhs_hint = false} : vector<32x128xf32>, vector<128x32xf32>, vector<32x32xf32> -> vector<32x32xf32>
    %add3A_842 = arith.addf %add3A_828, %dot_general3A_841 : vector<32x32xf32>
    %slice3A_843 = vector.extract_strided_slice %shift_right_arithmetic3A_5 {offsets = [60, 0], sizes = [1, 128], strides = [1, 1]} : vector<128x128xi32> to vector<1x128xi32>
    %eq3A_844 = vector.broadcast %slice3A_843 : vector<1x128xi32> to vector<32x128xi32>
    %eq3A_845 = arith.cmpi eq, %iota3A, %eq3A_844 : vector<32x128xi32>
    %convert_element_type3A_846 = arith.extui %eq3A_845 : vector<32x128xi1> to vector<32x128xi32>
    %convert_element_type3A_847 = arith.sitofp %convert_element_type3A_846 : vector<32x128xi32> to vector<32x128xf32>
    %slice3A_848 = vector.extract_strided_slice %and3A_7 {offsets = [60, 0], sizes = [1, 128], strides = [1, 1]} : vector<128x128xi32> to vector<1x128xi32>
    %eq3A_849 = vector.broadcast %slice3A_848 : vector<1x128xi32> to vector<32x128xi32>
    %eq3A_850 = arith.cmpi eq, %iota3A, %eq3A_849 : vector<32x128xi32>
    %convert_element_type3A_851 = arith.extui %eq3A_850 : vector<32x128xi1> to vector<32x128xi32>
    %convert_element_type3A_852 = arith.sitofp %convert_element_type3A_851 : vector<32x128xi32> to vector<32x128xf32>
    %transpose3A_853 = tpu.transpose %convert_element_type3A_852, [1, 0] : vector<32x128xf32> -> vector<128x32xf32>
    %dot_general3A_854 = arith.constant dense<0.000000e+00> : vector<32x32xf32>
    %dot_general3A_855 = tpu.matmul %convert_element_type3A_847, %transpose3A_853, %dot_general3A_854 {dimension_numbers = #tpu.dot_dimension_numbers<[1], [0], [0], [1], [0, 0, 1, 1], [], []>, transpose_lhs_hint = false} : vector<32x128xf32>, vector<128x32xf32>, vector<32x32xf32> -> vector<32x32xf32>
    %add3A_856 = arith.addf %add3A_842, %dot_general3A_855 : vector<32x32xf32>
    %slice3A_857 = vector.extract_strided_slice %shift_right_arithmetic3A_5 {offsets = [61, 0], sizes = [1, 128], strides = [1, 1]} : vector<128x128xi32> to vector<1x128xi32>
    %eq3A_858 = vector.broadcast %slice3A_857 : vector<1x128xi32> to vector<32x128xi32>
    %eq3A_859 = arith.cmpi eq, %iota3A, %eq3A_858 : vector<32x128xi32>
    %convert_element_type3A_860 = arith.extui %eq3A_859 : vector<32x128xi1> to vector<32x128xi32>
    %convert_element_type3A_861 = arith.sitofp %convert_element_type3A_860 : vector<32x128xi32> to vector<32x128xf32>
    %slice3A_862 = vector.extract_strided_slice %and3A_7 {offsets = [61, 0], sizes = [1, 128], strides = [1, 1]} : vector<128x128xi32> to vector<1x128xi32>
    %eq3A_863 = vector.broadcast %slice3A_862 : vector<1x128xi32> to vector<32x128xi32>
    %eq3A_864 = arith.cmpi eq, %iota3A, %eq3A_863 : vector<32x128xi32>
    %convert_element_type3A_865 = arith.extui %eq3A_864 : vector<32x128xi1> to vector<32x128xi32>
    %convert_element_type3A_866 = arith.sitofp %convert_element_type3A_865 : vector<32x128xi32> to vector<32x128xf32>
    %transpose3A_867 = tpu.transpose %convert_element_type3A_866, [1, 0] : vector<32x128xf32> -> vector<128x32xf32>
    %dot_general3A_868 = arith.constant dense<0.000000e+00> : vector<32x32xf32>
    %dot_general3A_869 = tpu.matmul %convert_element_type3A_861, %transpose3A_867, %dot_general3A_868 {dimension_numbers = #tpu.dot_dimension_numbers<[1], [0], [0], [1], [0, 0, 1, 1], [], []>, transpose_lhs_hint = false} : vector<32x128xf32>, vector<128x32xf32>, vector<32x32xf32> -> vector<32x32xf32>
    %add3A_870 = arith.addf %add3A_856, %dot_general3A_869 : vector<32x32xf32>
    %slice3A_871 = vector.extract_strided_slice %shift_right_arithmetic3A_5 {offsets = [62, 0], sizes = [1, 128], strides = [1, 1]} : vector<128x128xi32> to vector<1x128xi32>
    %eq3A_872 = vector.broadcast %slice3A_871 : vector<1x128xi32> to vector<32x128xi32>
    %eq3A_873 = arith.cmpi eq, %iota3A, %eq3A_872 : vector<32x128xi32>
    %convert_element_type3A_874 = arith.extui %eq3A_873 : vector<32x128xi1> to vector<32x128xi32>
    %convert_element_type3A_875 = arith.sitofp %convert_element_type3A_874 : vector<32x128xi32> to vector<32x128xf32>
    %slice3A_876 = vector.extract_strided_slice %and3A_7 {offsets = [62, 0], sizes = [1, 128], strides = [1, 1]} : vector<128x128xi32> to vector<1x128xi32>
    %eq3A_877 = vector.broadcast %slice3A_876 : vector<1x128xi32> to vector<32x128xi32>
    %eq3A_878 = arith.cmpi eq, %iota3A, %eq3A_877 : vector<32x128xi32>
    %convert_element_type3A_879 = arith.extui %eq3A_878 : vector<32x128xi1> to vector<32x128xi32>
    %convert_element_type3A_880 = arith.sitofp %convert_element_type3A_879 : vector<32x128xi32> to vector<32x128xf32>
    %transpose3A_881 = tpu.transpose %convert_element_type3A_880, [1, 0] : vector<32x128xf32> -> vector<128x32xf32>
    %dot_general3A_882 = arith.constant dense<0.000000e+00> : vector<32x32xf32>
    %dot_general3A_883 = tpu.matmul %convert_element_type3A_875, %transpose3A_881, %dot_general3A_882 {dimension_numbers = #tpu.dot_dimension_numbers<[1], [0], [0], [1], [0, 0, 1, 1], [], []>, transpose_lhs_hint = false} : vector<32x128xf32>, vector<128x32xf32>, vector<32x32xf32> -> vector<32x32xf32>
    %add3A_884 = arith.addf %add3A_870, %dot_general3A_883 : vector<32x32xf32>
    %slice3A_885 = vector.extract_strided_slice %shift_right_arithmetic3A_5 {offsets = [63, 0], sizes = [1, 128], strides = [1, 1]} : vector<128x128xi32> to vector<1x128xi32>
    %eq3A_886 = vector.broadcast %slice3A_885 : vector<1x128xi32> to vector<32x128xi32>
    %eq3A_887 = arith.cmpi eq, %iota3A, %eq3A_886 : vector<32x128xi32>
    %convert_element_type3A_888 = arith.extui %eq3A_887 : vector<32x128xi1> to vector<32x128xi32>
    %convert_element_type3A_889 = arith.sitofp %convert_element_type3A_888 : vector<32x128xi32> to vector<32x128xf32>
    %slice3A_890 = vector.extract_strided_slice %and3A_7 {offsets = [63, 0], sizes = [1, 128], strides = [1, 1]} : vector<128x128xi32> to vector<1x128xi32>
    %eq3A_891 = vector.broadcast %slice3A_890 : vector<1x128xi32> to vector<32x128xi32>
    %eq3A_892 = arith.cmpi eq, %iota3A, %eq3A_891 : vector<32x128xi32>
    %convert_element_type3A_893 = arith.extui %eq3A_892 : vector<32x128xi1> to vector<32x128xi32>
    %convert_element_type3A_894 = arith.sitofp %convert_element_type3A_893 : vector<32x128xi32> to vector<32x128xf32>
    %transpose3A_895 = tpu.transpose %convert_element_type3A_894, [1, 0] : vector<32x128xf32> -> vector<128x32xf32>
    %dot_general3A_896 = arith.constant dense<0.000000e+00> : vector<32x32xf32>
    %dot_general3A_897 = tpu.matmul %convert_element_type3A_889, %transpose3A_895, %dot_general3A_896 {dimension_numbers = #tpu.dot_dimension_numbers<[1], [0], [0], [1], [0, 0, 1, 1], [], []>, transpose_lhs_hint = false} : vector<32x128xf32>, vector<128x32xf32>, vector<32x32xf32> -> vector<32x32xf32>
    %add3A_898 = arith.addf %add3A_884, %dot_general3A_897 : vector<32x32xf32>
    %slice3A_899 = vector.extract_strided_slice %shift_right_arithmetic3A_5 {offsets = [64, 0], sizes = [1, 128], strides = [1, 1]} : vector<128x128xi32> to vector<1x128xi32>
    %eq3A_900 = vector.broadcast %slice3A_899 : vector<1x128xi32> to vector<32x128xi32>
    %eq3A_901 = arith.cmpi eq, %iota3A, %eq3A_900 : vector<32x128xi32>
    %convert_element_type3A_902 = arith.extui %eq3A_901 : vector<32x128xi1> to vector<32x128xi32>
    %convert_element_type3A_903 = arith.sitofp %convert_element_type3A_902 : vector<32x128xi32> to vector<32x128xf32>
    %slice3A_904 = vector.extract_strided_slice %and3A_7 {offsets = [64, 0], sizes = [1, 128], strides = [1, 1]} : vector<128x128xi32> to vector<1x128xi32>
    %eq3A_905 = vector.broadcast %slice3A_904 : vector<1x128xi32> to vector<32x128xi32>
    %eq3A_906 = arith.cmpi eq, %iota3A, %eq3A_905 : vector<32x128xi32>
    %convert_element_type3A_907 = arith.extui %eq3A_906 : vector<32x128xi1> to vector<32x128xi32>
    %convert_element_type3A_908 = arith.sitofp %convert_element_type3A_907 : vector<32x128xi32> to vector<32x128xf32>
    %transpose3A_909 = tpu.transpose %convert_element_type3A_908, [1, 0] : vector<32x128xf32> -> vector<128x32xf32>
    %dot_general3A_910 = arith.constant dense<0.000000e+00> : vector<32x32xf32>
    %dot_general3A_911 = tpu.matmul %convert_element_type3A_903, %transpose3A_909, %dot_general3A_910 {dimension_numbers = #tpu.dot_dimension_numbers<[1], [0], [0], [1], [0, 0, 1, 1], [], []>, transpose_lhs_hint = false} : vector<32x128xf32>, vector<128x32xf32>, vector<32x32xf32> -> vector<32x32xf32>
    %add3A_912 = arith.addf %add3A_898, %dot_general3A_911 : vector<32x32xf32>
    %slice3A_913 = vector.extract_strided_slice %shift_right_arithmetic3A_5 {offsets = [65, 0], sizes = [1, 128], strides = [1, 1]} : vector<128x128xi32> to vector<1x128xi32>
    %eq3A_914 = vector.broadcast %slice3A_913 : vector<1x128xi32> to vector<32x128xi32>
    %eq3A_915 = arith.cmpi eq, %iota3A, %eq3A_914 : vector<32x128xi32>
    %convert_element_type3A_916 = arith.extui %eq3A_915 : vector<32x128xi1> to vector<32x128xi32>
    %convert_element_type3A_917 = arith.sitofp %convert_element_type3A_916 : vector<32x128xi32> to vector<32x128xf32>
    %slice3A_918 = vector.extract_strided_slice %and3A_7 {offsets = [65, 0], sizes = [1, 128], strides = [1, 1]} : vector<128x128xi32> to vector<1x128xi32>
    %eq3A_919 = vector.broadcast %slice3A_918 : vector<1x128xi32> to vector<32x128xi32>
    %eq3A_920 = arith.cmpi eq, %iota3A, %eq3A_919 : vector<32x128xi32>
    %convert_element_type3A_921 = arith.extui %eq3A_920 : vector<32x128xi1> to vector<32x128xi32>
    %convert_element_type3A_922 = arith.sitofp %convert_element_type3A_921 : vector<32x128xi32> to vector<32x128xf32>
    %transpose3A_923 = tpu.transpose %convert_element_type3A_922, [1, 0] : vector<32x128xf32> -> vector<128x32xf32>
    %dot_general3A_924 = arith.constant dense<0.000000e+00> : vector<32x32xf32>
    %dot_general3A_925 = tpu.matmul %convert_element_type3A_917, %transpose3A_923, %dot_general3A_924 {dimension_numbers = #tpu.dot_dimension_numbers<[1], [0], [0], [1], [0, 0, 1, 1], [], []>, transpose_lhs_hint = false} : vector<32x128xf32>, vector<128x32xf32>, vector<32x32xf32> -> vector<32x32xf32>
    %add3A_926 = arith.addf %add3A_912, %dot_general3A_925 : vector<32x32xf32>
    %slice3A_927 = vector.extract_strided_slice %shift_right_arithmetic3A_5 {offsets = [66, 0], sizes = [1, 128], strides = [1, 1]} : vector<128x128xi32> to vector<1x128xi32>
    %eq3A_928 = vector.broadcast %slice3A_927 : vector<1x128xi32> to vector<32x128xi32>
    %eq3A_929 = arith.cmpi eq, %iota3A, %eq3A_928 : vector<32x128xi32>
    %convert_element_type3A_930 = arith.extui %eq3A_929 : vector<32x128xi1> to vector<32x128xi32>
    %convert_element_type3A_931 = arith.sitofp %convert_element_type3A_930 : vector<32x128xi32> to vector<32x128xf32>
    %slice3A_932 = vector.extract_strided_slice %and3A_7 {offsets = [66, 0], sizes = [1, 128], strides = [1, 1]} : vector<128x128xi32> to vector<1x128xi32>
    %eq3A_933 = vector.broadcast %slice3A_932 : vector<1x128xi32> to vector<32x128xi32>
    %eq3A_934 = arith.cmpi eq, %iota3A, %eq3A_933 : vector<32x128xi32>
    %convert_element_type3A_935 = arith.extui %eq3A_934 : vector<32x128xi1> to vector<32x128xi32>
    %convert_element_type3A_936 = arith.sitofp %convert_element_type3A_935 : vector<32x128xi32> to vector<32x128xf32>
    %transpose3A_937 = tpu.transpose %convert_element_type3A_936, [1, 0] : vector<32x128xf32> -> vector<128x32xf32>
    %dot_general3A_938 = arith.constant dense<0.000000e+00> : vector<32x32xf32>
    %dot_general3A_939 = tpu.matmul %convert_element_type3A_931, %transpose3A_937, %dot_general3A_938 {dimension_numbers = #tpu.dot_dimension_numbers<[1], [0], [0], [1], [0, 0, 1, 1], [], []>, transpose_lhs_hint = false} : vector<32x128xf32>, vector<128x32xf32>, vector<32x32xf32> -> vector<32x32xf32>
    %add3A_940 = arith.addf %add3A_926, %dot_general3A_939 : vector<32x32xf32>
    %slice3A_941 = vector.extract_strided_slice %shift_right_arithmetic3A_5 {offsets = [67, 0], sizes = [1, 128], strides = [1, 1]} : vector<128x128xi32> to vector<1x128xi32>
    %eq3A_942 = vector.broadcast %slice3A_941 : vector<1x128xi32> to vector<32x128xi32>
    %eq3A_943 = arith.cmpi eq, %iota3A, %eq3A_942 : vector<32x128xi32>
    %convert_element_type3A_944 = arith.extui %eq3A_943 : vector<32x128xi1> to vector<32x128xi32>
    %convert_element_type3A_945 = arith.sitofp %convert_element_type3A_944 : vector<32x128xi32> to vector<32x128xf32>
    %slice3A_946 = vector.extract_strided_slice %and3A_7 {offsets = [67, 0], sizes = [1, 128], strides = [1, 1]} : vector<128x128xi32> to vector<1x128xi32>
    %eq3A_947 = vector.broadcast %slice3A_946 : vector<1x128xi32> to vector<32x128xi32>
    %eq3A_948 = arith.cmpi eq, %iota3A, %eq3A_947 : vector<32x128xi32>
    %convert_element_type3A_949 = arith.extui %eq3A_948 : vector<32x128xi1> to vector<32x128xi32>
    %convert_element_type3A_950 = arith.sitofp %convert_element_type3A_949 : vector<32x128xi32> to vector<32x128xf32>
    %transpose3A_951 = tpu.transpose %convert_element_type3A_950, [1, 0] : vector<32x128xf32> -> vector<128x32xf32>
    %dot_general3A_952 = arith.constant dense<0.000000e+00> : vector<32x32xf32>
    %dot_general3A_953 = tpu.matmul %convert_element_type3A_945, %transpose3A_951, %dot_general3A_952 {dimension_numbers = #tpu.dot_dimension_numbers<[1], [0], [0], [1], [0, 0, 1, 1], [], []>, transpose_lhs_hint = false} : vector<32x128xf32>, vector<128x32xf32>, vector<32x32xf32> -> vector<32x32xf32>
    %add3A_954 = arith.addf %add3A_940, %dot_general3A_953 : vector<32x32xf32>
    %slice3A_955 = vector.extract_strided_slice %shift_right_arithmetic3A_5 {offsets = [68, 0], sizes = [1, 128], strides = [1, 1]} : vector<128x128xi32> to vector<1x128xi32>
    %eq3A_956 = vector.broadcast %slice3A_955 : vector<1x128xi32> to vector<32x128xi32>
    %eq3A_957 = arith.cmpi eq, %iota3A, %eq3A_956 : vector<32x128xi32>
    %convert_element_type3A_958 = arith.extui %eq3A_957 : vector<32x128xi1> to vector<32x128xi32>
    %convert_element_type3A_959 = arith.sitofp %convert_element_type3A_958 : vector<32x128xi32> to vector<32x128xf32>
    %slice3A_960 = vector.extract_strided_slice %and3A_7 {offsets = [68, 0], sizes = [1, 128], strides = [1, 1]} : vector<128x128xi32> to vector<1x128xi32>
    %eq3A_961 = vector.broadcast %slice3A_960 : vector<1x128xi32> to vector<32x128xi32>
    %eq3A_962 = arith.cmpi eq, %iota3A, %eq3A_961 : vector<32x128xi32>
    %convert_element_type3A_963 = arith.extui %eq3A_962 : vector<32x128xi1> to vector<32x128xi32>
    %convert_element_type3A_964 = arith.sitofp %convert_element_type3A_963 : vector<32x128xi32> to vector<32x128xf32>
    %transpose3A_965 = tpu.transpose %convert_element_type3A_964, [1, 0] : vector<32x128xf32> -> vector<128x32xf32>
    %dot_general3A_966 = arith.constant dense<0.000000e+00> : vector<32x32xf32>
    %dot_general3A_967 = tpu.matmul %convert_element_type3A_959, %transpose3A_965, %dot_general3A_966 {dimension_numbers = #tpu.dot_dimension_numbers<[1], [0], [0], [1], [0, 0, 1, 1], [], []>, transpose_lhs_hint = false} : vector<32x128xf32>, vector<128x32xf32>, vector<32x32xf32> -> vector<32x32xf32>
    %add3A_968 = arith.addf %add3A_954, %dot_general3A_967 : vector<32x32xf32>
    %slice3A_969 = vector.extract_strided_slice %shift_right_arithmetic3A_5 {offsets = [69, 0], sizes = [1, 128], strides = [1, 1]} : vector<128x128xi32> to vector<1x128xi32>
    %eq3A_970 = vector.broadcast %slice3A_969 : vector<1x128xi32> to vector<32x128xi32>
    %eq3A_971 = arith.cmpi eq, %iota3A, %eq3A_970 : vector<32x128xi32>
    %convert_element_type3A_972 = arith.extui %eq3A_971 : vector<32x128xi1> to vector<32x128xi32>
    %convert_element_type3A_973 = arith.sitofp %convert_element_type3A_972 : vector<32x128xi32> to vector<32x128xf32>
    %slice3A_974 = vector.extract_strided_slice %and3A_7 {offsets = [69, 0], sizes = [1, 128], strides = [1, 1]} : vector<128x128xi32> to vector<1x128xi32>
    %eq3A_975 = vector.broadcast %slice3A_974 : vector<1x128xi32> to vector<32x128xi32>
    %eq3A_976 = arith.cmpi eq, %iota3A, %eq3A_975 : vector<32x128xi32>
    %convert_element_type3A_977 = arith.extui %eq3A_976 : vector<32x128xi1> to vector<32x128xi32>
    %convert_element_type3A_978 = arith.sitofp %convert_element_type3A_977 : vector<32x128xi32> to vector<32x128xf32>
    %transpose3A_979 = tpu.transpose %convert_element_type3A_978, [1, 0] : vector<32x128xf32> -> vector<128x32xf32>
    %dot_general3A_980 = arith.constant dense<0.000000e+00> : vector<32x32xf32>
    %dot_general3A_981 = tpu.matmul %convert_element_type3A_973, %transpose3A_979, %dot_general3A_980 {dimension_numbers = #tpu.dot_dimension_numbers<[1], [0], [0], [1], [0, 0, 1, 1], [], []>, transpose_lhs_hint = false} : vector<32x128xf32>, vector<128x32xf32>, vector<32x32xf32> -> vector<32x32xf32>
    %add3A_982 = arith.addf %add3A_968, %dot_general3A_981 : vector<32x32xf32>
    %slice3A_983 = vector.extract_strided_slice %shift_right_arithmetic3A_5 {offsets = [70, 0], sizes = [1, 128], strides = [1, 1]} : vector<128x128xi32> to vector<1x128xi32>
    %eq3A_984 = vector.broadcast %slice3A_983 : vector<1x128xi32> to vector<32x128xi32>
    %eq3A_985 = arith.cmpi eq, %iota3A, %eq3A_984 : vector<32x128xi32>
    %convert_element_type3A_986 = arith.extui %eq3A_985 : vector<32x128xi1> to vector<32x128xi32>
    %convert_element_type3A_987 = arith.sitofp %convert_element_type3A_986 : vector<32x128xi32> to vector<32x128xf32>
    %slice3A_988 = vector.extract_strided_slice %and3A_7 {offsets = [70, 0], sizes = [1, 128], strides = [1, 1]} : vector<128x128xi32> to vector<1x128xi32>
    %eq3A_989 = vector.broadcast %slice3A_988 : vector<1x128xi32> to vector<32x128xi32>
    %eq3A_990 = arith.cmpi eq, %iota3A, %eq3A_989 : vector<32x128xi32>
    %convert_element_type3A_991 = arith.extui %eq3A_990 : vector<32x128xi1> to vector<32x128xi32>
    %convert_element_type3A_992 = arith.sitofp %convert_element_type3A_991 : vector<32x128xi32> to vector<32x128xf32>
    %transpose3A_993 = tpu.transpose %convert_element_type3A_992, [1, 0] : vector<32x128xf32> -> vector<128x32xf32>
    %dot_general3A_994 = arith.constant dense<0.000000e+00> : vector<32x32xf32>
    %dot_general3A_995 = tpu.matmul %convert_element_type3A_987, %transpose3A_993, %dot_general3A_994 {dimension_numbers = #tpu.dot_dimension_numbers<[1], [0], [0], [1], [0, 0, 1, 1], [], []>, transpose_lhs_hint = false} : vector<32x128xf32>, vector<128x32xf32>, vector<32x32xf32> -> vector<32x32xf32>
    %add3A_996 = arith.addf %add3A_982, %dot_general3A_995 : vector<32x32xf32>
    %slice3A_997 = vector.extract_strided_slice %shift_right_arithmetic3A_5 {offsets = [71, 0], sizes = [1, 128], strides = [1, 1]} : vector<128x128xi32> to vector<1x128xi32>
    %eq3A_998 = vector.broadcast %slice3A_997 : vector<1x128xi32> to vector<32x128xi32>
    %eq3A_999 = arith.cmpi eq, %iota3A, %eq3A_998 : vector<32x128xi32>
    %convert_element_type3A_1000 = arith.extui %eq3A_999 : vector<32x128xi1> to vector<32x128xi32>
    %convert_element_type3A_1001 = arith.sitofp %convert_element_type3A_1000 : vector<32x128xi32> to vector<32x128xf32>
    %slice3A_1002 = vector.extract_strided_slice %and3A_7 {offsets = [71, 0], sizes = [1, 128], strides = [1, 1]} : vector<128x128xi32> to vector<1x128xi32>
    %eq3A_1003 = vector.broadcast %slice3A_1002 : vector<1x128xi32> to vector<32x128xi32>
    %eq3A_1004 = arith.cmpi eq, %iota3A, %eq3A_1003 : vector<32x128xi32>
    %convert_element_type3A_1005 = arith.extui %eq3A_1004 : vector<32x128xi1> to vector<32x128xi32>
    %convert_element_type3A_1006 = arith.sitofp %convert_element_type3A_1005 : vector<32x128xi32> to vector<32x128xf32>
    %transpose3A_1007 = tpu.transpose %convert_element_type3A_1006, [1, 0] : vector<32x128xf32> -> vector<128x32xf32>
    %dot_general3A_1008 = arith.constant dense<0.000000e+00> : vector<32x32xf32>
    %dot_general3A_1009 = tpu.matmul %convert_element_type3A_1001, %transpose3A_1007, %dot_general3A_1008 {dimension_numbers = #tpu.dot_dimension_numbers<[1], [0], [0], [1], [0, 0, 1, 1], [], []>, transpose_lhs_hint = false} : vector<32x128xf32>, vector<128x32xf32>, vector<32x32xf32> -> vector<32x32xf32>
    %add3A_1010 = arith.addf %add3A_996, %dot_general3A_1009 : vector<32x32xf32>
    %slice3A_1011 = vector.extract_strided_slice %shift_right_arithmetic3A_5 {offsets = [72, 0], sizes = [1, 128], strides = [1, 1]} : vector<128x128xi32> to vector<1x128xi32>
    %eq3A_1012 = vector.broadcast %slice3A_1011 : vector<1x128xi32> to vector<32x128xi32>
    %eq3A_1013 = arith.cmpi eq, %iota3A, %eq3A_1012 : vector<32x128xi32>
    %convert_element_type3A_1014 = arith.extui %eq3A_1013 : vector<32x128xi1> to vector<32x128xi32>
    %convert_element_type3A_1015 = arith.sitofp %convert_element_type3A_1014 : vector<32x128xi32> to vector<32x128xf32>
    %slice3A_1016 = vector.extract_strided_slice %and3A_7 {offsets = [72, 0], sizes = [1, 128], strides = [1, 1]} : vector<128x128xi32> to vector<1x128xi32>
    %eq3A_1017 = vector.broadcast %slice3A_1016 : vector<1x128xi32> to vector<32x128xi32>
    %eq3A_1018 = arith.cmpi eq, %iota3A, %eq3A_1017 : vector<32x128xi32>
    %convert_element_type3A_1019 = arith.extui %eq3A_1018 : vector<32x128xi1> to vector<32x128xi32>
    %convert_element_type3A_1020 = arith.sitofp %convert_element_type3A_1019 : vector<32x128xi32> to vector<32x128xf32>
    %transpose3A_1021 = tpu.transpose %convert_element_type3A_1020, [1, 0] : vector<32x128xf32> -> vector<128x32xf32>
    %dot_general3A_1022 = arith.constant dense<0.000000e+00> : vector<32x32xf32>
    %dot_general3A_1023 = tpu.matmul %convert_element_type3A_1015, %transpose3A_1021, %dot_general3A_1022 {dimension_numbers = #tpu.dot_dimension_numbers<[1], [0], [0], [1], [0, 0, 1, 1], [], []>, transpose_lhs_hint = false} : vector<32x128xf32>, vector<128x32xf32>, vector<32x32xf32> -> vector<32x32xf32>
    %add3A_1024 = arith.addf %add3A_1010, %dot_general3A_1023 : vector<32x32xf32>
    %slice3A_1025 = vector.extract_strided_slice %shift_right_arithmetic3A_5 {offsets = [73, 0], sizes = [1, 128], strides = [1, 1]} : vector<128x128xi32> to vector<1x128xi32>
    %eq3A_1026 = vector.broadcast %slice3A_1025 : vector<1x128xi32> to vector<32x128xi32>
    %eq3A_1027 = arith.cmpi eq, %iota3A, %eq3A_1026 : vector<32x128xi32>
    %convert_element_type3A_1028 = arith.extui %eq3A_1027 : vector<32x128xi1> to vector<32x128xi32>
    %convert_element_type3A_1029 = arith.sitofp %convert_element_type3A_1028 : vector<32x128xi32> to vector<32x128xf32>
    %slice3A_1030 = vector.extract_strided_slice %and3A_7 {offsets = [73, 0], sizes = [1, 128], strides = [1, 1]} : vector<128x128xi32> to vector<1x128xi32>
    %eq3A_1031 = vector.broadcast %slice3A_1030 : vector<1x128xi32> to vector<32x128xi32>
    %eq3A_1032 = arith.cmpi eq, %iota3A, %eq3A_1031 : vector<32x128xi32>
    %convert_element_type3A_1033 = arith.extui %eq3A_1032 : vector<32x128xi1> to vector<32x128xi32>
    %convert_element_type3A_1034 = arith.sitofp %convert_element_type3A_1033 : vector<32x128xi32> to vector<32x128xf32>
    %transpose3A_1035 = tpu.transpose %convert_element_type3A_1034, [1, 0] : vector<32x128xf32> -> vector<128x32xf32>
    %dot_general3A_1036 = arith.constant dense<0.000000e+00> : vector<32x32xf32>
    %dot_general3A_1037 = tpu.matmul %convert_element_type3A_1029, %transpose3A_1035, %dot_general3A_1036 {dimension_numbers = #tpu.dot_dimension_numbers<[1], [0], [0], [1], [0, 0, 1, 1], [], []>, transpose_lhs_hint = false} : vector<32x128xf32>, vector<128x32xf32>, vector<32x32xf32> -> vector<32x32xf32>
    %add3A_1038 = arith.addf %add3A_1024, %dot_general3A_1037 : vector<32x32xf32>
    %slice3A_1039 = vector.extract_strided_slice %shift_right_arithmetic3A_5 {offsets = [74, 0], sizes = [1, 128], strides = [1, 1]} : vector<128x128xi32> to vector<1x128xi32>
    %eq3A_1040 = vector.broadcast %slice3A_1039 : vector<1x128xi32> to vector<32x128xi32>
    %eq3A_1041 = arith.cmpi eq, %iota3A, %eq3A_1040 : vector<32x128xi32>
    %convert_element_type3A_1042 = arith.extui %eq3A_1041 : vector<32x128xi1> to vector<32x128xi32>
    %convert_element_type3A_1043 = arith.sitofp %convert_element_type3A_1042 : vector<32x128xi32> to vector<32x128xf32>
    %slice3A_1044 = vector.extract_strided_slice %and3A_7 {offsets = [74, 0], sizes = [1, 128], strides = [1, 1]} : vector<128x128xi32> to vector<1x128xi32>
    %eq3A_1045 = vector.broadcast %slice3A_1044 : vector<1x128xi32> to vector<32x128xi32>
    %eq3A_1046 = arith.cmpi eq, %iota3A, %eq3A_1045 : vector<32x128xi32>
    %convert_element_type3A_1047 = arith.extui %eq3A_1046 : vector<32x128xi1> to vector<32x128xi32>
    %convert_element_type3A_1048 = arith.sitofp %convert_element_type3A_1047 : vector<32x128xi32> to vector<32x128xf32>
    %transpose3A_1049 = tpu.transpose %convert_element_type3A_1048, [1, 0] : vector<32x128xf32> -> vector<128x32xf32>
    %dot_general3A_1050 = arith.constant dense<0.000000e+00> : vector<32x32xf32>
    %dot_general3A_1051 = tpu.matmul %convert_element_type3A_1043, %transpose3A_1049, %dot_general3A_1050 {dimension_numbers = #tpu.dot_dimension_numbers<[1], [0], [0], [1], [0, 0, 1, 1], [], []>, transpose_lhs_hint = false} : vector<32x128xf32>, vector<128x32xf32>, vector<32x32xf32> -> vector<32x32xf32>
    %add3A_1052 = arith.addf %add3A_1038, %dot_general3A_1051 : vector<32x32xf32>
    %slice3A_1053 = vector.extract_strided_slice %shift_right_arithmetic3A_5 {offsets = [75, 0], sizes = [1, 128], strides = [1, 1]} : vector<128x128xi32> to vector<1x128xi32>
    %eq3A_1054 = vector.broadcast %slice3A_1053 : vector<1x128xi32> to vector<32x128xi32>
    %eq3A_1055 = arith.cmpi eq, %iota3A, %eq3A_1054 : vector<32x128xi32>
    %convert_element_type3A_1056 = arith.extui %eq3A_1055 : vector<32x128xi1> to vector<32x128xi32>
    %convert_element_type3A_1057 = arith.sitofp %convert_element_type3A_1056 : vector<32x128xi32> to vector<32x128xf32>
    %slice3A_1058 = vector.extract_strided_slice %and3A_7 {offsets = [75, 0], sizes = [1, 128], strides = [1, 1]} : vector<128x128xi32> to vector<1x128xi32>
    %eq3A_1059 = vector.broadcast %slice3A_1058 : vector<1x128xi32> to vector<32x128xi32>
    %eq3A_1060 = arith.cmpi eq, %iota3A, %eq3A_1059 : vector<32x128xi32>
    %convert_element_type3A_1061 = arith.extui %eq3A_1060 : vector<32x128xi1> to vector<32x128xi32>
    %convert_element_type3A_1062 = arith.sitofp %convert_element_type3A_1061 : vector<32x128xi32> to vector<32x128xf32>
    %transpose3A_1063 = tpu.transpose %convert_element_type3A_1062, [1, 0] : vector<32x128xf32> -> vector<128x32xf32>
    %dot_general3A_1064 = arith.constant dense<0.000000e+00> : vector<32x32xf32>
    %dot_general3A_1065 = tpu.matmul %convert_element_type3A_1057, %transpose3A_1063, %dot_general3A_1064 {dimension_numbers = #tpu.dot_dimension_numbers<[1], [0], [0], [1], [0, 0, 1, 1], [], []>, transpose_lhs_hint = false} : vector<32x128xf32>, vector<128x32xf32>, vector<32x32xf32> -> vector<32x32xf32>
    %add3A_1066 = arith.addf %add3A_1052, %dot_general3A_1065 : vector<32x32xf32>
    %slice3A_1067 = vector.extract_strided_slice %shift_right_arithmetic3A_5 {offsets = [76, 0], sizes = [1, 128], strides = [1, 1]} : vector<128x128xi32> to vector<1x128xi32>
    %eq3A_1068 = vector.broadcast %slice3A_1067 : vector<1x128xi32> to vector<32x128xi32>
    %eq3A_1069 = arith.cmpi eq, %iota3A, %eq3A_1068 : vector<32x128xi32>
    %convert_element_type3A_1070 = arith.extui %eq3A_1069 : vector<32x128xi1> to vector<32x128xi32>
    %convert_element_type3A_1071 = arith.sitofp %convert_element_type3A_1070 : vector<32x128xi32> to vector<32x128xf32>
    %slice3A_1072 = vector.extract_strided_slice %and3A_7 {offsets = [76, 0], sizes = [1, 128], strides = [1, 1]} : vector<128x128xi32> to vector<1x128xi32>
    %eq3A_1073 = vector.broadcast %slice3A_1072 : vector<1x128xi32> to vector<32x128xi32>
    %eq3A_1074 = arith.cmpi eq, %iota3A, %eq3A_1073 : vector<32x128xi32>
    %convert_element_type3A_1075 = arith.extui %eq3A_1074 : vector<32x128xi1> to vector<32x128xi32>
    %convert_element_type3A_1076 = arith.sitofp %convert_element_type3A_1075 : vector<32x128xi32> to vector<32x128xf32>
    %transpose3A_1077 = tpu.transpose %convert_element_type3A_1076, [1, 0] : vector<32x128xf32> -> vector<128x32xf32>
    %dot_general3A_1078 = arith.constant dense<0.000000e+00> : vector<32x32xf32>
    %dot_general3A_1079 = tpu.matmul %convert_element_type3A_1071, %transpose3A_1077, %dot_general3A_1078 {dimension_numbers = #tpu.dot_dimension_numbers<[1], [0], [0], [1], [0, 0, 1, 1], [], []>, transpose_lhs_hint = false} : vector<32x128xf32>, vector<128x32xf32>, vector<32x32xf32> -> vector<32x32xf32>
    %add3A_1080 = arith.addf %add3A_1066, %dot_general3A_1079 : vector<32x32xf32>
    %slice3A_1081 = vector.extract_strided_slice %shift_right_arithmetic3A_5 {offsets = [77, 0], sizes = [1, 128], strides = [1, 1]} : vector<128x128xi32> to vector<1x128xi32>
    %eq3A_1082 = vector.broadcast %slice3A_1081 : vector<1x128xi32> to vector<32x128xi32>
    %eq3A_1083 = arith.cmpi eq, %iota3A, %eq3A_1082 : vector<32x128xi32>
    %convert_element_type3A_1084 = arith.extui %eq3A_1083 : vector<32x128xi1> to vector<32x128xi32>
    %convert_element_type3A_1085 = arith.sitofp %convert_element_type3A_1084 : vector<32x128xi32> to vector<32x128xf32>
    %slice3A_1086 = vector.extract_strided_slice %and3A_7 {offsets = [77, 0], sizes = [1, 128], strides = [1, 1]} : vector<128x128xi32> to vector<1x128xi32>
    %eq3A_1087 = vector.broadcast %slice3A_1086 : vector<1x128xi32> to vector<32x128xi32>
    %eq3A_1088 = arith.cmpi eq, %iota3A, %eq3A_1087 : vector<32x128xi32>
    %convert_element_type3A_1089 = arith.extui %eq3A_1088 : vector<32x128xi1> to vector<32x128xi32>
    %convert_element_type3A_1090 = arith.sitofp %convert_element_type3A_1089 : vector<32x128xi32> to vector<32x128xf32>
    %transpose3A_1091 = tpu.transpose %convert_element_type3A_1090, [1, 0] : vector<32x128xf32> -> vector<128x32xf32>
    %dot_general3A_1092 = arith.constant dense<0.000000e+00> : vector<32x32xf32>
    %dot_general3A_1093 = tpu.matmul %convert_element_type3A_1085, %transpose3A_1091, %dot_general3A_1092 {dimension_numbers = #tpu.dot_dimension_numbers<[1], [0], [0], [1], [0, 0, 1, 1], [], []>, transpose_lhs_hint = false} : vector<32x128xf32>, vector<128x32xf32>, vector<32x32xf32> -> vector<32x32xf32>
    %add3A_1094 = arith.addf %add3A_1080, %dot_general3A_1093 : vector<32x32xf32>
    %slice3A_1095 = vector.extract_strided_slice %shift_right_arithmetic3A_5 {offsets = [78, 0], sizes = [1, 128], strides = [1, 1]} : vector<128x128xi32> to vector<1x128xi32>
    %eq3A_1096 = vector.broadcast %slice3A_1095 : vector<1x128xi32> to vector<32x128xi32>
    %eq3A_1097 = arith.cmpi eq, %iota3A, %eq3A_1096 : vector<32x128xi32>
    %convert_element_type3A_1098 = arith.extui %eq3A_1097 : vector<32x128xi1> to vector<32x128xi32>
    %convert_element_type3A_1099 = arith.sitofp %convert_element_type3A_1098 : vector<32x128xi32> to vector<32x128xf32>
    %slice3A_1100 = vector.extract_strided_slice %and3A_7 {offsets = [78, 0], sizes = [1, 128], strides = [1, 1]} : vector<128x128xi32> to vector<1x128xi32>
    %eq3A_1101 = vector.broadcast %slice3A_1100 : vector<1x128xi32> to vector<32x128xi32>
    %eq3A_1102 = arith.cmpi eq, %iota3A, %eq3A_1101 : vector<32x128xi32>
    %convert_element_type3A_1103 = arith.extui %eq3A_1102 : vector<32x128xi1> to vector<32x128xi32>
    %convert_element_type3A_1104 = arith.sitofp %convert_element_type3A_1103 : vector<32x128xi32> to vector<32x128xf32>
    %transpose3A_1105 = tpu.transpose %convert_element_type3A_1104, [1, 0] : vector<32x128xf32> -> vector<128x32xf32>
    %dot_general3A_1106 = arith.constant dense<0.000000e+00> : vector<32x32xf32>
    %dot_general3A_1107 = tpu.matmul %convert_element_type3A_1099, %transpose3A_1105, %dot_general3A_1106 {dimension_numbers = #tpu.dot_dimension_numbers<[1], [0], [0], [1], [0, 0, 1, 1], [], []>, transpose_lhs_hint = false} : vector<32x128xf32>, vector<128x32xf32>, vector<32x32xf32> -> vector<32x32xf32>
    %add3A_1108 = arith.addf %add3A_1094, %dot_general3A_1107 : vector<32x32xf32>
    %slice3A_1109 = vector.extract_strided_slice %shift_right_arithmetic3A_5 {offsets = [79, 0], sizes = [1, 128], strides = [1, 1]} : vector<128x128xi32> to vector<1x128xi32>
    %eq3A_1110 = vector.broadcast %slice3A_1109 : vector<1x128xi32> to vector<32x128xi32>
    %eq3A_1111 = arith.cmpi eq, %iota3A, %eq3A_1110 : vector<32x128xi32>
    %convert_element_type3A_1112 = arith.extui %eq3A_1111 : vector<32x128xi1> to vector<32x128xi32>
    %convert_element_type3A_1113 = arith.sitofp %convert_element_type3A_1112 : vector<32x128xi32> to vector<32x128xf32>
    %slice3A_1114 = vector.extract_strided_slice %and3A_7 {offsets = [79, 0], sizes = [1, 128], strides = [1, 1]} : vector<128x128xi32> to vector<1x128xi32>
    %eq3A_1115 = vector.broadcast %slice3A_1114 : vector<1x128xi32> to vector<32x128xi32>
    %eq3A_1116 = arith.cmpi eq, %iota3A, %eq3A_1115 : vector<32x128xi32>
    %convert_element_type3A_1117 = arith.extui %eq3A_1116 : vector<32x128xi1> to vector<32x128xi32>
    %convert_element_type3A_1118 = arith.sitofp %convert_element_type3A_1117 : vector<32x128xi32> to vector<32x128xf32>
    %transpose3A_1119 = tpu.transpose %convert_element_type3A_1118, [1, 0] : vector<32x128xf32> -> vector<128x32xf32>
    %dot_general3A_1120 = arith.constant dense<0.000000e+00> : vector<32x32xf32>
    %dot_general3A_1121 = tpu.matmul %convert_element_type3A_1113, %transpose3A_1119, %dot_general3A_1120 {dimension_numbers = #tpu.dot_dimension_numbers<[1], [0], [0], [1], [0, 0, 1, 1], [], []>, transpose_lhs_hint = false} : vector<32x128xf32>, vector<128x32xf32>, vector<32x32xf32> -> vector<32x32xf32>
    %add3A_1122 = arith.addf %add3A_1108, %dot_general3A_1121 : vector<32x32xf32>
    %slice3A_1123 = vector.extract_strided_slice %shift_right_arithmetic3A_5 {offsets = [80, 0], sizes = [1, 128], strides = [1, 1]} : vector<128x128xi32> to vector<1x128xi32>
    %eq3A_1124 = vector.broadcast %slice3A_1123 : vector<1x128xi32> to vector<32x128xi32>
    %eq3A_1125 = arith.cmpi eq, %iota3A, %eq3A_1124 : vector<32x128xi32>
    %convert_element_type3A_1126 = arith.extui %eq3A_1125 : vector<32x128xi1> to vector<32x128xi32>
    %convert_element_type3A_1127 = arith.sitofp %convert_element_type3A_1126 : vector<32x128xi32> to vector<32x128xf32>
    %slice3A_1128 = vector.extract_strided_slice %and3A_7 {offsets = [80, 0], sizes = [1, 128], strides = [1, 1]} : vector<128x128xi32> to vector<1x128xi32>
    %eq3A_1129 = vector.broadcast %slice3A_1128 : vector<1x128xi32> to vector<32x128xi32>
    %eq3A_1130 = arith.cmpi eq, %iota3A, %eq3A_1129 : vector<32x128xi32>
    %convert_element_type3A_1131 = arith.extui %eq3A_1130 : vector<32x128xi1> to vector<32x128xi32>
    %convert_element_type3A_1132 = arith.sitofp %convert_element_type3A_1131 : vector<32x128xi32> to vector<32x128xf32>
    %transpose3A_1133 = tpu.transpose %convert_element_type3A_1132, [1, 0] : vector<32x128xf32> -> vector<128x32xf32>
    %dot_general3A_1134 = arith.constant dense<0.000000e+00> : vector<32x32xf32>
    %dot_general3A_1135 = tpu.matmul %convert_element_type3A_1127, %transpose3A_1133, %dot_general3A_1134 {dimension_numbers = #tpu.dot_dimension_numbers<[1], [0], [0], [1], [0, 0, 1, 1], [], []>, transpose_lhs_hint = false} : vector<32x128xf32>, vector<128x32xf32>, vector<32x32xf32> -> vector<32x32xf32>
    %add3A_1136 = arith.addf %add3A_1122, %dot_general3A_1135 : vector<32x32xf32>
    %slice3A_1137 = vector.extract_strided_slice %shift_right_arithmetic3A_5 {offsets = [81, 0], sizes = [1, 128], strides = [1, 1]} : vector<128x128xi32> to vector<1x128xi32>
    %eq3A_1138 = vector.broadcast %slice3A_1137 : vector<1x128xi32> to vector<32x128xi32>
    %eq3A_1139 = arith.cmpi eq, %iota3A, %eq3A_1138 : vector<32x128xi32>
    %convert_element_type3A_1140 = arith.extui %eq3A_1139 : vector<32x128xi1> to vector<32x128xi32>
    %convert_element_type3A_1141 = arith.sitofp %convert_element_type3A_1140 : vector<32x128xi32> to vector<32x128xf32>
    %slice3A_1142 = vector.extract_strided_slice %and3A_7 {offsets = [81, 0], sizes = [1, 128], strides = [1, 1]} : vector<128x128xi32> to vector<1x128xi32>
    %eq3A_1143 = vector.broadcast %slice3A_1142 : vector<1x128xi32> to vector<32x128xi32>
    %eq3A_1144 = arith.cmpi eq, %iota3A, %eq3A_1143 : vector<32x128xi32>
    %convert_element_type3A_1145 = arith.extui %eq3A_1144 : vector<32x128xi1> to vector<32x128xi32>
    %convert_element_type3A_1146 = arith.sitofp %convert_element_type3A_1145 : vector<32x128xi32> to vector<32x128xf32>
    %transpose3A_1147 = tpu.transpose %convert_element_type3A_1146, [1, 0] : vector<32x128xf32> -> vector<128x32xf32>
    %dot_general3A_1148 = arith.constant dense<0.000000e+00> : vector<32x32xf32>
    %dot_general3A_1149 = tpu.matmul %convert_element_type3A_1141, %transpose3A_1147, %dot_general3A_1148 {dimension_numbers = #tpu.dot_dimension_numbers<[1], [0], [0], [1], [0, 0, 1, 1], [], []>, transpose_lhs_hint = false} : vector<32x128xf32>, vector<128x32xf32>, vector<32x32xf32> -> vector<32x32xf32>
    %add3A_1150 = arith.addf %add3A_1136, %dot_general3A_1149 : vector<32x32xf32>
    %slice3A_1151 = vector.extract_strided_slice %shift_right_arithmetic3A_5 {offsets = [82, 0], sizes = [1, 128], strides = [1, 1]} : vector<128x128xi32> to vector<1x128xi32>
    %eq3A_1152 = vector.broadcast %slice3A_1151 : vector<1x128xi32> to vector<32x128xi32>
    %eq3A_1153 = arith.cmpi eq, %iota3A, %eq3A_1152 : vector<32x128xi32>
    %convert_element_type3A_1154 = arith.extui %eq3A_1153 : vector<32x128xi1> to vector<32x128xi32>
    %convert_element_type3A_1155 = arith.sitofp %convert_element_type3A_1154 : vector<32x128xi32> to vector<32x128xf32>
    %slice3A_1156 = vector.extract_strided_slice %and3A_7 {offsets = [82, 0], sizes = [1, 128], strides = [1, 1]} : vector<128x128xi32> to vector<1x128xi32>
    %eq3A_1157 = vector.broadcast %slice3A_1156 : vector<1x128xi32> to vector<32x128xi32>
    %eq3A_1158 = arith.cmpi eq, %iota3A, %eq3A_1157 : vector<32x128xi32>
    %convert_element_type3A_1159 = arith.extui %eq3A_1158 : vector<32x128xi1> to vector<32x128xi32>
    %convert_element_type3A_1160 = arith.sitofp %convert_element_type3A_1159 : vector<32x128xi32> to vector<32x128xf32>
    %transpose3A_1161 = tpu.transpose %convert_element_type3A_1160, [1, 0] : vector<32x128xf32> -> vector<128x32xf32>
    %dot_general3A_1162 = arith.constant dense<0.000000e+00> : vector<32x32xf32>
    %dot_general3A_1163 = tpu.matmul %convert_element_type3A_1155, %transpose3A_1161, %dot_general3A_1162 {dimension_numbers = #tpu.dot_dimension_numbers<[1], [0], [0], [1], [0, 0, 1, 1], [], []>, transpose_lhs_hint = false} : vector<32x128xf32>, vector<128x32xf32>, vector<32x32xf32> -> vector<32x32xf32>
    %add3A_1164 = arith.addf %add3A_1150, %dot_general3A_1163 : vector<32x32xf32>
    %slice3A_1165 = vector.extract_strided_slice %shift_right_arithmetic3A_5 {offsets = [83, 0], sizes = [1, 128], strides = [1, 1]} : vector<128x128xi32> to vector<1x128xi32>
    %eq3A_1166 = vector.broadcast %slice3A_1165 : vector<1x128xi32> to vector<32x128xi32>
    %eq3A_1167 = arith.cmpi eq, %iota3A, %eq3A_1166 : vector<32x128xi32>
    %convert_element_type3A_1168 = arith.extui %eq3A_1167 : vector<32x128xi1> to vector<32x128xi32>
    %convert_element_type3A_1169 = arith.sitofp %convert_element_type3A_1168 : vector<32x128xi32> to vector<32x128xf32>
    %slice3A_1170 = vector.extract_strided_slice %and3A_7 {offsets = [83, 0], sizes = [1, 128], strides = [1, 1]} : vector<128x128xi32> to vector<1x128xi32>
    %eq3A_1171 = vector.broadcast %slice3A_1170 : vector<1x128xi32> to vector<32x128xi32>
    %eq3A_1172 = arith.cmpi eq, %iota3A, %eq3A_1171 : vector<32x128xi32>
    %convert_element_type3A_1173 = arith.extui %eq3A_1172 : vector<32x128xi1> to vector<32x128xi32>
    %convert_element_type3A_1174 = arith.sitofp %convert_element_type3A_1173 : vector<32x128xi32> to vector<32x128xf32>
    %transpose3A_1175 = tpu.transpose %convert_element_type3A_1174, [1, 0] : vector<32x128xf32> -> vector<128x32xf32>
    %dot_general3A_1176 = arith.constant dense<0.000000e+00> : vector<32x32xf32>
    %dot_general3A_1177 = tpu.matmul %convert_element_type3A_1169, %transpose3A_1175, %dot_general3A_1176 {dimension_numbers = #tpu.dot_dimension_numbers<[1], [0], [0], [1], [0, 0, 1, 1], [], []>, transpose_lhs_hint = false} : vector<32x128xf32>, vector<128x32xf32>, vector<32x32xf32> -> vector<32x32xf32>
    %add3A_1178 = arith.addf %add3A_1164, %dot_general3A_1177 : vector<32x32xf32>
    %slice3A_1179 = vector.extract_strided_slice %shift_right_arithmetic3A_5 {offsets = [84, 0], sizes = [1, 128], strides = [1, 1]} : vector<128x128xi32> to vector<1x128xi32>
    %eq3A_1180 = vector.broadcast %slice3A_1179 : vector<1x128xi32> to vector<32x128xi32>
    %eq3A_1181 = arith.cmpi eq, %iota3A, %eq3A_1180 : vector<32x128xi32>
    %convert_element_type3A_1182 = arith.extui %eq3A_1181 : vector<32x128xi1> to vector<32x128xi32>
    %convert_element_type3A_1183 = arith.sitofp %convert_element_type3A_1182 : vector<32x128xi32> to vector<32x128xf32>
    %slice3A_1184 = vector.extract_strided_slice %and3A_7 {offsets = [84, 0], sizes = [1, 128], strides = [1, 1]} : vector<128x128xi32> to vector<1x128xi32>
    %eq3A_1185 = vector.broadcast %slice3A_1184 : vector<1x128xi32> to vector<32x128xi32>
    %eq3A_1186 = arith.cmpi eq, %iota3A, %eq3A_1185 : vector<32x128xi32>
    %convert_element_type3A_1187 = arith.extui %eq3A_1186 : vector<32x128xi1> to vector<32x128xi32>
    %convert_element_type3A_1188 = arith.sitofp %convert_element_type3A_1187 : vector<32x128xi32> to vector<32x128xf32>
    %transpose3A_1189 = tpu.transpose %convert_element_type3A_1188, [1, 0] : vector<32x128xf32> -> vector<128x32xf32>
    %dot_general3A_1190 = arith.constant dense<0.000000e+00> : vector<32x32xf32>
    %dot_general3A_1191 = tpu.matmul %convert_element_type3A_1183, %transpose3A_1189, %dot_general3A_1190 {dimension_numbers = #tpu.dot_dimension_numbers<[1], [0], [0], [1], [0, 0, 1, 1], [], []>, transpose_lhs_hint = false} : vector<32x128xf32>, vector<128x32xf32>, vector<32x32xf32> -> vector<32x32xf32>
    %add3A_1192 = arith.addf %add3A_1178, %dot_general3A_1191 : vector<32x32xf32>
    %slice3A_1193 = vector.extract_strided_slice %shift_right_arithmetic3A_5 {offsets = [85, 0], sizes = [1, 128], strides = [1, 1]} : vector<128x128xi32> to vector<1x128xi32>
    %eq3A_1194 = vector.broadcast %slice3A_1193 : vector<1x128xi32> to vector<32x128xi32>
    %eq3A_1195 = arith.cmpi eq, %iota3A, %eq3A_1194 : vector<32x128xi32>
    %convert_element_type3A_1196 = arith.extui %eq3A_1195 : vector<32x128xi1> to vector<32x128xi32>
    %convert_element_type3A_1197 = arith.sitofp %convert_element_type3A_1196 : vector<32x128xi32> to vector<32x128xf32>
    %slice3A_1198 = vector.extract_strided_slice %and3A_7 {offsets = [85, 0], sizes = [1, 128], strides = [1, 1]} : vector<128x128xi32> to vector<1x128xi32>
    %eq3A_1199 = vector.broadcast %slice3A_1198 : vector<1x128xi32> to vector<32x128xi32>
    %eq3A_1200 = arith.cmpi eq, %iota3A, %eq3A_1199 : vector<32x128xi32>
    %convert_element_type3A_1201 = arith.extui %eq3A_1200 : vector<32x128xi1> to vector<32x128xi32>
    %convert_element_type3A_1202 = arith.sitofp %convert_element_type3A_1201 : vector<32x128xi32> to vector<32x128xf32>
    %transpose3A_1203 = tpu.transpose %convert_element_type3A_1202, [1, 0] : vector<32x128xf32> -> vector<128x32xf32>
    %dot_general3A_1204 = arith.constant dense<0.000000e+00> : vector<32x32xf32>
    %dot_general3A_1205 = tpu.matmul %convert_element_type3A_1197, %transpose3A_1203, %dot_general3A_1204 {dimension_numbers = #tpu.dot_dimension_numbers<[1], [0], [0], [1], [0, 0, 1, 1], [], []>, transpose_lhs_hint = false} : vector<32x128xf32>, vector<128x32xf32>, vector<32x32xf32> -> vector<32x32xf32>
    %add3A_1206 = arith.addf %add3A_1192, %dot_general3A_1205 : vector<32x32xf32>
    %slice3A_1207 = vector.extract_strided_slice %shift_right_arithmetic3A_5 {offsets = [86, 0], sizes = [1, 128], strides = [1, 1]} : vector<128x128xi32> to vector<1x128xi32>
    %eq3A_1208 = vector.broadcast %slice3A_1207 : vector<1x128xi32> to vector<32x128xi32>
    %eq3A_1209 = arith.cmpi eq, %iota3A, %eq3A_1208 : vector<32x128xi32>
    %convert_element_type3A_1210 = arith.extui %eq3A_1209 : vector<32x128xi1> to vector<32x128xi32>
    %convert_element_type3A_1211 = arith.sitofp %convert_element_type3A_1210 : vector<32x128xi32> to vector<32x128xf32>
    %slice3A_1212 = vector.extract_strided_slice %and3A_7 {offsets = [86, 0], sizes = [1, 128], strides = [1, 1]} : vector<128x128xi32> to vector<1x128xi32>
    %eq3A_1213 = vector.broadcast %slice3A_1212 : vector<1x128xi32> to vector<32x128xi32>
    %eq3A_1214 = arith.cmpi eq, %iota3A, %eq3A_1213 : vector<32x128xi32>
    %convert_element_type3A_1215 = arith.extui %eq3A_1214 : vector<32x128xi1> to vector<32x128xi32>
    %convert_element_type3A_1216 = arith.sitofp %convert_element_type3A_1215 : vector<32x128xi32> to vector<32x128xf32>
    %transpose3A_1217 = tpu.transpose %convert_element_type3A_1216, [1, 0] : vector<32x128xf32> -> vector<128x32xf32>
    %dot_general3A_1218 = arith.constant dense<0.000000e+00> : vector<32x32xf32>
    %dot_general3A_1219 = tpu.matmul %convert_element_type3A_1211, %transpose3A_1217, %dot_general3A_1218 {dimension_numbers = #tpu.dot_dimension_numbers<[1], [0], [0], [1], [0, 0, 1, 1], [], []>, transpose_lhs_hint = false} : vector<32x128xf32>, vector<128x32xf32>, vector<32x32xf32> -> vector<32x32xf32>
    %add3A_1220 = arith.addf %add3A_1206, %dot_general3A_1219 : vector<32x32xf32>
    %slice3A_1221 = vector.extract_strided_slice %shift_right_arithmetic3A_5 {offsets = [87, 0], sizes = [1, 128], strides = [1, 1]} : vector<128x128xi32> to vector<1x128xi32>
    %eq3A_1222 = vector.broadcast %slice3A_1221 : vector<1x128xi32> to vector<32x128xi32>
    %eq3A_1223 = arith.cmpi eq, %iota3A, %eq3A_1222 : vector<32x128xi32>
    %convert_element_type3A_1224 = arith.extui %eq3A_1223 : vector<32x128xi1> to vector<32x128xi32>
    %convert_element_type3A_1225 = arith.sitofp %convert_element_type3A_1224 : vector<32x128xi32> to vector<32x128xf32>
    %slice3A_1226 = vector.extract_strided_slice %and3A_7 {offsets = [87, 0], sizes = [1, 128], strides = [1, 1]} : vector<128x128xi32> to vector<1x128xi32>
    %eq3A_1227 = vector.broadcast %slice3A_1226 : vector<1x128xi32> to vector<32x128xi32>
    %eq3A_1228 = arith.cmpi eq, %iota3A, %eq3A_1227 : vector<32x128xi32>
    %convert_element_type3A_1229 = arith.extui %eq3A_1228 : vector<32x128xi1> to vector<32x128xi32>
    %convert_element_type3A_1230 = arith.sitofp %convert_element_type3A_1229 : vector<32x128xi32> to vector<32x128xf32>
    %transpose3A_1231 = tpu.transpose %convert_element_type3A_1230, [1, 0] : vector<32x128xf32> -> vector<128x32xf32>
    %dot_general3A_1232 = arith.constant dense<0.000000e+00> : vector<32x32xf32>
    %dot_general3A_1233 = tpu.matmul %convert_element_type3A_1225, %transpose3A_1231, %dot_general3A_1232 {dimension_numbers = #tpu.dot_dimension_numbers<[1], [0], [0], [1], [0, 0, 1, 1], [], []>, transpose_lhs_hint = false} : vector<32x128xf32>, vector<128x32xf32>, vector<32x32xf32> -> vector<32x32xf32>
    %add3A_1234 = arith.addf %add3A_1220, %dot_general3A_1233 : vector<32x32xf32>
    %slice3A_1235 = vector.extract_strided_slice %shift_right_arithmetic3A_5 {offsets = [88, 0], sizes = [1, 128], strides = [1, 1]} : vector<128x128xi32> to vector<1x128xi32>
    %eq3A_1236 = vector.broadcast %slice3A_1235 : vector<1x128xi32> to vector<32x128xi32>
    %eq3A_1237 = arith.cmpi eq, %iota3A, %eq3A_1236 : vector<32x128xi32>
    %convert_element_type3A_1238 = arith.extui %eq3A_1237 : vector<32x128xi1> to vector<32x128xi32>
    %convert_element_type3A_1239 = arith.sitofp %convert_element_type3A_1238 : vector<32x128xi32> to vector<32x128xf32>
    %slice3A_1240 = vector.extract_strided_slice %and3A_7 {offsets = [88, 0], sizes = [1, 128], strides = [1, 1]} : vector<128x128xi32> to vector<1x128xi32>
    %eq3A_1241 = vector.broadcast %slice3A_1240 : vector<1x128xi32> to vector<32x128xi32>
    %eq3A_1242 = arith.cmpi eq, %iota3A, %eq3A_1241 : vector<32x128xi32>
    %convert_element_type3A_1243 = arith.extui %eq3A_1242 : vector<32x128xi1> to vector<32x128xi32>
    %convert_element_type3A_1244 = arith.sitofp %convert_element_type3A_1243 : vector<32x128xi32> to vector<32x128xf32>
    %transpose3A_1245 = tpu.transpose %convert_element_type3A_1244, [1, 0] : vector<32x128xf32> -> vector<128x32xf32>
    %dot_general3A_1246 = arith.constant dense<0.000000e+00> : vector<32x32xf32>
    %dot_general3A_1247 = tpu.matmul %convert_element_type3A_1239, %transpose3A_1245, %dot_general3A_1246 {dimension_numbers = #tpu.dot_dimension_numbers<[1], [0], [0], [1], [0, 0, 1, 1], [], []>, transpose_lhs_hint = false} : vector<32x128xf32>, vector<128x32xf32>, vector<32x32xf32> -> vector<32x32xf32>
    %add3A_1248 = arith.addf %add3A_1234, %dot_general3A_1247 : vector<32x32xf32>
    %slice3A_1249 = vector.extract_strided_slice %shift_right_arithmetic3A_5 {offsets = [89, 0], sizes = [1, 128], strides = [1, 1]} : vector<128x128xi32> to vector<1x128xi32>
    %eq3A_1250 = vector.broadcast %slice3A_1249 : vector<1x128xi32> to vector<32x128xi32>
    %eq3A_1251 = arith.cmpi eq, %iota3A, %eq3A_1250 : vector<32x128xi32>
    %convert_element_type3A_1252 = arith.extui %eq3A_1251 : vector<32x128xi1> to vector<32x128xi32>
    %convert_element_type3A_1253 = arith.sitofp %convert_element_type3A_1252 : vector<32x128xi32> to vector<32x128xf32>
    %slice3A_1254 = vector.extract_strided_slice %and3A_7 {offsets = [89, 0], sizes = [1, 128], strides = [1, 1]} : vector<128x128xi32> to vector<1x128xi32>
    %eq3A_1255 = vector.broadcast %slice3A_1254 : vector<1x128xi32> to vector<32x128xi32>
    %eq3A_1256 = arith.cmpi eq, %iota3A, %eq3A_1255 : vector<32x128xi32>
    %convert_element_type3A_1257 = arith.extui %eq3A_1256 : vector<32x128xi1> to vector<32x128xi32>
    %convert_element_type3A_1258 = arith.sitofp %convert_element_type3A_1257 : vector<32x128xi32> to vector<32x128xf32>
    %transpose3A_1259 = tpu.transpose %convert_element_type3A_1258, [1, 0] : vector<32x128xf32> -> vector<128x32xf32>
    %dot_general3A_1260 = arith.constant dense<0.000000e+00> : vector<32x32xf32>
    %dot_general3A_1261 = tpu.matmul %convert_element_type3A_1253, %transpose3A_1259, %dot_general3A_1260 {dimension_numbers = #tpu.dot_dimension_numbers<[1], [0], [0], [1], [0, 0, 1, 1], [], []>, transpose_lhs_hint = false} : vector<32x128xf32>, vector<128x32xf32>, vector<32x32xf32> -> vector<32x32xf32>
    %add3A_1262 = arith.addf %add3A_1248, %dot_general3A_1261 : vector<32x32xf32>
    %slice3A_1263 = vector.extract_strided_slice %shift_right_arithmetic3A_5 {offsets = [90, 0], sizes = [1, 128], strides = [1, 1]} : vector<128x128xi32> to vector<1x128xi32>
    %eq3A_1264 = vector.broadcast %slice3A_1263 : vector<1x128xi32> to vector<32x128xi32>
    %eq3A_1265 = arith.cmpi eq, %iota3A, %eq3A_1264 : vector<32x128xi32>
    %convert_element_type3A_1266 = arith.extui %eq3A_1265 : vector<32x128xi1> to vector<32x128xi32>
    %convert_element_type3A_1267 = arith.sitofp %convert_element_type3A_1266 : vector<32x128xi32> to vector<32x128xf32>
    %slice3A_1268 = vector.extract_strided_slice %and3A_7 {offsets = [90, 0], sizes = [1, 128], strides = [1, 1]} : vector<128x128xi32> to vector<1x128xi32>
    %eq3A_1269 = vector.broadcast %slice3A_1268 : vector<1x128xi32> to vector<32x128xi32>
    %eq3A_1270 = arith.cmpi eq, %iota3A, %eq3A_1269 : vector<32x128xi32>
    %convert_element_type3A_1271 = arith.extui %eq3A_1270 : vector<32x128xi1> to vector<32x128xi32>
    %convert_element_type3A_1272 = arith.sitofp %convert_element_type3A_1271 : vector<32x128xi32> to vector<32x128xf32>
    %transpose3A_1273 = tpu.transpose %convert_element_type3A_1272, [1, 0] : vector<32x128xf32> -> vector<128x32xf32>
    %dot_general3A_1274 = arith.constant dense<0.000000e+00> : vector<32x32xf32>
    %dot_general3A_1275 = tpu.matmul %convert_element_type3A_1267, %transpose3A_1273, %dot_general3A_1274 {dimension_numbers = #tpu.dot_dimension_numbers<[1], [0], [0], [1], [0, 0, 1, 1], [], []>, transpose_lhs_hint = false} : vector<32x128xf32>, vector<128x32xf32>, vector<32x32xf32> -> vector<32x32xf32>
    %add3A_1276 = arith.addf %add3A_1262, %dot_general3A_1275 : vector<32x32xf32>
    %slice3A_1277 = vector.extract_strided_slice %shift_right_arithmetic3A_5 {offsets = [91, 0], sizes = [1, 128], strides = [1, 1]} : vector<128x128xi32> to vector<1x128xi32>
    %eq3A_1278 = vector.broadcast %slice3A_1277 : vector<1x128xi32> to vector<32x128xi32>
    %eq3A_1279 = arith.cmpi eq, %iota3A, %eq3A_1278 : vector<32x128xi32>
    %convert_element_type3A_1280 = arith.extui %eq3A_1279 : vector<32x128xi1> to vector<32x128xi32>
    %convert_element_type3A_1281 = arith.sitofp %convert_element_type3A_1280 : vector<32x128xi32> to vector<32x128xf32>
    %slice3A_1282 = vector.extract_strided_slice %and3A_7 {offsets = [91, 0], sizes = [1, 128], strides = [1, 1]} : vector<128x128xi32> to vector<1x128xi32>
    %eq3A_1283 = vector.broadcast %slice3A_1282 : vector<1x128xi32> to vector<32x128xi32>
    %eq3A_1284 = arith.cmpi eq, %iota3A, %eq3A_1283 : vector<32x128xi32>
    %convert_element_type3A_1285 = arith.extui %eq3A_1284 : vector<32x128xi1> to vector<32x128xi32>
    %convert_element_type3A_1286 = arith.sitofp %convert_element_type3A_1285 : vector<32x128xi32> to vector<32x128xf32>
    %transpose3A_1287 = tpu.transpose %convert_element_type3A_1286, [1, 0] : vector<32x128xf32> -> vector<128x32xf32>
    %dot_general3A_1288 = arith.constant dense<0.000000e+00> : vector<32x32xf32>
    %dot_general3A_1289 = tpu.matmul %convert_element_type3A_1281, %transpose3A_1287, %dot_general3A_1288 {dimension_numbers = #tpu.dot_dimension_numbers<[1], [0], [0], [1], [0, 0, 1, 1], [], []>, transpose_lhs_hint = false} : vector<32x128xf32>, vector<128x32xf32>, vector<32x32xf32> -> vector<32x32xf32>
    %add3A_1290 = arith.addf %add3A_1276, %dot_general3A_1289 : vector<32x32xf32>
    %slice3A_1291 = vector.extract_strided_slice %shift_right_arithmetic3A_5 {offsets = [92, 0], sizes = [1, 128], strides = [1, 1]} : vector<128x128xi32> to vector<1x128xi32>
    %eq3A_1292 = vector.broadcast %slice3A_1291 : vector<1x128xi32> to vector<32x128xi32>
    %eq3A_1293 = arith.cmpi eq, %iota3A, %eq3A_1292 : vector<32x128xi32>
    %convert_element_type3A_1294 = arith.extui %eq3A_1293 : vector<32x128xi1> to vector<32x128xi32>
    %convert_element_type3A_1295 = arith.sitofp %convert_element_type3A_1294 : vector<32x128xi32> to vector<32x128xf32>
    %slice3A_1296 = vector.extract_strided_slice %and3A_7 {offsets = [92, 0], sizes = [1, 128], strides = [1, 1]} : vector<128x128xi32> to vector<1x128xi32>
    %eq3A_1297 = vector.broadcast %slice3A_1296 : vector<1x128xi32> to vector<32x128xi32>
    %eq3A_1298 = arith.cmpi eq, %iota3A, %eq3A_1297 : vector<32x128xi32>
    %convert_element_type3A_1299 = arith.extui %eq3A_1298 : vector<32x128xi1> to vector<32x128xi32>
    %convert_element_type3A_1300 = arith.sitofp %convert_element_type3A_1299 : vector<32x128xi32> to vector<32x128xf32>
    %transpose3A_1301 = tpu.transpose %convert_element_type3A_1300, [1, 0] : vector<32x128xf32> -> vector<128x32xf32>
    %dot_general3A_1302 = arith.constant dense<0.000000e+00> : vector<32x32xf32>
    %dot_general3A_1303 = tpu.matmul %convert_element_type3A_1295, %transpose3A_1301, %dot_general3A_1302 {dimension_numbers = #tpu.dot_dimension_numbers<[1], [0], [0], [1], [0, 0, 1, 1], [], []>, transpose_lhs_hint = false} : vector<32x128xf32>, vector<128x32xf32>, vector<32x32xf32> -> vector<32x32xf32>
    %add3A_1304 = arith.addf %add3A_1290, %dot_general3A_1303 : vector<32x32xf32>
    %slice3A_1305 = vector.extract_strided_slice %shift_right_arithmetic3A_5 {offsets = [93, 0], sizes = [1, 128], strides = [1, 1]} : vector<128x128xi32> to vector<1x128xi32>
    %eq3A_1306 = vector.broadcast %slice3A_1305 : vector<1x128xi32> to vector<32x128xi32>
    %eq3A_1307 = arith.cmpi eq, %iota3A, %eq3A_1306 : vector<32x128xi32>
    %convert_element_type3A_1308 = arith.extui %eq3A_1307 : vector<32x128xi1> to vector<32x128xi32>
    %convert_element_type3A_1309 = arith.sitofp %convert_element_type3A_1308 : vector<32x128xi32> to vector<32x128xf32>
    %slice3A_1310 = vector.extract_strided_slice %and3A_7 {offsets = [93, 0], sizes = [1, 128], strides = [1, 1]} : vector<128x128xi32> to vector<1x128xi32>
    %eq3A_1311 = vector.broadcast %slice3A_1310 : vector<1x128xi32> to vector<32x128xi32>
    %eq3A_1312 = arith.cmpi eq, %iota3A, %eq3A_1311 : vector<32x128xi32>
    %convert_element_type3A_1313 = arith.extui %eq3A_1312 : vector<32x128xi1> to vector<32x128xi32>
    %convert_element_type3A_1314 = arith.sitofp %convert_element_type3A_1313 : vector<32x128xi32> to vector<32x128xf32>
    %transpose3A_1315 = tpu.transpose %convert_element_type3A_1314, [1, 0] : vector<32x128xf32> -> vector<128x32xf32>
    %dot_general3A_1316 = arith.constant dense<0.000000e+00> : vector<32x32xf32>
    %dot_general3A_1317 = tpu.matmul %convert_element_type3A_1309, %transpose3A_1315, %dot_general3A_1316 {dimension_numbers = #tpu.dot_dimension_numbers<[1], [0], [0], [1], [0, 0, 1, 1], [], []>, transpose_lhs_hint = false} : vector<32x128xf32>, vector<128x32xf32>, vector<32x32xf32> -> vector<32x32xf32>
    %add3A_1318 = arith.addf %add3A_1304, %dot_general3A_1317 : vector<32x32xf32>
    %slice3A_1319 = vector.extract_strided_slice %shift_right_arithmetic3A_5 {offsets = [94, 0], sizes = [1, 128], strides = [1, 1]} : vector<128x128xi32> to vector<1x128xi32>
    %eq3A_1320 = vector.broadcast %slice3A_1319 : vector<1x128xi32> to vector<32x128xi32>
    %eq3A_1321 = arith.cmpi eq, %iota3A, %eq3A_1320 : vector<32x128xi32>
    %convert_element_type3A_1322 = arith.extui %eq3A_1321 : vector<32x128xi1> to vector<32x128xi32>
    %convert_element_type3A_1323 = arith.sitofp %convert_element_type3A_1322 : vector<32x128xi32> to vector<32x128xf32>
    %slice3A_1324 = vector.extract_strided_slice %and3A_7 {offsets = [94, 0], sizes = [1, 128], strides = [1, 1]} : vector<128x128xi32> to vector<1x128xi32>
    %eq3A_1325 = vector.broadcast %slice3A_1324 : vector<1x128xi32> to vector<32x128xi32>
    %eq3A_1326 = arith.cmpi eq, %iota3A, %eq3A_1325 : vector<32x128xi32>
    %convert_element_type3A_1327 = arith.extui %eq3A_1326 : vector<32x128xi1> to vector<32x128xi32>
    %convert_element_type3A_1328 = arith.sitofp %convert_element_type3A_1327 : vector<32x128xi32> to vector<32x128xf32>
    %transpose3A_1329 = tpu.transpose %convert_element_type3A_1328, [1, 0] : vector<32x128xf32> -> vector<128x32xf32>
    %dot_general3A_1330 = arith.constant dense<0.000000e+00> : vector<32x32xf32>
    %dot_general3A_1331 = tpu.matmul %convert_element_type3A_1323, %transpose3A_1329, %dot_general3A_1330 {dimension_numbers = #tpu.dot_dimension_numbers<[1], [0], [0], [1], [0, 0, 1, 1], [], []>, transpose_lhs_hint = false} : vector<32x128xf32>, vector<128x32xf32>, vector<32x32xf32> -> vector<32x32xf32>
    %add3A_1332 = arith.addf %add3A_1318, %dot_general3A_1331 : vector<32x32xf32>
    %slice3A_1333 = vector.extract_strided_slice %shift_right_arithmetic3A_5 {offsets = [95, 0], sizes = [1, 128], strides = [1, 1]} : vector<128x128xi32> to vector<1x128xi32>
    %eq3A_1334 = vector.broadcast %slice3A_1333 : vector<1x128xi32> to vector<32x128xi32>
    %eq3A_1335 = arith.cmpi eq, %iota3A, %eq3A_1334 : vector<32x128xi32>
    %convert_element_type3A_1336 = arith.extui %eq3A_1335 : vector<32x128xi1> to vector<32x128xi32>
    %convert_element_type3A_1337 = arith.sitofp %convert_element_type3A_1336 : vector<32x128xi32> to vector<32x128xf32>
    %slice3A_1338 = vector.extract_strided_slice %and3A_7 {offsets = [95, 0], sizes = [1, 128], strides = [1, 1]} : vector<128x128xi32> to vector<1x128xi32>
    %eq3A_1339 = vector.broadcast %slice3A_1338 : vector<1x128xi32> to vector<32x128xi32>
    %eq3A_1340 = arith.cmpi eq, %iota3A, %eq3A_1339 : vector<32x128xi32>
    %convert_element_type3A_1341 = arith.extui %eq3A_1340 : vector<32x128xi1> to vector<32x128xi32>
    %convert_element_type3A_1342 = arith.sitofp %convert_element_type3A_1341 : vector<32x128xi32> to vector<32x128xf32>
    %transpose3A_1343 = tpu.transpose %convert_element_type3A_1342, [1, 0] : vector<32x128xf32> -> vector<128x32xf32>
    %dot_general3A_1344 = arith.constant dense<0.000000e+00> : vector<32x32xf32>
    %dot_general3A_1345 = tpu.matmul %convert_element_type3A_1337, %transpose3A_1343, %dot_general3A_1344 {dimension_numbers = #tpu.dot_dimension_numbers<[1], [0], [0], [1], [0, 0, 1, 1], [], []>, transpose_lhs_hint = false} : vector<32x128xf32>, vector<128x32xf32>, vector<32x32xf32> -> vector<32x32xf32>
    %add3A_1346 = arith.addf %add3A_1332, %dot_general3A_1345 : vector<32x32xf32>
    %slice3A_1347 = vector.extract_strided_slice %shift_right_arithmetic3A_5 {offsets = [96, 0], sizes = [1, 128], strides = [1, 1]} : vector<128x128xi32> to vector<1x128xi32>
    %eq3A_1348 = vector.broadcast %slice3A_1347 : vector<1x128xi32> to vector<32x128xi32>
    %eq3A_1349 = arith.cmpi eq, %iota3A, %eq3A_1348 : vector<32x128xi32>
    %convert_element_type3A_1350 = arith.extui %eq3A_1349 : vector<32x128xi1> to vector<32x128xi32>
    %convert_element_type3A_1351 = arith.sitofp %convert_element_type3A_1350 : vector<32x128xi32> to vector<32x128xf32>
    %slice3A_1352 = vector.extract_strided_slice %and3A_7 {offsets = [96, 0], sizes = [1, 128], strides = [1, 1]} : vector<128x128xi32> to vector<1x128xi32>
    %eq3A_1353 = vector.broadcast %slice3A_1352 : vector<1x128xi32> to vector<32x128xi32>
    %eq3A_1354 = arith.cmpi eq, %iota3A, %eq3A_1353 : vector<32x128xi32>
    %convert_element_type3A_1355 = arith.extui %eq3A_1354 : vector<32x128xi1> to vector<32x128xi32>
    %convert_element_type3A_1356 = arith.sitofp %convert_element_type3A_1355 : vector<32x128xi32> to vector<32x128xf32>
    %transpose3A_1357 = tpu.transpose %convert_element_type3A_1356, [1, 0] : vector<32x128xf32> -> vector<128x32xf32>
    %dot_general3A_1358 = arith.constant dense<0.000000e+00> : vector<32x32xf32>
    %dot_general3A_1359 = tpu.matmul %convert_element_type3A_1351, %transpose3A_1357, %dot_general3A_1358 {dimension_numbers = #tpu.dot_dimension_numbers<[1], [0], [0], [1], [0, 0, 1, 1], [], []>, transpose_lhs_hint = false} : vector<32x128xf32>, vector<128x32xf32>, vector<32x32xf32> -> vector<32x32xf32>
    %add3A_1360 = arith.addf %add3A_1346, %dot_general3A_1359 : vector<32x32xf32>
    %slice3A_1361 = vector.extract_strided_slice %shift_right_arithmetic3A_5 {offsets = [97, 0], sizes = [1, 128], strides = [1, 1]} : vector<128x128xi32> to vector<1x128xi32>
    %eq3A_1362 = vector.broadcast %slice3A_1361 : vector<1x128xi32> to vector<32x128xi32>
    %eq3A_1363 = arith.cmpi eq, %iota3A, %eq3A_1362 : vector<32x128xi32>
    %convert_element_type3A_1364 = arith.extui %eq3A_1363 : vector<32x128xi1> to vector<32x128xi32>
    %convert_element_type3A_1365 = arith.sitofp %convert_element_type3A_1364 : vector<32x128xi32> to vector<32x128xf32>
    %slice3A_1366 = vector.extract_strided_slice %and3A_7 {offsets = [97, 0], sizes = [1, 128], strides = [1, 1]} : vector<128x128xi32> to vector<1x128xi32>
    %eq3A_1367 = vector.broadcast %slice3A_1366 : vector<1x128xi32> to vector<32x128xi32>
    %eq3A_1368 = arith.cmpi eq, %iota3A, %eq3A_1367 : vector<32x128xi32>
    %convert_element_type3A_1369 = arith.extui %eq3A_1368 : vector<32x128xi1> to vector<32x128xi32>
    %convert_element_type3A_1370 = arith.sitofp %convert_element_type3A_1369 : vector<32x128xi32> to vector<32x128xf32>
    %transpose3A_1371 = tpu.transpose %convert_element_type3A_1370, [1, 0] : vector<32x128xf32> -> vector<128x32xf32>
    %dot_general3A_1372 = arith.constant dense<0.000000e+00> : vector<32x32xf32>
    %dot_general3A_1373 = tpu.matmul %convert_element_type3A_1365, %transpose3A_1371, %dot_general3A_1372 {dimension_numbers = #tpu.dot_dimension_numbers<[1], [0], [0], [1], [0, 0, 1, 1], [], []>, transpose_lhs_hint = false} : vector<32x128xf32>, vector<128x32xf32>, vector<32x32xf32> -> vector<32x32xf32>
    %add3A_1374 = arith.addf %add3A_1360, %dot_general3A_1373 : vector<32x32xf32>
    %slice3A_1375 = vector.extract_strided_slice %shift_right_arithmetic3A_5 {offsets = [98, 0], sizes = [1, 128], strides = [1, 1]} : vector<128x128xi32> to vector<1x128xi32>
    %eq3A_1376 = vector.broadcast %slice3A_1375 : vector<1x128xi32> to vector<32x128xi32>
    %eq3A_1377 = arith.cmpi eq, %iota3A, %eq3A_1376 : vector<32x128xi32>
    %convert_element_type3A_1378 = arith.extui %eq3A_1377 : vector<32x128xi1> to vector<32x128xi32>
    %convert_element_type3A_1379 = arith.sitofp %convert_element_type3A_1378 : vector<32x128xi32> to vector<32x128xf32>
    %slice3A_1380 = vector.extract_strided_slice %and3A_7 {offsets = [98, 0], sizes = [1, 128], strides = [1, 1]} : vector<128x128xi32> to vector<1x128xi32>
    %eq3A_1381 = vector.broadcast %slice3A_1380 : vector<1x128xi32> to vector<32x128xi32>
    %eq3A_1382 = arith.cmpi eq, %iota3A, %eq3A_1381 : vector<32x128xi32>
    %convert_element_type3A_1383 = arith.extui %eq3A_1382 : vector<32x128xi1> to vector<32x128xi32>
    %convert_element_type3A_1384 = arith.sitofp %convert_element_type3A_1383 : vector<32x128xi32> to vector<32x128xf32>
    %transpose3A_1385 = tpu.transpose %convert_element_type3A_1384, [1, 0] : vector<32x128xf32> -> vector<128x32xf32>
    %dot_general3A_1386 = arith.constant dense<0.000000e+00> : vector<32x32xf32>
    %dot_general3A_1387 = tpu.matmul %convert_element_type3A_1379, %transpose3A_1385, %dot_general3A_1386 {dimension_numbers = #tpu.dot_dimension_numbers<[1], [0], [0], [1], [0, 0, 1, 1], [], []>, transpose_lhs_hint = false} : vector<32x128xf32>, vector<128x32xf32>, vector<32x32xf32> -> vector<32x32xf32>
    %add3A_1388 = arith.addf %add3A_1374, %dot_general3A_1387 : vector<32x32xf32>
    %slice3A_1389 = vector.extract_strided_slice %shift_right_arithmetic3A_5 {offsets = [99, 0], sizes = [1, 128], strides = [1, 1]} : vector<128x128xi32> to vector<1x128xi32>
    %eq3A_1390 = vector.broadcast %slice3A_1389 : vector<1x128xi32> to vector<32x128xi32>
    %eq3A_1391 = arith.cmpi eq, %iota3A, %eq3A_1390 : vector<32x128xi32>
    %convert_element_type3A_1392 = arith.extui %eq3A_1391 : vector<32x128xi1> to vector<32x128xi32>
    %convert_element_type3A_1393 = arith.sitofp %convert_element_type3A_1392 : vector<32x128xi32> to vector<32x128xf32>
    %slice3A_1394 = vector.extract_strided_slice %and3A_7 {offsets = [99, 0], sizes = [1, 128], strides = [1, 1]} : vector<128x128xi32> to vector<1x128xi32>
    %eq3A_1395 = vector.broadcast %slice3A_1394 : vector<1x128xi32> to vector<32x128xi32>
    %eq3A_1396 = arith.cmpi eq, %iota3A, %eq3A_1395 : vector<32x128xi32>
    %convert_element_type3A_1397 = arith.extui %eq3A_1396 : vector<32x128xi1> to vector<32x128xi32>
    %convert_element_type3A_1398 = arith.sitofp %convert_element_type3A_1397 : vector<32x128xi32> to vector<32x128xf32>
    %transpose3A_1399 = tpu.transpose %convert_element_type3A_1398, [1, 0] : vector<32x128xf32> -> vector<128x32xf32>
    %dot_general3A_1400 = arith.constant dense<0.000000e+00> : vector<32x32xf32>
    %dot_general3A_1401 = tpu.matmul %convert_element_type3A_1393, %transpose3A_1399, %dot_general3A_1400 {dimension_numbers = #tpu.dot_dimension_numbers<[1], [0], [0], [1], [0, 0, 1, 1], [], []>, transpose_lhs_hint = false} : vector<32x128xf32>, vector<128x32xf32>, vector<32x32xf32> -> vector<32x32xf32>
    %add3A_1402 = arith.addf %add3A_1388, %dot_general3A_1401 : vector<32x32xf32>
    %slice3A_1403 = vector.extract_strided_slice %shift_right_arithmetic3A_5 {offsets = [100, 0], sizes = [1, 128], strides = [1, 1]} : vector<128x128xi32> to vector<1x128xi32>
    %eq3A_1404 = vector.broadcast %slice3A_1403 : vector<1x128xi32> to vector<32x128xi32>
    %eq3A_1405 = arith.cmpi eq, %iota3A, %eq3A_1404 : vector<32x128xi32>
    %convert_element_type3A_1406 = arith.extui %eq3A_1405 : vector<32x128xi1> to vector<32x128xi32>
    %convert_element_type3A_1407 = arith.sitofp %convert_element_type3A_1406 : vector<32x128xi32> to vector<32x128xf32>
    %slice3A_1408 = vector.extract_strided_slice %and3A_7 {offsets = [100, 0], sizes = [1, 128], strides = [1, 1]} : vector<128x128xi32> to vector<1x128xi32>
    %eq3A_1409 = vector.broadcast %slice3A_1408 : vector<1x128xi32> to vector<32x128xi32>
    %eq3A_1410 = arith.cmpi eq, %iota3A, %eq3A_1409 : vector<32x128xi32>
    %convert_element_type3A_1411 = arith.extui %eq3A_1410 : vector<32x128xi1> to vector<32x128xi32>
    %convert_element_type3A_1412 = arith.sitofp %convert_element_type3A_1411 : vector<32x128xi32> to vector<32x128xf32>
    %transpose3A_1413 = tpu.transpose %convert_element_type3A_1412, [1, 0] : vector<32x128xf32> -> vector<128x32xf32>
    %dot_general3A_1414 = arith.constant dense<0.000000e+00> : vector<32x32xf32>
    %dot_general3A_1415 = tpu.matmul %convert_element_type3A_1407, %transpose3A_1413, %dot_general3A_1414 {dimension_numbers = #tpu.dot_dimension_numbers<[1], [0], [0], [1], [0, 0, 1, 1], [], []>, transpose_lhs_hint = false} : vector<32x128xf32>, vector<128x32xf32>, vector<32x32xf32> -> vector<32x32xf32>
    %add3A_1416 = arith.addf %add3A_1402, %dot_general3A_1415 : vector<32x32xf32>
    %slice3A_1417 = vector.extract_strided_slice %shift_right_arithmetic3A_5 {offsets = [101, 0], sizes = [1, 128], strides = [1, 1]} : vector<128x128xi32> to vector<1x128xi32>
    %eq3A_1418 = vector.broadcast %slice3A_1417 : vector<1x128xi32> to vector<32x128xi32>
    %eq3A_1419 = arith.cmpi eq, %iota3A, %eq3A_1418 : vector<32x128xi32>
    %convert_element_type3A_1420 = arith.extui %eq3A_1419 : vector<32x128xi1> to vector<32x128xi32>
    %convert_element_type3A_1421 = arith.sitofp %convert_element_type3A_1420 : vector<32x128xi32> to vector<32x128xf32>
    %slice3A_1422 = vector.extract_strided_slice %and3A_7 {offsets = [101, 0], sizes = [1, 128], strides = [1, 1]} : vector<128x128xi32> to vector<1x128xi32>
    %eq3A_1423 = vector.broadcast %slice3A_1422 : vector<1x128xi32> to vector<32x128xi32>
    %eq3A_1424 = arith.cmpi eq, %iota3A, %eq3A_1423 : vector<32x128xi32>
    %convert_element_type3A_1425 = arith.extui %eq3A_1424 : vector<32x128xi1> to vector<32x128xi32>
    %convert_element_type3A_1426 = arith.sitofp %convert_element_type3A_1425 : vector<32x128xi32> to vector<32x128xf32>
    %transpose3A_1427 = tpu.transpose %convert_element_type3A_1426, [1, 0] : vector<32x128xf32> -> vector<128x32xf32>
    %dot_general3A_1428 = arith.constant dense<0.000000e+00> : vector<32x32xf32>
    %dot_general3A_1429 = tpu.matmul %convert_element_type3A_1421, %transpose3A_1427, %dot_general3A_1428 {dimension_numbers = #tpu.dot_dimension_numbers<[1], [0], [0], [1], [0, 0, 1, 1], [], []>, transpose_lhs_hint = false} : vector<32x128xf32>, vector<128x32xf32>, vector<32x32xf32> -> vector<32x32xf32>
    %add3A_1430 = arith.addf %add3A_1416, %dot_general3A_1429 : vector<32x32xf32>
    %slice3A_1431 = vector.extract_strided_slice %shift_right_arithmetic3A_5 {offsets = [102, 0], sizes = [1, 128], strides = [1, 1]} : vector<128x128xi32> to vector<1x128xi32>
    %eq3A_1432 = vector.broadcast %slice3A_1431 : vector<1x128xi32> to vector<32x128xi32>
    %eq3A_1433 = arith.cmpi eq, %iota3A, %eq3A_1432 : vector<32x128xi32>
    %convert_element_type3A_1434 = arith.extui %eq3A_1433 : vector<32x128xi1> to vector<32x128xi32>
    %convert_element_type3A_1435 = arith.sitofp %convert_element_type3A_1434 : vector<32x128xi32> to vector<32x128xf32>
    %slice3A_1436 = vector.extract_strided_slice %and3A_7 {offsets = [102, 0], sizes = [1, 128], strides = [1, 1]} : vector<128x128xi32> to vector<1x128xi32>
    %eq3A_1437 = vector.broadcast %slice3A_1436 : vector<1x128xi32> to vector<32x128xi32>
    %eq3A_1438 = arith.cmpi eq, %iota3A, %eq3A_1437 : vector<32x128xi32>
    %convert_element_type3A_1439 = arith.extui %eq3A_1438 : vector<32x128xi1> to vector<32x128xi32>
    %convert_element_type3A_1440 = arith.sitofp %convert_element_type3A_1439 : vector<32x128xi32> to vector<32x128xf32>
    %transpose3A_1441 = tpu.transpose %convert_element_type3A_1440, [1, 0] : vector<32x128xf32> -> vector<128x32xf32>
    %dot_general3A_1442 = arith.constant dense<0.000000e+00> : vector<32x32xf32>
    %dot_general3A_1443 = tpu.matmul %convert_element_type3A_1435, %transpose3A_1441, %dot_general3A_1442 {dimension_numbers = #tpu.dot_dimension_numbers<[1], [0], [0], [1], [0, 0, 1, 1], [], []>, transpose_lhs_hint = false} : vector<32x128xf32>, vector<128x32xf32>, vector<32x32xf32> -> vector<32x32xf32>
    %add3A_1444 = arith.addf %add3A_1430, %dot_general3A_1443 : vector<32x32xf32>
    %slice3A_1445 = vector.extract_strided_slice %shift_right_arithmetic3A_5 {offsets = [103, 0], sizes = [1, 128], strides = [1, 1]} : vector<128x128xi32> to vector<1x128xi32>
    %eq3A_1446 = vector.broadcast %slice3A_1445 : vector<1x128xi32> to vector<32x128xi32>
    %eq3A_1447 = arith.cmpi eq, %iota3A, %eq3A_1446 : vector<32x128xi32>
    %convert_element_type3A_1448 = arith.extui %eq3A_1447 : vector<32x128xi1> to vector<32x128xi32>
    %convert_element_type3A_1449 = arith.sitofp %convert_element_type3A_1448 : vector<32x128xi32> to vector<32x128xf32>
    %slice3A_1450 = vector.extract_strided_slice %and3A_7 {offsets = [103, 0], sizes = [1, 128], strides = [1, 1]} : vector<128x128xi32> to vector<1x128xi32>
    %eq3A_1451 = vector.broadcast %slice3A_1450 : vector<1x128xi32> to vector<32x128xi32>
    %eq3A_1452 = arith.cmpi eq, %iota3A, %eq3A_1451 : vector<32x128xi32>
    %convert_element_type3A_1453 = arith.extui %eq3A_1452 : vector<32x128xi1> to vector<32x128xi32>
    %convert_element_type3A_1454 = arith.sitofp %convert_element_type3A_1453 : vector<32x128xi32> to vector<32x128xf32>
    %transpose3A_1455 = tpu.transpose %convert_element_type3A_1454, [1, 0] : vector<32x128xf32> -> vector<128x32xf32>
    %dot_general3A_1456 = arith.constant dense<0.000000e+00> : vector<32x32xf32>
    %dot_general3A_1457 = tpu.matmul %convert_element_type3A_1449, %transpose3A_1455, %dot_general3A_1456 {dimension_numbers = #tpu.dot_dimension_numbers<[1], [0], [0], [1], [0, 0, 1, 1], [], []>, transpose_lhs_hint = false} : vector<32x128xf32>, vector<128x32xf32>, vector<32x32xf32> -> vector<32x32xf32>
    %add3A_1458 = arith.addf %add3A_1444, %dot_general3A_1457 : vector<32x32xf32>
    %slice3A_1459 = vector.extract_strided_slice %shift_right_arithmetic3A_5 {offsets = [104, 0], sizes = [1, 128], strides = [1, 1]} : vector<128x128xi32> to vector<1x128xi32>
    %eq3A_1460 = vector.broadcast %slice3A_1459 : vector<1x128xi32> to vector<32x128xi32>
    %eq3A_1461 = arith.cmpi eq, %iota3A, %eq3A_1460 : vector<32x128xi32>
    %convert_element_type3A_1462 = arith.extui %eq3A_1461 : vector<32x128xi1> to vector<32x128xi32>
    %convert_element_type3A_1463 = arith.sitofp %convert_element_type3A_1462 : vector<32x128xi32> to vector<32x128xf32>
    %slice3A_1464 = vector.extract_strided_slice %and3A_7 {offsets = [104, 0], sizes = [1, 128], strides = [1, 1]} : vector<128x128xi32> to vector<1x128xi32>
    %eq3A_1465 = vector.broadcast %slice3A_1464 : vector<1x128xi32> to vector<32x128xi32>
    %eq3A_1466 = arith.cmpi eq, %iota3A, %eq3A_1465 : vector<32x128xi32>
    %convert_element_type3A_1467 = arith.extui %eq3A_1466 : vector<32x128xi1> to vector<32x128xi32>
    %convert_element_type3A_1468 = arith.sitofp %convert_element_type3A_1467 : vector<32x128xi32> to vector<32x128xf32>
    %transpose3A_1469 = tpu.transpose %convert_element_type3A_1468, [1, 0] : vector<32x128xf32> -> vector<128x32xf32>
    %dot_general3A_1470 = arith.constant dense<0.000000e+00> : vector<32x32xf32>
    %dot_general3A_1471 = tpu.matmul %convert_element_type3A_1463, %transpose3A_1469, %dot_general3A_1470 {dimension_numbers = #tpu.dot_dimension_numbers<[1], [0], [0], [1], [0, 0, 1, 1], [], []>, transpose_lhs_hint = false} : vector<32x128xf32>, vector<128x32xf32>, vector<32x32xf32> -> vector<32x32xf32>
    %add3A_1472 = arith.addf %add3A_1458, %dot_general3A_1471 : vector<32x32xf32>
    %slice3A_1473 = vector.extract_strided_slice %shift_right_arithmetic3A_5 {offsets = [105, 0], sizes = [1, 128], strides = [1, 1]} : vector<128x128xi32> to vector<1x128xi32>
    %eq3A_1474 = vector.broadcast %slice3A_1473 : vector<1x128xi32> to vector<32x128xi32>
    %eq3A_1475 = arith.cmpi eq, %iota3A, %eq3A_1474 : vector<32x128xi32>
    %convert_element_type3A_1476 = arith.extui %eq3A_1475 : vector<32x128xi1> to vector<32x128xi32>
    %convert_element_type3A_1477 = arith.sitofp %convert_element_type3A_1476 : vector<32x128xi32> to vector<32x128xf32>
    %slice3A_1478 = vector.extract_strided_slice %and3A_7 {offsets = [105, 0], sizes = [1, 128], strides = [1, 1]} : vector<128x128xi32> to vector<1x128xi32>
    %eq3A_1479 = vector.broadcast %slice3A_1478 : vector<1x128xi32> to vector<32x128xi32>
    %eq3A_1480 = arith.cmpi eq, %iota3A, %eq3A_1479 : vector<32x128xi32>
    %convert_element_type3A_1481 = arith.extui %eq3A_1480 : vector<32x128xi1> to vector<32x128xi32>
    %convert_element_type3A_1482 = arith.sitofp %convert_element_type3A_1481 : vector<32x128xi32> to vector<32x128xf32>
    %transpose3A_1483 = tpu.transpose %convert_element_type3A_1482, [1, 0] : vector<32x128xf32> -> vector<128x32xf32>
    %dot_general3A_1484 = arith.constant dense<0.000000e+00> : vector<32x32xf32>
    %dot_general3A_1485 = tpu.matmul %convert_element_type3A_1477, %transpose3A_1483, %dot_general3A_1484 {dimension_numbers = #tpu.dot_dimension_numbers<[1], [0], [0], [1], [0, 0, 1, 1], [], []>, transpose_lhs_hint = false} : vector<32x128xf32>, vector<128x32xf32>, vector<32x32xf32> -> vector<32x32xf32>
    %add3A_1486 = arith.addf %add3A_1472, %dot_general3A_1485 : vector<32x32xf32>
    %slice3A_1487 = vector.extract_strided_slice %shift_right_arithmetic3A_5 {offsets = [106, 0], sizes = [1, 128], strides = [1, 1]} : vector<128x128xi32> to vector<1x128xi32>
    %eq3A_1488 = vector.broadcast %slice3A_1487 : vector<1x128xi32> to vector<32x128xi32>
    %eq3A_1489 = arith.cmpi eq, %iota3A, %eq3A_1488 : vector<32x128xi32>
    %convert_element_type3A_1490 = arith.extui %eq3A_1489 : vector<32x128xi1> to vector<32x128xi32>
    %convert_element_type3A_1491 = arith.sitofp %convert_element_type3A_1490 : vector<32x128xi32> to vector<32x128xf32>
    %slice3A_1492 = vector.extract_strided_slice %and3A_7 {offsets = [106, 0], sizes = [1, 128], strides = [1, 1]} : vector<128x128xi32> to vector<1x128xi32>
    %eq3A_1493 = vector.broadcast %slice3A_1492 : vector<1x128xi32> to vector<32x128xi32>
    %eq3A_1494 = arith.cmpi eq, %iota3A, %eq3A_1493 : vector<32x128xi32>
    %convert_element_type3A_1495 = arith.extui %eq3A_1494 : vector<32x128xi1> to vector<32x128xi32>
    %convert_element_type3A_1496 = arith.sitofp %convert_element_type3A_1495 : vector<32x128xi32> to vector<32x128xf32>
    %transpose3A_1497 = tpu.transpose %convert_element_type3A_1496, [1, 0] : vector<32x128xf32> -> vector<128x32xf32>
    %dot_general3A_1498 = arith.constant dense<0.000000e+00> : vector<32x32xf32>
    %dot_general3A_1499 = tpu.matmul %convert_element_type3A_1491, %transpose3A_1497, %dot_general3A_1498 {dimension_numbers = #tpu.dot_dimension_numbers<[1], [0], [0], [1], [0, 0, 1, 1], [], []>, transpose_lhs_hint = false} : vector<32x128xf32>, vector<128x32xf32>, vector<32x32xf32> -> vector<32x32xf32>
    %add3A_1500 = arith.addf %add3A_1486, %dot_general3A_1499 : vector<32x32xf32>
    %slice3A_1501 = vector.extract_strided_slice %shift_right_arithmetic3A_5 {offsets = [107, 0], sizes = [1, 128], strides = [1, 1]} : vector<128x128xi32> to vector<1x128xi32>
    %eq3A_1502 = vector.broadcast %slice3A_1501 : vector<1x128xi32> to vector<32x128xi32>
    %eq3A_1503 = arith.cmpi eq, %iota3A, %eq3A_1502 : vector<32x128xi32>
    %convert_element_type3A_1504 = arith.extui %eq3A_1503 : vector<32x128xi1> to vector<32x128xi32>
    %convert_element_type3A_1505 = arith.sitofp %convert_element_type3A_1504 : vector<32x128xi32> to vector<32x128xf32>
    %slice3A_1506 = vector.extract_strided_slice %and3A_7 {offsets = [107, 0], sizes = [1, 128], strides = [1, 1]} : vector<128x128xi32> to vector<1x128xi32>
    %eq3A_1507 = vector.broadcast %slice3A_1506 : vector<1x128xi32> to vector<32x128xi32>
    %eq3A_1508 = arith.cmpi eq, %iota3A, %eq3A_1507 : vector<32x128xi32>
    %convert_element_type3A_1509 = arith.extui %eq3A_1508 : vector<32x128xi1> to vector<32x128xi32>
    %convert_element_type3A_1510 = arith.sitofp %convert_element_type3A_1509 : vector<32x128xi32> to vector<32x128xf32>
    %transpose3A_1511 = tpu.transpose %convert_element_type3A_1510, [1, 0] : vector<32x128xf32> -> vector<128x32xf32>
    %dot_general3A_1512 = arith.constant dense<0.000000e+00> : vector<32x32xf32>
    %dot_general3A_1513 = tpu.matmul %convert_element_type3A_1505, %transpose3A_1511, %dot_general3A_1512 {dimension_numbers = #tpu.dot_dimension_numbers<[1], [0], [0], [1], [0, 0, 1, 1], [], []>, transpose_lhs_hint = false} : vector<32x128xf32>, vector<128x32xf32>, vector<32x32xf32> -> vector<32x32xf32>
    %add3A_1514 = arith.addf %add3A_1500, %dot_general3A_1513 : vector<32x32xf32>
    %slice3A_1515 = vector.extract_strided_slice %shift_right_arithmetic3A_5 {offsets = [108, 0], sizes = [1, 128], strides = [1, 1]} : vector<128x128xi32> to vector<1x128xi32>
    %eq3A_1516 = vector.broadcast %slice3A_1515 : vector<1x128xi32> to vector<32x128xi32>
    %eq3A_1517 = arith.cmpi eq, %iota3A, %eq3A_1516 : vector<32x128xi32>
    %convert_element_type3A_1518 = arith.extui %eq3A_1517 : vector<32x128xi1> to vector<32x128xi32>
    %convert_element_type3A_1519 = arith.sitofp %convert_element_type3A_1518 : vector<32x128xi32> to vector<32x128xf32>
    %slice3A_1520 = vector.extract_strided_slice %and3A_7 {offsets = [108, 0], sizes = [1, 128], strides = [1, 1]} : vector<128x128xi32> to vector<1x128xi32>
    %eq3A_1521 = vector.broadcast %slice3A_1520 : vector<1x128xi32> to vector<32x128xi32>
    %eq3A_1522 = arith.cmpi eq, %iota3A, %eq3A_1521 : vector<32x128xi32>
    %convert_element_type3A_1523 = arith.extui %eq3A_1522 : vector<32x128xi1> to vector<32x128xi32>
    %convert_element_type3A_1524 = arith.sitofp %convert_element_type3A_1523 : vector<32x128xi32> to vector<32x128xf32>
    %transpose3A_1525 = tpu.transpose %convert_element_type3A_1524, [1, 0] : vector<32x128xf32> -> vector<128x32xf32>
    %dot_general3A_1526 = arith.constant dense<0.000000e+00> : vector<32x32xf32>
    %dot_general3A_1527 = tpu.matmul %convert_element_type3A_1519, %transpose3A_1525, %dot_general3A_1526 {dimension_numbers = #tpu.dot_dimension_numbers<[1], [0], [0], [1], [0, 0, 1, 1], [], []>, transpose_lhs_hint = false} : vector<32x128xf32>, vector<128x32xf32>, vector<32x32xf32> -> vector<32x32xf32>
    %add3A_1528 = arith.addf %add3A_1514, %dot_general3A_1527 : vector<32x32xf32>
    %slice3A_1529 = vector.extract_strided_slice %shift_right_arithmetic3A_5 {offsets = [109, 0], sizes = [1, 128], strides = [1, 1]} : vector<128x128xi32> to vector<1x128xi32>
    %eq3A_1530 = vector.broadcast %slice3A_1529 : vector<1x128xi32> to vector<32x128xi32>
    %eq3A_1531 = arith.cmpi eq, %iota3A, %eq3A_1530 : vector<32x128xi32>
    %convert_element_type3A_1532 = arith.extui %eq3A_1531 : vector<32x128xi1> to vector<32x128xi32>
    %convert_element_type3A_1533 = arith.sitofp %convert_element_type3A_1532 : vector<32x128xi32> to vector<32x128xf32>
    %slice3A_1534 = vector.extract_strided_slice %and3A_7 {offsets = [109, 0], sizes = [1, 128], strides = [1, 1]} : vector<128x128xi32> to vector<1x128xi32>
    %eq3A_1535 = vector.broadcast %slice3A_1534 : vector<1x128xi32> to vector<32x128xi32>
    %eq3A_1536 = arith.cmpi eq, %iota3A, %eq3A_1535 : vector<32x128xi32>
    %convert_element_type3A_1537 = arith.extui %eq3A_1536 : vector<32x128xi1> to vector<32x128xi32>
    %convert_element_type3A_1538 = arith.sitofp %convert_element_type3A_1537 : vector<32x128xi32> to vector<32x128xf32>
    %transpose3A_1539 = tpu.transpose %convert_element_type3A_1538, [1, 0] : vector<32x128xf32> -> vector<128x32xf32>
    %dot_general3A_1540 = arith.constant dense<0.000000e+00> : vector<32x32xf32>
    %dot_general3A_1541 = tpu.matmul %convert_element_type3A_1533, %transpose3A_1539, %dot_general3A_1540 {dimension_numbers = #tpu.dot_dimension_numbers<[1], [0], [0], [1], [0, 0, 1, 1], [], []>, transpose_lhs_hint = false} : vector<32x128xf32>, vector<128x32xf32>, vector<32x32xf32> -> vector<32x32xf32>
    %add3A_1542 = arith.addf %add3A_1528, %dot_general3A_1541 : vector<32x32xf32>
    %slice3A_1543 = vector.extract_strided_slice %shift_right_arithmetic3A_5 {offsets = [110, 0], sizes = [1, 128], strides = [1, 1]} : vector<128x128xi32> to vector<1x128xi32>
    %eq3A_1544 = vector.broadcast %slice3A_1543 : vector<1x128xi32> to vector<32x128xi32>
    %eq3A_1545 = arith.cmpi eq, %iota3A, %eq3A_1544 : vector<32x128xi32>
    %convert_element_type3A_1546 = arith.extui %eq3A_1545 : vector<32x128xi1> to vector<32x128xi32>
    %convert_element_type3A_1547 = arith.sitofp %convert_element_type3A_1546 : vector<32x128xi32> to vector<32x128xf32>
    %slice3A_1548 = vector.extract_strided_slice %and3A_7 {offsets = [110, 0], sizes = [1, 128], strides = [1, 1]} : vector<128x128xi32> to vector<1x128xi32>
    %eq3A_1549 = vector.broadcast %slice3A_1548 : vector<1x128xi32> to vector<32x128xi32>
    %eq3A_1550 = arith.cmpi eq, %iota3A, %eq3A_1549 : vector<32x128xi32>
    %convert_element_type3A_1551 = arith.extui %eq3A_1550 : vector<32x128xi1> to vector<32x128xi32>
    %convert_element_type3A_1552 = arith.sitofp %convert_element_type3A_1551 : vector<32x128xi32> to vector<32x128xf32>
    %transpose3A_1553 = tpu.transpose %convert_element_type3A_1552, [1, 0] : vector<32x128xf32> -> vector<128x32xf32>
    %dot_general3A_1554 = arith.constant dense<0.000000e+00> : vector<32x32xf32>
    %dot_general3A_1555 = tpu.matmul %convert_element_type3A_1547, %transpose3A_1553, %dot_general3A_1554 {dimension_numbers = #tpu.dot_dimension_numbers<[1], [0], [0], [1], [0, 0, 1, 1], [], []>, transpose_lhs_hint = false} : vector<32x128xf32>, vector<128x32xf32>, vector<32x32xf32> -> vector<32x32xf32>
    %add3A_1556 = arith.addf %add3A_1542, %dot_general3A_1555 : vector<32x32xf32>
    %slice3A_1557 = vector.extract_strided_slice %shift_right_arithmetic3A_5 {offsets = [111, 0], sizes = [1, 128], strides = [1, 1]} : vector<128x128xi32> to vector<1x128xi32>
    %eq3A_1558 = vector.broadcast %slice3A_1557 : vector<1x128xi32> to vector<32x128xi32>
    %eq3A_1559 = arith.cmpi eq, %iota3A, %eq3A_1558 : vector<32x128xi32>
    %convert_element_type3A_1560 = arith.extui %eq3A_1559 : vector<32x128xi1> to vector<32x128xi32>
    %convert_element_type3A_1561 = arith.sitofp %convert_element_type3A_1560 : vector<32x128xi32> to vector<32x128xf32>
    %slice3A_1562 = vector.extract_strided_slice %and3A_7 {offsets = [111, 0], sizes = [1, 128], strides = [1, 1]} : vector<128x128xi32> to vector<1x128xi32>
    %eq3A_1563 = vector.broadcast %slice3A_1562 : vector<1x128xi32> to vector<32x128xi32>
    %eq3A_1564 = arith.cmpi eq, %iota3A, %eq3A_1563 : vector<32x128xi32>
    %convert_element_type3A_1565 = arith.extui %eq3A_1564 : vector<32x128xi1> to vector<32x128xi32>
    %convert_element_type3A_1566 = arith.sitofp %convert_element_type3A_1565 : vector<32x128xi32> to vector<32x128xf32>
    %transpose3A_1567 = tpu.transpose %convert_element_type3A_1566, [1, 0] : vector<32x128xf32> -> vector<128x32xf32>
    %dot_general3A_1568 = arith.constant dense<0.000000e+00> : vector<32x32xf32>
    %dot_general3A_1569 = tpu.matmul %convert_element_type3A_1561, %transpose3A_1567, %dot_general3A_1568 {dimension_numbers = #tpu.dot_dimension_numbers<[1], [0], [0], [1], [0, 0, 1, 1], [], []>, transpose_lhs_hint = false} : vector<32x128xf32>, vector<128x32xf32>, vector<32x32xf32> -> vector<32x32xf32>
    %add3A_1570 = arith.addf %add3A_1556, %dot_general3A_1569 : vector<32x32xf32>
    %slice3A_1571 = vector.extract_strided_slice %shift_right_arithmetic3A_5 {offsets = [112, 0], sizes = [1, 128], strides = [1, 1]} : vector<128x128xi32> to vector<1x128xi32>
    %eq3A_1572 = vector.broadcast %slice3A_1571 : vector<1x128xi32> to vector<32x128xi32>
    %eq3A_1573 = arith.cmpi eq, %iota3A, %eq3A_1572 : vector<32x128xi32>
    %convert_element_type3A_1574 = arith.extui %eq3A_1573 : vector<32x128xi1> to vector<32x128xi32>
    %convert_element_type3A_1575 = arith.sitofp %convert_element_type3A_1574 : vector<32x128xi32> to vector<32x128xf32>
    %slice3A_1576 = vector.extract_strided_slice %and3A_7 {offsets = [112, 0], sizes = [1, 128], strides = [1, 1]} : vector<128x128xi32> to vector<1x128xi32>
    %eq3A_1577 = vector.broadcast %slice3A_1576 : vector<1x128xi32> to vector<32x128xi32>
    %eq3A_1578 = arith.cmpi eq, %iota3A, %eq3A_1577 : vector<32x128xi32>
    %convert_element_type3A_1579 = arith.extui %eq3A_1578 : vector<32x128xi1> to vector<32x128xi32>
    %convert_element_type3A_1580 = arith.sitofp %convert_element_type3A_1579 : vector<32x128xi32> to vector<32x128xf32>
    %transpose3A_1581 = tpu.transpose %convert_element_type3A_1580, [1, 0] : vector<32x128xf32> -> vector<128x32xf32>
    %dot_general3A_1582 = arith.constant dense<0.000000e+00> : vector<32x32xf32>
    %dot_general3A_1583 = tpu.matmul %convert_element_type3A_1575, %transpose3A_1581, %dot_general3A_1582 {dimension_numbers = #tpu.dot_dimension_numbers<[1], [0], [0], [1], [0, 0, 1, 1], [], []>, transpose_lhs_hint = false} : vector<32x128xf32>, vector<128x32xf32>, vector<32x32xf32> -> vector<32x32xf32>
    %add3A_1584 = arith.addf %add3A_1570, %dot_general3A_1583 : vector<32x32xf32>
    %slice3A_1585 = vector.extract_strided_slice %shift_right_arithmetic3A_5 {offsets = [113, 0], sizes = [1, 128], strides = [1, 1]} : vector<128x128xi32> to vector<1x128xi32>
    %eq3A_1586 = vector.broadcast %slice3A_1585 : vector<1x128xi32> to vector<32x128xi32>
    %eq3A_1587 = arith.cmpi eq, %iota3A, %eq3A_1586 : vector<32x128xi32>
    %convert_element_type3A_1588 = arith.extui %eq3A_1587 : vector<32x128xi1> to vector<32x128xi32>
    %convert_element_type3A_1589 = arith.sitofp %convert_element_type3A_1588 : vector<32x128xi32> to vector<32x128xf32>
    %slice3A_1590 = vector.extract_strided_slice %and3A_7 {offsets = [113, 0], sizes = [1, 128], strides = [1, 1]} : vector<128x128xi32> to vector<1x128xi32>
    %eq3A_1591 = vector.broadcast %slice3A_1590 : vector<1x128xi32> to vector<32x128xi32>
    %eq3A_1592 = arith.cmpi eq, %iota3A, %eq3A_1591 : vector<32x128xi32>
    %convert_element_type3A_1593 = arith.extui %eq3A_1592 : vector<32x128xi1> to vector<32x128xi32>
    %convert_element_type3A_1594 = arith.sitofp %convert_element_type3A_1593 : vector<32x128xi32> to vector<32x128xf32>
    %transpose3A_1595 = tpu.transpose %convert_element_type3A_1594, [1, 0] : vector<32x128xf32> -> vector<128x32xf32>
    %dot_general3A_1596 = arith.constant dense<0.000000e+00> : vector<32x32xf32>
    %dot_general3A_1597 = tpu.matmul %convert_element_type3A_1589, %transpose3A_1595, %dot_general3A_1596 {dimension_numbers = #tpu.dot_dimension_numbers<[1], [0], [0], [1], [0, 0, 1, 1], [], []>, transpose_lhs_hint = false} : vector<32x128xf32>, vector<128x32xf32>, vector<32x32xf32> -> vector<32x32xf32>
    %add3A_1598 = arith.addf %add3A_1584, %dot_general3A_1597 : vector<32x32xf32>
    %slice3A_1599 = vector.extract_strided_slice %shift_right_arithmetic3A_5 {offsets = [114, 0], sizes = [1, 128], strides = [1, 1]} : vector<128x128xi32> to vector<1x128xi32>
    %eq3A_1600 = vector.broadcast %slice3A_1599 : vector<1x128xi32> to vector<32x128xi32>
    %eq3A_1601 = arith.cmpi eq, %iota3A, %eq3A_1600 : vector<32x128xi32>
    %convert_element_type3A_1602 = arith.extui %eq3A_1601 : vector<32x128xi1> to vector<32x128xi32>
    %convert_element_type3A_1603 = arith.sitofp %convert_element_type3A_1602 : vector<32x128xi32> to vector<32x128xf32>
    %slice3A_1604 = vector.extract_strided_slice %and3A_7 {offsets = [114, 0], sizes = [1, 128], strides = [1, 1]} : vector<128x128xi32> to vector<1x128xi32>
    %eq3A_1605 = vector.broadcast %slice3A_1604 : vector<1x128xi32> to vector<32x128xi32>
    %eq3A_1606 = arith.cmpi eq, %iota3A, %eq3A_1605 : vector<32x128xi32>
    %convert_element_type3A_1607 = arith.extui %eq3A_1606 : vector<32x128xi1> to vector<32x128xi32>
    %convert_element_type3A_1608 = arith.sitofp %convert_element_type3A_1607 : vector<32x128xi32> to vector<32x128xf32>
    %transpose3A_1609 = tpu.transpose %convert_element_type3A_1608, [1, 0] : vector<32x128xf32> -> vector<128x32xf32>
    %dot_general3A_1610 = arith.constant dense<0.000000e+00> : vector<32x32xf32>
    %dot_general3A_1611 = tpu.matmul %convert_element_type3A_1603, %transpose3A_1609, %dot_general3A_1610 {dimension_numbers = #tpu.dot_dimension_numbers<[1], [0], [0], [1], [0, 0, 1, 1], [], []>, transpose_lhs_hint = false} : vector<32x128xf32>, vector<128x32xf32>, vector<32x32xf32> -> vector<32x32xf32>
    %add3A_1612 = arith.addf %add3A_1598, %dot_general3A_1611 : vector<32x32xf32>
    %slice3A_1613 = vector.extract_strided_slice %shift_right_arithmetic3A_5 {offsets = [115, 0], sizes = [1, 128], strides = [1, 1]} : vector<128x128xi32> to vector<1x128xi32>
    %eq3A_1614 = vector.broadcast %slice3A_1613 : vector<1x128xi32> to vector<32x128xi32>
    %eq3A_1615 = arith.cmpi eq, %iota3A, %eq3A_1614 : vector<32x128xi32>
    %convert_element_type3A_1616 = arith.extui %eq3A_1615 : vector<32x128xi1> to vector<32x128xi32>
    %convert_element_type3A_1617 = arith.sitofp %convert_element_type3A_1616 : vector<32x128xi32> to vector<32x128xf32>
    %slice3A_1618 = vector.extract_strided_slice %and3A_7 {offsets = [115, 0], sizes = [1, 128], strides = [1, 1]} : vector<128x128xi32> to vector<1x128xi32>
    %eq3A_1619 = vector.broadcast %slice3A_1618 : vector<1x128xi32> to vector<32x128xi32>
    %eq3A_1620 = arith.cmpi eq, %iota3A, %eq3A_1619 : vector<32x128xi32>
    %convert_element_type3A_1621 = arith.extui %eq3A_1620 : vector<32x128xi1> to vector<32x128xi32>
    %convert_element_type3A_1622 = arith.sitofp %convert_element_type3A_1621 : vector<32x128xi32> to vector<32x128xf32>
    %transpose3A_1623 = tpu.transpose %convert_element_type3A_1622, [1, 0] : vector<32x128xf32> -> vector<128x32xf32>
    %dot_general3A_1624 = arith.constant dense<0.000000e+00> : vector<32x32xf32>
    %dot_general3A_1625 = tpu.matmul %convert_element_type3A_1617, %transpose3A_1623, %dot_general3A_1624 {dimension_numbers = #tpu.dot_dimension_numbers<[1], [0], [0], [1], [0, 0, 1, 1], [], []>, transpose_lhs_hint = false} : vector<32x128xf32>, vector<128x32xf32>, vector<32x32xf32> -> vector<32x32xf32>
    %add3A_1626 = arith.addf %add3A_1612, %dot_general3A_1625 : vector<32x32xf32>
    %slice3A_1627 = vector.extract_strided_slice %shift_right_arithmetic3A_5 {offsets = [116, 0], sizes = [1, 128], strides = [1, 1]} : vector<128x128xi32> to vector<1x128xi32>
    %eq3A_1628 = vector.broadcast %slice3A_1627 : vector<1x128xi32> to vector<32x128xi32>
    %eq3A_1629 = arith.cmpi eq, %iota3A, %eq3A_1628 : vector<32x128xi32>
    %convert_element_type3A_1630 = arith.extui %eq3A_1629 : vector<32x128xi1> to vector<32x128xi32>
    %convert_element_type3A_1631 = arith.sitofp %convert_element_type3A_1630 : vector<32x128xi32> to vector<32x128xf32>
    %slice3A_1632 = vector.extract_strided_slice %and3A_7 {offsets = [116, 0], sizes = [1, 128], strides = [1, 1]} : vector<128x128xi32> to vector<1x128xi32>
    %eq3A_1633 = vector.broadcast %slice3A_1632 : vector<1x128xi32> to vector<32x128xi32>
    %eq3A_1634 = arith.cmpi eq, %iota3A, %eq3A_1633 : vector<32x128xi32>
    %convert_element_type3A_1635 = arith.extui %eq3A_1634 : vector<32x128xi1> to vector<32x128xi32>
    %convert_element_type3A_1636 = arith.sitofp %convert_element_type3A_1635 : vector<32x128xi32> to vector<32x128xf32>
    %transpose3A_1637 = tpu.transpose %convert_element_type3A_1636, [1, 0] : vector<32x128xf32> -> vector<128x32xf32>
    %dot_general3A_1638 = arith.constant dense<0.000000e+00> : vector<32x32xf32>
    %dot_general3A_1639 = tpu.matmul %convert_element_type3A_1631, %transpose3A_1637, %dot_general3A_1638 {dimension_numbers = #tpu.dot_dimension_numbers<[1], [0], [0], [1], [0, 0, 1, 1], [], []>, transpose_lhs_hint = false} : vector<32x128xf32>, vector<128x32xf32>, vector<32x32xf32> -> vector<32x32xf32>
    %add3A_1640 = arith.addf %add3A_1626, %dot_general3A_1639 : vector<32x32xf32>
    %slice3A_1641 = vector.extract_strided_slice %shift_right_arithmetic3A_5 {offsets = [117, 0], sizes = [1, 128], strides = [1, 1]} : vector<128x128xi32> to vector<1x128xi32>
    %eq3A_1642 = vector.broadcast %slice3A_1641 : vector<1x128xi32> to vector<32x128xi32>
    %eq3A_1643 = arith.cmpi eq, %iota3A, %eq3A_1642 : vector<32x128xi32>
    %convert_element_type3A_1644 = arith.extui %eq3A_1643 : vector<32x128xi1> to vector<32x128xi32>
    %convert_element_type3A_1645 = arith.sitofp %convert_element_type3A_1644 : vector<32x128xi32> to vector<32x128xf32>
    %slice3A_1646 = vector.extract_strided_slice %and3A_7 {offsets = [117, 0], sizes = [1, 128], strides = [1, 1]} : vector<128x128xi32> to vector<1x128xi32>
    %eq3A_1647 = vector.broadcast %slice3A_1646 : vector<1x128xi32> to vector<32x128xi32>
    %eq3A_1648 = arith.cmpi eq, %iota3A, %eq3A_1647 : vector<32x128xi32>
    %convert_element_type3A_1649 = arith.extui %eq3A_1648 : vector<32x128xi1> to vector<32x128xi32>
    %convert_element_type3A_1650 = arith.sitofp %convert_element_type3A_1649 : vector<32x128xi32> to vector<32x128xf32>
    %transpose3A_1651 = tpu.transpose %convert_element_type3A_1650, [1, 0] : vector<32x128xf32> -> vector<128x32xf32>
    %dot_general3A_1652 = arith.constant dense<0.000000e+00> : vector<32x32xf32>
    %dot_general3A_1653 = tpu.matmul %convert_element_type3A_1645, %transpose3A_1651, %dot_general3A_1652 {dimension_numbers = #tpu.dot_dimension_numbers<[1], [0], [0], [1], [0, 0, 1, 1], [], []>, transpose_lhs_hint = false} : vector<32x128xf32>, vector<128x32xf32>, vector<32x32xf32> -> vector<32x32xf32>
    %add3A_1654 = arith.addf %add3A_1640, %dot_general3A_1653 : vector<32x32xf32>
    %slice3A_1655 = vector.extract_strided_slice %shift_right_arithmetic3A_5 {offsets = [118, 0], sizes = [1, 128], strides = [1, 1]} : vector<128x128xi32> to vector<1x128xi32>
    %eq3A_1656 = vector.broadcast %slice3A_1655 : vector<1x128xi32> to vector<32x128xi32>
    %eq3A_1657 = arith.cmpi eq, %iota3A, %eq3A_1656 : vector<32x128xi32>
    %convert_element_type3A_1658 = arith.extui %eq3A_1657 : vector<32x128xi1> to vector<32x128xi32>
    %convert_element_type3A_1659 = arith.sitofp %convert_element_type3A_1658 : vector<32x128xi32> to vector<32x128xf32>
    %slice3A_1660 = vector.extract_strided_slice %and3A_7 {offsets = [118, 0], sizes = [1, 128], strides = [1, 1]} : vector<128x128xi32> to vector<1x128xi32>
    %eq3A_1661 = vector.broadcast %slice3A_1660 : vector<1x128xi32> to vector<32x128xi32>
    %eq3A_1662 = arith.cmpi eq, %iota3A, %eq3A_1661 : vector<32x128xi32>
    %convert_element_type3A_1663 = arith.extui %eq3A_1662 : vector<32x128xi1> to vector<32x128xi32>
    %convert_element_type3A_1664 = arith.sitofp %convert_element_type3A_1663 : vector<32x128xi32> to vector<32x128xf32>
    %transpose3A_1665 = tpu.transpose %convert_element_type3A_1664, [1, 0] : vector<32x128xf32> -> vector<128x32xf32>
    %dot_general3A_1666 = arith.constant dense<0.000000e+00> : vector<32x32xf32>
    %dot_general3A_1667 = tpu.matmul %convert_element_type3A_1659, %transpose3A_1665, %dot_general3A_1666 {dimension_numbers = #tpu.dot_dimension_numbers<[1], [0], [0], [1], [0, 0, 1, 1], [], []>, transpose_lhs_hint = false} : vector<32x128xf32>, vector<128x32xf32>, vector<32x32xf32> -> vector<32x32xf32>
    %add3A_1668 = arith.addf %add3A_1654, %dot_general3A_1667 : vector<32x32xf32>
    %slice3A_1669 = vector.extract_strided_slice %shift_right_arithmetic3A_5 {offsets = [119, 0], sizes = [1, 128], strides = [1, 1]} : vector<128x128xi32> to vector<1x128xi32>
    %eq3A_1670 = vector.broadcast %slice3A_1669 : vector<1x128xi32> to vector<32x128xi32>
    %eq3A_1671 = arith.cmpi eq, %iota3A, %eq3A_1670 : vector<32x128xi32>
    %convert_element_type3A_1672 = arith.extui %eq3A_1671 : vector<32x128xi1> to vector<32x128xi32>
    %convert_element_type3A_1673 = arith.sitofp %convert_element_type3A_1672 : vector<32x128xi32> to vector<32x128xf32>
    %slice3A_1674 = vector.extract_strided_slice %and3A_7 {offsets = [119, 0], sizes = [1, 128], strides = [1, 1]} : vector<128x128xi32> to vector<1x128xi32>
    %eq3A_1675 = vector.broadcast %slice3A_1674 : vector<1x128xi32> to vector<32x128xi32>
    %eq3A_1676 = arith.cmpi eq, %iota3A, %eq3A_1675 : vector<32x128xi32>
    %convert_element_type3A_1677 = arith.extui %eq3A_1676 : vector<32x128xi1> to vector<32x128xi32>
    %convert_element_type3A_1678 = arith.sitofp %convert_element_type3A_1677 : vector<32x128xi32> to vector<32x128xf32>
    %transpose3A_1679 = tpu.transpose %convert_element_type3A_1678, [1, 0] : vector<32x128xf32> -> vector<128x32xf32>
    %dot_general3A_1680 = arith.constant dense<0.000000e+00> : vector<32x32xf32>
    %dot_general3A_1681 = tpu.matmul %convert_element_type3A_1673, %transpose3A_1679, %dot_general3A_1680 {dimension_numbers = #tpu.dot_dimension_numbers<[1], [0], [0], [1], [0, 0, 1, 1], [], []>, transpose_lhs_hint = false} : vector<32x128xf32>, vector<128x32xf32>, vector<32x32xf32> -> vector<32x32xf32>
    %add3A_1682 = arith.addf %add3A_1668, %dot_general3A_1681 : vector<32x32xf32>
    %slice3A_1683 = vector.extract_strided_slice %shift_right_arithmetic3A_5 {offsets = [120, 0], sizes = [1, 128], strides = [1, 1]} : vector<128x128xi32> to vector<1x128xi32>
    %eq3A_1684 = vector.broadcast %slice3A_1683 : vector<1x128xi32> to vector<32x128xi32>
    %eq3A_1685 = arith.cmpi eq, %iota3A, %eq3A_1684 : vector<32x128xi32>
    %convert_element_type3A_1686 = arith.extui %eq3A_1685 : vector<32x128xi1> to vector<32x128xi32>
    %convert_element_type3A_1687 = arith.sitofp %convert_element_type3A_1686 : vector<32x128xi32> to vector<32x128xf32>
    %slice3A_1688 = vector.extract_strided_slice %and3A_7 {offsets = [120, 0], sizes = [1, 128], strides = [1, 1]} : vector<128x128xi32> to vector<1x128xi32>
    %eq3A_1689 = vector.broadcast %slice3A_1688 : vector<1x128xi32> to vector<32x128xi32>
    %eq3A_1690 = arith.cmpi eq, %iota3A, %eq3A_1689 : vector<32x128xi32>
    %convert_element_type3A_1691 = arith.extui %eq3A_1690 : vector<32x128xi1> to vector<32x128xi32>
    %convert_element_type3A_1692 = arith.sitofp %convert_element_type3A_1691 : vector<32x128xi32> to vector<32x128xf32>
    %transpose3A_1693 = tpu.transpose %convert_element_type3A_1692, [1, 0] : vector<32x128xf32> -> vector<128x32xf32>
    %dot_general3A_1694 = arith.constant dense<0.000000e+00> : vector<32x32xf32>
    %dot_general3A_1695 = tpu.matmul %convert_element_type3A_1687, %transpose3A_1693, %dot_general3A_1694 {dimension_numbers = #tpu.dot_dimension_numbers<[1], [0], [0], [1], [0, 0, 1, 1], [], []>, transpose_lhs_hint = false} : vector<32x128xf32>, vector<128x32xf32>, vector<32x32xf32> -> vector<32x32xf32>
    %add3A_1696 = arith.addf %add3A_1682, %dot_general3A_1695 : vector<32x32xf32>
    %slice3A_1697 = vector.extract_strided_slice %shift_right_arithmetic3A_5 {offsets = [121, 0], sizes = [1, 128], strides = [1, 1]} : vector<128x128xi32> to vector<1x128xi32>
    %eq3A_1698 = vector.broadcast %slice3A_1697 : vector<1x128xi32> to vector<32x128xi32>
    %eq3A_1699 = arith.cmpi eq, %iota3A, %eq3A_1698 : vector<32x128xi32>
    %convert_element_type3A_1700 = arith.extui %eq3A_1699 : vector<32x128xi1> to vector<32x128xi32>
    %convert_element_type3A_1701 = arith.sitofp %convert_element_type3A_1700 : vector<32x128xi32> to vector<32x128xf32>
    %slice3A_1702 = vector.extract_strided_slice %and3A_7 {offsets = [121, 0], sizes = [1, 128], strides = [1, 1]} : vector<128x128xi32> to vector<1x128xi32>
    %eq3A_1703 = vector.broadcast %slice3A_1702 : vector<1x128xi32> to vector<32x128xi32>
    %eq3A_1704 = arith.cmpi eq, %iota3A, %eq3A_1703 : vector<32x128xi32>
    %convert_element_type3A_1705 = arith.extui %eq3A_1704 : vector<32x128xi1> to vector<32x128xi32>
    %convert_element_type3A_1706 = arith.sitofp %convert_element_type3A_1705 : vector<32x128xi32> to vector<32x128xf32>
    %transpose3A_1707 = tpu.transpose %convert_element_type3A_1706, [1, 0] : vector<32x128xf32> -> vector<128x32xf32>
    %dot_general3A_1708 = arith.constant dense<0.000000e+00> : vector<32x32xf32>
    %dot_general3A_1709 = tpu.matmul %convert_element_type3A_1701, %transpose3A_1707, %dot_general3A_1708 {dimension_numbers = #tpu.dot_dimension_numbers<[1], [0], [0], [1], [0, 0, 1, 1], [], []>, transpose_lhs_hint = false} : vector<32x128xf32>, vector<128x32xf32>, vector<32x32xf32> -> vector<32x32xf32>
    %add3A_1710 = arith.addf %add3A_1696, %dot_general3A_1709 : vector<32x32xf32>
    %slice3A_1711 = vector.extract_strided_slice %shift_right_arithmetic3A_5 {offsets = [122, 0], sizes = [1, 128], strides = [1, 1]} : vector<128x128xi32> to vector<1x128xi32>
    %eq3A_1712 = vector.broadcast %slice3A_1711 : vector<1x128xi32> to vector<32x128xi32>
    %eq3A_1713 = arith.cmpi eq, %iota3A, %eq3A_1712 : vector<32x128xi32>
    %convert_element_type3A_1714 = arith.extui %eq3A_1713 : vector<32x128xi1> to vector<32x128xi32>
    %convert_element_type3A_1715 = arith.sitofp %convert_element_type3A_1714 : vector<32x128xi32> to vector<32x128xf32>
    %slice3A_1716 = vector.extract_strided_slice %and3A_7 {offsets = [122, 0], sizes = [1, 128], strides = [1, 1]} : vector<128x128xi32> to vector<1x128xi32>
    %eq3A_1717 = vector.broadcast %slice3A_1716 : vector<1x128xi32> to vector<32x128xi32>
    %eq3A_1718 = arith.cmpi eq, %iota3A, %eq3A_1717 : vector<32x128xi32>
    %convert_element_type3A_1719 = arith.extui %eq3A_1718 : vector<32x128xi1> to vector<32x128xi32>
    %convert_element_type3A_1720 = arith.sitofp %convert_element_type3A_1719 : vector<32x128xi32> to vector<32x128xf32>
    %transpose3A_1721 = tpu.transpose %convert_element_type3A_1720, [1, 0] : vector<32x128xf32> -> vector<128x32xf32>
    %dot_general3A_1722 = arith.constant dense<0.000000e+00> : vector<32x32xf32>
    %dot_general3A_1723 = tpu.matmul %convert_element_type3A_1715, %transpose3A_1721, %dot_general3A_1722 {dimension_numbers = #tpu.dot_dimension_numbers<[1], [0], [0], [1], [0, 0, 1, 1], [], []>, transpose_lhs_hint = false} : vector<32x128xf32>, vector<128x32xf32>, vector<32x32xf32> -> vector<32x32xf32>
    %add3A_1724 = arith.addf %add3A_1710, %dot_general3A_1723 : vector<32x32xf32>
    %slice3A_1725 = vector.extract_strided_slice %shift_right_arithmetic3A_5 {offsets = [123, 0], sizes = [1, 128], strides = [1, 1]} : vector<128x128xi32> to vector<1x128xi32>
    %eq3A_1726 = vector.broadcast %slice3A_1725 : vector<1x128xi32> to vector<32x128xi32>
    %eq3A_1727 = arith.cmpi eq, %iota3A, %eq3A_1726 : vector<32x128xi32>
    %convert_element_type3A_1728 = arith.extui %eq3A_1727 : vector<32x128xi1> to vector<32x128xi32>
    %convert_element_type3A_1729 = arith.sitofp %convert_element_type3A_1728 : vector<32x128xi32> to vector<32x128xf32>
    %slice3A_1730 = vector.extract_strided_slice %and3A_7 {offsets = [123, 0], sizes = [1, 128], strides = [1, 1]} : vector<128x128xi32> to vector<1x128xi32>
    %eq3A_1731 = vector.broadcast %slice3A_1730 : vector<1x128xi32> to vector<32x128xi32>
    %eq3A_1732 = arith.cmpi eq, %iota3A, %eq3A_1731 : vector<32x128xi32>
    %convert_element_type3A_1733 = arith.extui %eq3A_1732 : vector<32x128xi1> to vector<32x128xi32>
    %convert_element_type3A_1734 = arith.sitofp %convert_element_type3A_1733 : vector<32x128xi32> to vector<32x128xf32>
    %transpose3A_1735 = tpu.transpose %convert_element_type3A_1734, [1, 0] : vector<32x128xf32> -> vector<128x32xf32>
    %dot_general3A_1736 = arith.constant dense<0.000000e+00> : vector<32x32xf32>
    %dot_general3A_1737 = tpu.matmul %convert_element_type3A_1729, %transpose3A_1735, %dot_general3A_1736 {dimension_numbers = #tpu.dot_dimension_numbers<[1], [0], [0], [1], [0, 0, 1, 1], [], []>, transpose_lhs_hint = false} : vector<32x128xf32>, vector<128x32xf32>, vector<32x32xf32> -> vector<32x32xf32>
    %add3A_1738 = arith.addf %add3A_1724, %dot_general3A_1737 : vector<32x32xf32>
    %slice3A_1739 = vector.extract_strided_slice %shift_right_arithmetic3A_5 {offsets = [124, 0], sizes = [1, 128], strides = [1, 1]} : vector<128x128xi32> to vector<1x128xi32>
    %eq3A_1740 = vector.broadcast %slice3A_1739 : vector<1x128xi32> to vector<32x128xi32>
    %eq3A_1741 = arith.cmpi eq, %iota3A, %eq3A_1740 : vector<32x128xi32>
    %convert_element_type3A_1742 = arith.extui %eq3A_1741 : vector<32x128xi1> to vector<32x128xi32>
    %convert_element_type3A_1743 = arith.sitofp %convert_element_type3A_1742 : vector<32x128xi32> to vector<32x128xf32>
    %slice3A_1744 = vector.extract_strided_slice %and3A_7 {offsets = [124, 0], sizes = [1, 128], strides = [1, 1]} : vector<128x128xi32> to vector<1x128xi32>
    %eq3A_1745 = vector.broadcast %slice3A_1744 : vector<1x128xi32> to vector<32x128xi32>
    %eq3A_1746 = arith.cmpi eq, %iota3A, %eq3A_1745 : vector<32x128xi32>
    %convert_element_type3A_1747 = arith.extui %eq3A_1746 : vector<32x128xi1> to vector<32x128xi32>
    %convert_element_type3A_1748 = arith.sitofp %convert_element_type3A_1747 : vector<32x128xi32> to vector<32x128xf32>
    %transpose3A_1749 = tpu.transpose %convert_element_type3A_1748, [1, 0] : vector<32x128xf32> -> vector<128x32xf32>
    %dot_general3A_1750 = arith.constant dense<0.000000e+00> : vector<32x32xf32>
    %dot_general3A_1751 = tpu.matmul %convert_element_type3A_1743, %transpose3A_1749, %dot_general3A_1750 {dimension_numbers = #tpu.dot_dimension_numbers<[1], [0], [0], [1], [0, 0, 1, 1], [], []>, transpose_lhs_hint = false} : vector<32x128xf32>, vector<128x32xf32>, vector<32x32xf32> -> vector<32x32xf32>
    %add3A_1752 = arith.addf %add3A_1738, %dot_general3A_1751 : vector<32x32xf32>
    %slice3A_1753 = vector.extract_strided_slice %shift_right_arithmetic3A_5 {offsets = [125, 0], sizes = [1, 128], strides = [1, 1]} : vector<128x128xi32> to vector<1x128xi32>
    %eq3A_1754 = vector.broadcast %slice3A_1753 : vector<1x128xi32> to vector<32x128xi32>
    %eq3A_1755 = arith.cmpi eq, %iota3A, %eq3A_1754 : vector<32x128xi32>
    %convert_element_type3A_1756 = arith.extui %eq3A_1755 : vector<32x128xi1> to vector<32x128xi32>
    %convert_element_type3A_1757 = arith.sitofp %convert_element_type3A_1756 : vector<32x128xi32> to vector<32x128xf32>
    %slice3A_1758 = vector.extract_strided_slice %and3A_7 {offsets = [125, 0], sizes = [1, 128], strides = [1, 1]} : vector<128x128xi32> to vector<1x128xi32>
    %eq3A_1759 = vector.broadcast %slice3A_1758 : vector<1x128xi32> to vector<32x128xi32>
    %eq3A_1760 = arith.cmpi eq, %iota3A, %eq3A_1759 : vector<32x128xi32>
    %convert_element_type3A_1761 = arith.extui %eq3A_1760 : vector<32x128xi1> to vector<32x128xi32>
    %convert_element_type3A_1762 = arith.sitofp %convert_element_type3A_1761 : vector<32x128xi32> to vector<32x128xf32>
    %transpose3A_1763 = tpu.transpose %convert_element_type3A_1762, [1, 0] : vector<32x128xf32> -> vector<128x32xf32>
    %dot_general3A_1764 = arith.constant dense<0.000000e+00> : vector<32x32xf32>
    %dot_general3A_1765 = tpu.matmul %convert_element_type3A_1757, %transpose3A_1763, %dot_general3A_1764 {dimension_numbers = #tpu.dot_dimension_numbers<[1], [0], [0], [1], [0, 0, 1, 1], [], []>, transpose_lhs_hint = false} : vector<32x128xf32>, vector<128x32xf32>, vector<32x32xf32> -> vector<32x32xf32>
    %add3A_1766 = arith.addf %add3A_1752, %dot_general3A_1765 : vector<32x32xf32>
    %slice3A_1767 = vector.extract_strided_slice %shift_right_arithmetic3A_5 {offsets = [126, 0], sizes = [1, 128], strides = [1, 1]} : vector<128x128xi32> to vector<1x128xi32>
    %eq3A_1768 = vector.broadcast %slice3A_1767 : vector<1x128xi32> to vector<32x128xi32>
    %eq3A_1769 = arith.cmpi eq, %iota3A, %eq3A_1768 : vector<32x128xi32>
    %convert_element_type3A_1770 = arith.extui %eq3A_1769 : vector<32x128xi1> to vector<32x128xi32>
    %convert_element_type3A_1771 = arith.sitofp %convert_element_type3A_1770 : vector<32x128xi32> to vector<32x128xf32>
    %slice3A_1772 = vector.extract_strided_slice %and3A_7 {offsets = [126, 0], sizes = [1, 128], strides = [1, 1]} : vector<128x128xi32> to vector<1x128xi32>
    %eq3A_1773 = vector.broadcast %slice3A_1772 : vector<1x128xi32> to vector<32x128xi32>
    %eq3A_1774 = arith.cmpi eq, %iota3A, %eq3A_1773 : vector<32x128xi32>
    %convert_element_type3A_1775 = arith.extui %eq3A_1774 : vector<32x128xi1> to vector<32x128xi32>
    %convert_element_type3A_1776 = arith.sitofp %convert_element_type3A_1775 : vector<32x128xi32> to vector<32x128xf32>
    %transpose3A_1777 = tpu.transpose %convert_element_type3A_1776, [1, 0] : vector<32x128xf32> -> vector<128x32xf32>
    %dot_general3A_1778 = arith.constant dense<0.000000e+00> : vector<32x32xf32>
    %dot_general3A_1779 = tpu.matmul %convert_element_type3A_1771, %transpose3A_1777, %dot_general3A_1778 {dimension_numbers = #tpu.dot_dimension_numbers<[1], [0], [0], [1], [0, 0, 1, 1], [], []>, transpose_lhs_hint = false} : vector<32x128xf32>, vector<128x32xf32>, vector<32x32xf32> -> vector<32x32xf32>
    %add3A_1780 = arith.addf %add3A_1766, %dot_general3A_1779 : vector<32x32xf32>
    %slice3A_1781 = vector.extract_strided_slice %shift_right_arithmetic3A_5 {offsets = [127, 0], sizes = [1, 128], strides = [1, 1]} : vector<128x128xi32> to vector<1x128xi32>
    %eq3A_1782 = vector.broadcast %slice3A_1781 : vector<1x128xi32> to vector<32x128xi32>
    %eq3A_1783 = arith.cmpi eq, %iota3A, %eq3A_1782 : vector<32x128xi32>
    %convert_element_type3A_1784 = arith.extui %eq3A_1783 : vector<32x128xi1> to vector<32x128xi32>
    %convert_element_type3A_1785 = arith.sitofp %convert_element_type3A_1784 : vector<32x128xi32> to vector<32x128xf32>
    %slice3A_1786 = vector.extract_strided_slice %and3A_7 {offsets = [127, 0], sizes = [1, 128], strides = [1, 1]} : vector<128x128xi32> to vector<1x128xi32>
    %eq3A_1787 = vector.broadcast %slice3A_1786 : vector<1x128xi32> to vector<32x128xi32>
    %eq3A_1788 = arith.cmpi eq, %iota3A, %eq3A_1787 : vector<32x128xi32>
    %convert_element_type3A_1789 = arith.extui %eq3A_1788 : vector<32x128xi1> to vector<32x128xi32>
    %convert_element_type3A_1790 = arith.sitofp %convert_element_type3A_1789 : vector<32x128xi32> to vector<32x128xf32>
    %transpose3A_1791 = tpu.transpose %convert_element_type3A_1790, [1, 0] : vector<32x128xf32> -> vector<128x32xf32>
    %dot_general3A_1792 = arith.constant dense<0.000000e+00> : vector<32x32xf32>
    %dot_general3A_1793 = tpu.matmul %convert_element_type3A_1785, %transpose3A_1791, %dot_general3A_1792 {dimension_numbers = #tpu.dot_dimension_numbers<[1], [0], [0], [1], [0, 0, 1, 1], [], []>, transpose_lhs_hint = false} : vector<32x128xf32>, vector<128x32xf32>, vector<32x32xf32> -> vector<32x32xf32>
    %add3A_1794 = arith.addf %add3A_1780, %dot_general3A_1793 : vector<32x32xf32>
    %eq3A_1795 = arith.constant 0 : i32
    %eq3A_1796 = arith.cmpi eq, %arg0, %eq3A_1795 : i32
    %convert_element_type3A_1797 = arith.extui %eq3A_1796 : i1 to i32
    %cond3A = arith.constant 0 : i32
    %cond3A_1798 = arith.cmpi ne, %convert_element_type3A_1797, %cond3A : i32
    scf.if %cond3A_1798 {
      %broadcast_in_dim3A_1805 = arith.constant 0.000000e+00 : f32
      %broadcast_in_dim3A_1806 = vector.broadcast %broadcast_in_dim3A_1805 : f32 to vector<32x32xf32>
      %swap3A_1807 = arith.constant 0 : index
      %swap3A_1808 = arith.constant 0 : index
      %swap3A_1809 = vector.load %arg2[%swap3A_1807, %swap3A_1808] : memref<32x32xf32, #tpu.memory_space<vmem>>, vector<32x32xf32>
      tpu.vector_store %arg2[%swap3A_1807, %swap3A_1808], %broadcast_in_dim3A_1806 {strides = array<i32>} : memref<32x32xf32, #tpu.memory_space<vmem>>, vector<32x32xf32>,
    } else {
    }
    %get3A_1799 = arith.constant 0 : index
    %get3A_1800 = arith.constant 0 : index
    %get3A_1801 = vector.load %arg2[%get3A_1799, %get3A_1800] : memref<32x32xf32, #tpu.memory_space<vmem>>, vector<32x32xf32>
    %add3A_1802 = arith.addf %get3A_1801, %add3A_1794 : vector<32x32xf32>
    %swap3A = arith.constant 0 : index
    %swap3A_1803 = arith.constant 0 : index
    %swap3A_1804 = vector.load %arg2[%swap3A, %swap3A_1803] : memref<32x32xf32, #tpu.memory_space<vmem>>, vector<32x32xf32>
    tpu.vector_store %arg2[%swap3A, %swap3A_1803], %add3A_1802 {strides = array<i32>} : memref<32x32xf32, #tpu.memory_space<vmem>>, vector<32x32xf32>,
    return
  }
  func.func @transform_0(%arg0: i32) -> (i32, i32, i32) {
    %c0_i32 = arith.constant 0 : i32
    %c0_i32_0 = arith.constant 0 : i32
    %c0_i32_1 = arith.constant 0 : i32
    return %arg0, %c0_i32, %c0_i32_0 : i32, i32, i32
  }
  func.func @transform_1(%arg0: i32) -> (i32, i32) {
    %c0_i32 = arith.constant 0 : i32
    %c0_i32_0 = arith.constant 0 : i32
    %c0_i32_1 = arith.constant 0 : i32
    return %c0_i32, %c0_i32_0 : i32, i32
  }
}

module attributes {stable_mosaic.version = 14 : i64} {
  func.func @_combine_body(%arg0: memref<2x1024x128xf32, #tpu.memory_space<vmem>>, %arg1: memref<1024x1xf32, #tpu.memory_space<vmem>>, %arg2: memref<1000x128xf32, #tpu.memory_space<vmem>>, %arg3: memref<1000x1xf32, #tpu.memory_space<vmem>>, %arg4: memref<1000x128xf32, #tpu.memory_space<vmem>>, %arg5: memref<1000x1xf32, #tpu.memory_space<vmem>>) attributes {dimension_semantics = [], scalar_prefetch = 0 : i64, scratch_operands = 0 : i64, tpu.core_type = #tpu.core_type<tc>} {
    %get3A = arith.constant 0 : index
    %get3A_0 = arith.constant 0 : index
    %get3A_1 = arith.constant 0 : index
    %get3A_2 = vector.load %arg0[%get3A, %get3A_0, %get3A_1] : memref<2x1024x128xf32, #tpu.memory_space<vmem>>, vector<1x1024x128xf32>
    %get3A_3 = vector.shape_cast %get3A_2 : vector<1x1024x128xf32> to vector<1024x128xf32>
    %get3A_4 = arith.constant 1 : index
    %get3A_5 = arith.constant 0 : index
    %get3A_6 = arith.constant 0 : index
    %get3A_7 = vector.load %arg0[%get3A_4, %get3A_5, %get3A_6] : memref<2x1024x128xf32, #tpu.memory_space<vmem>>, vector<1x1024x128xf32>
    %get3A_8 = vector.shape_cast %get3A_7 : vector<1x1024x128xf32> to vector<1024x128xf32>
    %add3A = arith.addf %get3A_3, %get3A_8 : vector<1024x128xf32>
    %slice3A = vector.extract_strided_slice %add3A {offsets = [0, 0], sizes = [1000, 128], strides = [1, 1]} : vector<1024x128xf32> to vector<1000x128xf32>
    %get3A_9 = arith.constant 0 : index
    %get3A_10 = arith.constant 0 : index
    %get3A_11 = vector.load %arg1[%get3A_9, %get3A_10] : memref<1024x1xf32, #tpu.memory_space<vmem>>, vector<1024x1xf32>
    %slice3A_12 = vector.extract_strided_slice %get3A_11 {offsets = [0, 0], sizes = [1000, 1], strides = [1, 1]} : vector<1024x1xf32> to vector<1000x1xf32>
    %get3A_13 = arith.constant 0 : index
    %get3A_14 = arith.constant 0 : index
    %get3A_15 = vector.load %arg2[%get3A_13, %get3A_14] : memref<1000x128xf32, #tpu.memory_space<vmem>>, vector<1000x128xf32>
    %get3A_16 = arith.constant 0 : index
    %get3A_17 = arith.constant 0 : index
    %get3A_18 = vector.load %arg3[%get3A_16, %get3A_17] : memref<1000x1xf32, #tpu.memory_space<vmem>>, vector<1000x1xf32>
    %gt3A = arith.constant 0.000000e+00 : f32
    %gt3A_19 = vector.broadcast %gt3A : f32 to vector<1000x1xf32>
    %gt3A_20 = arith.cmpf ogt, %slice3A_12, %gt3A_19 : vector<1000x1xf32>
    %jit3A = arith.constant 1.000000e+00 : f32
    %broadcast_in_dim3A = vector.broadcast %jit3A : f32 to vector<1000x1xf32>
    %select_n3A = arith.select %gt3A_20, %slice3A_12, %broadcast_in_dim3A : vector<1000x1xi1>, vector<1000x1xf32>
    %div3A = vector.broadcast %select_n3A : vector<1000x1xf32> to vector<1000x128xf32>
    %div3A_21 = arith.divf %slice3A, %div3A : vector<1000x128xf32>
    %mul3A = arith.constant 0.899999976 : f32
    %mul3A_22 = vector.broadcast %mul3A : f32 to vector<1000x128xf32>
    %mul3A_23 = arith.mulf %mul3A_22, %get3A_15 : vector<1000x128xf32>
    %mul3A_24 = arith.constant 1.000000e-01 : f32
    %mul3A_25 = vector.broadcast %mul3A_24 : f32 to vector<1000x128xf32>
    %mul3A_26 = arith.mulf %mul3A_25, %div3A_21 : vector<1000x128xf32>
    %add3A_27 = arith.addf %mul3A_23, %mul3A_26 : vector<1000x128xf32>
    %gt3A_28 = arith.constant 0.000000e+00 : f32
    %gt3A_29 = vector.broadcast %gt3A_28 : f32 to vector<1000x1xf32>
    %gt3A_30 = arith.cmpf ogt, %get3A_18, %gt3A_29 : vector<1000x1xf32>
    %broadcast_in_dim3A_31 = vector.shape_cast %gt3A_30 : vector<1000x1xi1> to vector<1000x1xi1>
    %broadcast_in_dim3A_32 = vector.broadcast %broadcast_in_dim3A_31 : vector<1000x1xi1> to vector<1000x128xi1>
    %select_n3A_33 = arith.select %broadcast_in_dim3A_32, %add3A_27, %div3A_21 : vector<1000x128xi1>, vector<1000x128xf32>
    %broadcast_in_dim3A_34 = vector.shape_cast %gt3A_20 : vector<1000x1xi1> to vector<1000x1xi1>
    %broadcast_in_dim3A_35 = vector.broadcast %broadcast_in_dim3A_34 : vector<1000x1xi1> to vector<1000x128xi1>
    %select_n3A_36 = arith.select %broadcast_in_dim3A_35, %select_n3A_33, %get3A_15 : vector<1000x128xi1>, vector<1000x128xf32>
    %swap3A = arith.constant 0 : index
    %swap3A_37 = arith.constant 0 : index
    %swap3A_38 = vector.load %arg4[%swap3A, %swap3A_37] : memref<1000x128xf32, #tpu.memory_space<vmem>>, vector<1000x128xf32>
    tpu.vector_store %arg4[%swap3A, %swap3A_37], %select_n3A_36 {strides = array<i32>} : memref<1000x128xf32, #tpu.memory_space<vmem>>, vector<1000x128xf32>,
    %jit3A_39 = arith.constant 1.000000e+00 : f32
    %broadcast_in_dim3A_40 = vector.broadcast %jit3A_39 : f32 to vector<1000x1xf32>
    %select_n3A_41 = arith.select %gt3A_20, %broadcast_in_dim3A_40, %get3A_18 : vector<1000x1xi1>, vector<1000x1xf32>
    %swap3A_42 = arith.constant 0 : index
    %swap3A_43 = arith.constant 0 : index
    %swap3A_44 = vector.load %arg5[%swap3A_42, %swap3A_43] : memref<1000x1xf32, #tpu.memory_space<vmem>>, vector<1000x1xf32>
    tpu.vector_store %arg5[%swap3A_42, %swap3A_43], %select_n3A_41 {strides = array<i32>} : memref<1000x1xf32, #tpu.memory_space<vmem>>, vector<1000x1xf32>,
    return
  }
}

</mosaic_0001>

<sc_bundles>
// kernel: kernel.5.cloned.1.call-start
scs
__scs_entry_jumppad:
0x0: {  	(pc) =	sbr.rel $0x88, $3  }
0x1: {  	(tag) =	ssettag $0x0;
	lr =	simm.s32 $0x1  }
0x2: {  	[smem:$0x3F9D] =	sst lr;
	_ =	strace $0xD0000000  }
0x3: {  	_ = 	snop  }
0x4: {  	_ = 	snop  }
0x5: {  	_ = 	snop  }
0x6: {  	_ = 	snop  }
0x7: {  	_ = 	snop  }
__scs_overlays_trampoline_lowered:
0x8: {  	[smem:$0x3FAC] =	sst s0  }
0x9: {  	[smem:$0x3FAD] =	sst s1  }
0xa: {  	[smem:$0x3FAE] =	sst s2  }
0xb: {  	[smem:$0x3FAF] =	sst s3  }
0xc: {  	[smem:$0x3FB0] =	sst s4  }
0xd: {  	[smem:$0x3FB1] =	sst s5  }
0xe: {  	[smem:$0x3FB2] =	sst s6  }
0xf: {  	[smem:$0x3FB3] =	sst s7  }
0x10: {  	[smem:$0x3FB4] =	sst s8  }
0x11: {  	[smem:$0x3FB5] =	sst s9;
	s0 =	simm.s32 @!p0 $0x0  }
0x12: {  	s1 =	sld [smem:$0x3F9B];
	s0 =	simm.s32 @p0 $0x1  }
0x13: {  	[smem:$0x3FB6] =	sst s0;
	s0 =	simm.s32 @!p1 $0x0  }
0x14: {  	s2 =	sld [smem:$0x3F9A];
	s0 =	simm.s32 @p1 $0x1  }
0x15: {  	[smem:$0x3FB7] =	sst s0;
	s0 =	simm.s32 @!p2 $0x0  }
0x16: {  	s3 =	sld [smem:$0x3FDB];
	s0 =	simm.s32 @p2 $0x1  }
0x17: {  	s4 =	simm.s32 $0x1BF5;
	[smem:$0x3FB9] =	sst s0  }
0x18: {  	s0 =	sld [smem:$0x3F9C];
	_ =	swait.ge [sflag:s4], $0x0  }
0x19: {  	s7 =	sld [smem:$0x3F9D]  }
0x1a: {  	s8 =	sadd.s32 $0xFFFFE003, lr  }
0x1b: {  	s9 =	sadd.s32 $0xFFFFFEF7, lr;
	s5 =	simm.s32 $0xFFFFFFFF;
	p2 =	slt.u32 s8, $0xFFFFF086  }
0x1c: {  	p1 =	slt.u32 s9, $0xF7A;
	s5 =	simm.s32 @!p2 $0x0  }
0x1d: {  	s5 =	simm.s32 @p1 $0x1;
	p0 =	seq.s32 s7, s2  }
0x1e: {  	s7 =	smul.u32 @!p0 $0xF7A, s2;
	p2 =	seq.s32 @!p0 s5, $0x0  }
0x1f: {  	s9 =	smul.u32 $0xF7A, s1;
	s8 =	simm.s32 @!p0 $0x1BF5;
	p2 =	por !p2, p0  }
0x20: {  	[sflag:s8] =	ssyncset.s32 @!p0 $0xFFFFF086;
	s6 =	sadd.s32 @!p0 s3, s7;
	s7 =	simm.s32 @!p0 $0x108  }
0x21: {  	s3 =	sadd.s32 s3, s9;
	s6 =	sadd.s32 @!p0 $0x88, s6;
	s7 =	simm.s32 @p2 $0x1082  }
0x22: {  	[simem:s7], [sflag:s8] =	dma.local @!p0 [hbm:s6], $0xF7A  }
0x23: {  	s9 =	sor.u32 $0xD0000000, s2;
	s6 =	simm.s32 $0x108;
	_ =	swait.ge @!p0 [sflag:s8], $0x0  }
0x24: {  	s3 =	sadd.s32 $0x88, s3;
	s6 =	simm.s32 @!p1 $0x1082;
	[sflag:s4] =	ssyncset.s32 $0xFFFFF086  }
0x25: {  	[simem:s6], [sflag:s4] =	dma.local [hbm:s3], $0xF7A  }
0x26: {  	[smem:$0x3F9D] =	sst s1;
	(tag) =	ssettag s2;
	_ =	strace s9  }
0x27: {  	s1 =	sld [smem:$0x3FAD]  }
0x28: {  	s2 =	sld [smem:$0x3FAE]  }
0x29: {  	s4 =	sld [smem:$0x3FB0]  }
0x2a: {  	p0 =	seq.s32 s5, $0x0;
	s5 =	sld [smem:$0x3FB1]  }
0x2b: {  	s6 =	sld [smem:$0x3FB2]  }
0x2c: {  	s7 =	sld [smem:$0x3FB3]  }
0x2d: {  	s3 =	simm.s32 $0x108;
	s8 =	sld [smem:$0x3FB4]  }
0x2e: {  	s3 =	simm.s32 @!p0 $0x1082;
	s9 =	sld [smem:$0x3FB5]  }
0x2f: {  	lr =	sadd.s32 s0, s3;
	s0 =	sld [smem:$0x3FAC]  }
0x30: {  	s3 =	sld [smem:$0x3FAF]  }
0x31: {  	[smem:$0x3FB8] =	sst s10  }
0x32: {  	s10 =	sld [smem:$0x3FB6];
	_ =	sdelay $0x3  }
0x33: {  	p0 =	seq.s32 s10, $0x1;
	s10 =	sld [smem:$0x3FB8];
	_ =	sdelay $0x3  }
0x34: {  	[smem:$0x3FB8] =	sst s10  }
0x35: {  	s10 =	sld [smem:$0x3FB7];
	_ =	sdelay $0x3  }
0x36: {  	p1 =	seq.s32 s10, $0x1;
	s10 =	sld [smem:$0x3FB8];
	_ =	sdelay $0x3  }
0x37: {  	[smem:$0x3FB8] =	sst s10  }
0x38: {  	s10 =	sld [smem:$0x3FB9]  }
0x39: {  	_ = 	snop;
	(pc) =	sbr.ind lr, $3  }
0x3a: {  	_ = 	snop  }
0x3b: {  	_ = 	snop  }
0x3c: {  	p2 =	seq.s32 s10, $0x1;
	s10 =	sld [smem:$0x3FB8]  }
0x3d: {  	_ =	shalt  }
0x3e: {  	_ =	shalt  }
0x3f: {  	_ =	shalt  }
0x40: {  	_ =	shalt  }
0x41: {  	_ =	shalt  }
0x42: {  	_ =	shalt  }
0x43: {  	_ =	shalt  }
0x44: {  	_ =	shalt  }
0x45: {  	_ =	shalt  }
0x46: {  	_ =	shalt  }
0x47: {  	_ =	shalt  }
0x48: {  	_ =	shalt  }
0x49: {  	_ =	shalt  }
0x4a: {  	_ =	shalt  }
0x4b: {  	_ =	shalt  }
0x4c: {  	_ =	shalt  }
0x4d: {  	_ =	shalt  }
0x4e: {  	_ =	shalt  }
0x4f: {  	_ =	shalt  }
0x50: {  	_ =	shalt  }
0x51: {  	_ =	shalt  }
0x52: {  	_ =	shalt  }
0x53: {  	_ =	shalt  }
0x54: {  	_ =	shalt  }
0x55: {  	_ =	shalt  }
0x56: {  	_ =	shalt  }
0x57: {  	_ =	shalt  }
0x58: {  	_ =	shalt  }
0x59: {  	_ =	shalt  }
0x5a: {  	_ =	shalt  }
0x5b: {  	_ =	shalt  }
0x5c: {  	_ =	shalt  }
0x5d: {  	_ =	shalt  }
0x5e: {  	_ =	shalt  }
0x5f: {  	_ =	shalt  }
0x60: {  	_ =	shalt  }
0x61: {  	_ =	shalt  }
0x62: {  	_ =	shalt  }
0x63: {  	_ =	shalt  }
0x64: {  	_ =	shalt  }
0x65: {  	_ =	shalt  }
0x66: {  	_ =	shalt  }
0x67: {  	_ =	shalt  }
0x68: {  	_ =	shalt  }
0x69: {  	_ =	shalt  }
0x6a: {  	_ =	shalt  }
0x6b: {  	_ =	shalt  }
0x6c: {  	_ =	shalt  }
0x6d: {  	_ =	shalt  }
0x6e: {  	_ =	shalt  }
0x6f: {  	_ =	shalt  }
0x70: {  	_ =	shalt  }
0x71: {  	_ =	shalt  }
0x72: {  	_ =	shalt  }
0x73: {  	_ =	shalt  }
0x74: {  	_ =	shalt  }
0x75: {  	_ =	shalt  }
0x76: {  	_ =	shalt  }
0x77: {  	_ =	shalt  }
0x78: {  	_ =	shalt  }
0x79: {  	_ =	shalt  }
0x7a: {  	_ =	shalt  }
0x7b: {  	_ =	shalt  }
0x7c: {  	_ =	shalt  }
0x7d: {  	_ =	shalt  }
0x7e: {  	_ =	shalt  }
0x7f: {  	_ =	shalt  }
0x80: {  	_ =	shalt  }
0x81: {  	_ =	shalt  }
0x82: {  	_ =	shalt  }
0x83: {  	_ =	shalt  }
0x84: {  	_ =	shalt  }
0x85: {  	_ =	shalt  }
0x86: {  	_ =	shalt  }
0x87: {  	_ =	shalt  }
.Lfunc_end0:
.L_simem_size_0:
called_computation_lowered:
.L_overlay_start_0:
0x88: {  	s2 =	sld [smem:$0x3FD9]  }
0x89: {  	s3 =	sld [smem:$0x3FFE];
	_ =	sdelay $0x1  }
0x8a: {  	s1 =	srdreg.scid  }
0x8b: {  	s0 =	sand.u32 $0x1, s1  }
0x8c: {  	s17 =	sshll.u32 s0, $0xA;
	s2 =	sadd.s32 s3, s2  }
0x8d: {  	s2 =	sadd.s32 s2, s17  }
0x8e: {  	[smem:$0x3FC4] =	sst s2  }
0x8f: {  	_ = 	snop  }
0x90: {  	s2 =	sld [smem:$0x3FC9]  }
0x91: {  	s18 =	sld [smem:$0x3FC8];
	(tm) =	ssettm $0x1  }
0x92: {  	s4 =	sld [smem:$0x3FFB];
	_ =	sdelay $0x3  }
0x93: {  	_ =	strace s4  }
0x94: {  	s4 =	sld [smem:$0x3FFC];
	_ =	sdelay $0x3  }
0x95: {  	_ =	strace s4  }
0x96: {  	s4 =	sld [smem:$0x3FFD];
	_ =	sdelay $0x3  }
0x97: {  	_ =	strace s4  }
0x98: {  	_ =	strace $0x8FFFFFFF  }
0x99: {  	s19 =	sld [smem:$0x3FDB];
	_ =	sdelay $0x1  }
0x9a: {  	s5 =	simm.s32 $_scs_section_size  }
0x9b: {  	s6 =	simm.s32 $_size__tile_overlayer_lowered;
	s7 =	simm.s32 $_tile_overlayer_lowered  }
0x9c: {  	s22 =	simm.s32 $0x1BFF;
	s21 =	sshll.u32 s7, $0x1;
	s4 =	sadd.s32 s5, s19  }
0x9d: {  	s8 =	simm.s32 $0x0;
	s20 =	sshll.u32 s6, $0x1;
	s6 =	sadd.s32 s21, s4  }
0x9e: {  	[timem:s8], [sflag:s22] =	dma.local [hbm:s6], s20  }
0x9f: {  	_ =	swait.ge [sflag:s22], s20  }
0xa0: {  	s5 =	ssub.s32 $0x0, s20;
	[sflag:s22] =	ssyncset.done $0x0  }
0xa1: {  	[sflag:s22] =	ssyncadd.s32 s5;
	_ =	sdelay $0x1  }
0xa2: {  	s23 =	simm.s32 $0x1B8B  }
0xa3: {  	_ =	swait.ge [sflag:s23], $0x1  }
0xa4: {  	[sflag:s23] =	ssyncset.done $0x0  }
0xa5: {  	s25 =	simm.s32 $0x1B8E;
	s24 =	sld [smem:$0x3FFE];
	[sflag:s23] =	ssyncadd.s32 $0xFFFFFFFF  }
0xa6: {  	s26 =	simm.s32 $execute0_lowered;
	[smem:$0x3FD2] =	sst s25  }
0xa7: {  	s6 =	sshll.u32 s26, $0x1;
	_ =	strace $0x80000046;
	[dreg:$0x1] =	wrdreg $0xFFFFFFFF  }
0xa8: {  	s28 =	simm.s32 $_size_execute0_lowered;
	s4 =	sadd.s32 s4, s6;
	[dreg:$0x0] =	wrdreg $0x0  }
0xa9: {  	s6 =	sshll.u32 s28, $0x1;
	[dreg:$0x2] =	wrdreg s4  }
0xaa: {  	[dreg:$0x3] =	wrdreg s6  }
0xab: {  	[dreg:$0x4] =	wrdreg $0xC0  }
0xac: {  	_ =	task [dreg:s8], $0x5FFFF  }
0xad: {  	[dreg:$0x1] =	wrdreg $0xFFFFFFFF  }
0xae: {  	[dreg:$0x0] =	wrdreg $0x60  }
0xaf: {  	[dreg:$0x2] =	wrdreg s2  }
0xb0: {  	[dreg:$0x3] =	wrdreg s18  }
0xb1: {  	[dreg:$0x4] =	wrdreg s24  }
0xb2: {  	[dreg:$0x5] =	wrdreg $0x194000  }
0xb3: {  	[dreg:$0x6] =	wrdreg $0x9  }
0xb4: {  	_ =	task.clear_ibuf [dreg:s8], $0x7FFFF;
	_ =	strace $0x90000046  }
0xb5: {  	s29 =	simm.s32 $0x9;
	_ =	strace $0x80000048  }
0xb6: {  	_ =	swait.ge [sflag:s29], $0x1  }
0xb7: {  	[sflag:s29] =	ssyncadd.s32 $0xFFFFFFFF  }
0xb8: {  	_ =	strace $0x90000048  }
0xb9: {  	_ =	sfence  }
0xba: {  	s30 =	sld [smem:$0x0];
	_ =	sdelay $0x2  }
0xbb: {  	s31 =	sshll.u32 s1, $0xD;
	s1 =	sshrl.u32 s1, $0x2  }
0xbc: {  	s3 =	sand.u32 $0x4000, s31;
	s1 =	sadd.s32 s1, s30  }
0xbd: {  	s0 =	sor.u32 s3, s0;
	s1 =	sshll.u32 s1, $0x11  }
0xbe: {  	s0 =	sor.u32 s1, s0  }
0xbf: {  	s0 =	sadd.s32 $0x8F2B, s0  }
0xc0: {  	[sflag:s0] =	ssyncadd.remote.s32 $0x1  }
0xc1: {  	_ =	sfence.sel $0xFFFF  }
0xc2: {  	[dreg:$0x0] =	wrdreg $0xFFFFFFFF;
	(pc) =	sbr.abs _section_cstart, $3  }
0xc3: {  	[dreg:$0x1] =	wrdreg $0xFFFFFFFF  }
0xc4: {  	_ =	task.clear_ibuf [dreg:s8], $0x2FFFF;
	_ =	strace $0x9FFFFFFF  }
0xc5: {  	(tm) =	ssettm $0x7FFFFFFF  }
tec
execute0_lowered:
.L_overlay_start_1:
0x0: {  	(tag) =	ssettag $0x1  }
0x1: {  	s10 =	rddreg [dreg:$0x0]  }
0x2: {  	s1 =	rddreg [dreg:$0x1]  }
0x3: {  	s5 =	rddreg [dreg:$0x2]  }
0x4: {  	s2 =	rddreg [dreg:$0x3]  }
0x5: {  	s0 =	rddreg [dreg:$0x4]  }
0x6: {  	s4 =	simm.s32 $0x0;
	s6 =	srdreg.scid;
	s3 =	stileid.u32  }
0x7: {  	s18 =	simm.s32 $0xC800;
	s19 =	simm.s32 $0x19200;
	[smem:$0x7FF] =	sst s4  }
0x8: {  	s9 =	sand.u32 $0x1, s6;
	s20 =	sshll.u32 s3, $0xA;
	s25 =	smul.u32 $0x2710, s3  }
0x9: {  	s23 =	sshll.u32 s3, $0xD;
	s24 =	sshll.u32 s3, $0x6;
	s28 =	smul.u32 $0x27100, s3  }
0xa: {  	_ =	strace $0x80000047;
	s7 =	ssub.s32 $0x2, s9;
	s8 =	sshll.u32 s9, $0x4  }
0xb: {  	s11 =	sadd.s32 s20, s5;
	s14 =	sadd.s32 s23, s2;
	s15 =	smul.u32 $0x27100, s9  }
0xc: {  	s6 =	sor.u32 $0x1C03, s24;
	s16 =	sshll.u32 s9, $0xE;
	s17 =	smul.u32 $0x271000, s9  }
0xd: {  	s20 =	simm.s32 $0x190;
	s21 =	sshrl.u32 s7, $0x1;
	s22 =	sor.u32 s3, s8  }
0xe: {  	s5 =	sadd.s32 $0xA00, s11;
	s26 =	sadd.s32 s16, s11;
	s14 =	sshrl.u32 s14, $0x3  }
0xf: {  	s16 =	simm.s32 $0x19000;
	s12 =	ssub.s32 s7, s21;
	s8 =	smul.u32 $0x2710, s22  }
0x10: {  	s13 =	smul.u32 $0x27100, s22;
	s9 =	sadd.s32 $0x4A00, s26;
	s29 =	sadd.s32 s17, s10  }
0x11: {  	s17 =	simm.s32 $0x1;
	s21 =	simm.s32 $0x2;
	s22 =	simm.s32 $0x0  }
0x12: {  	s11 =	sadd.s32 s28, s29;
	s7 =	sadd.s32 s10, s13;
	s13 =	sadd.s32 s25, s15  }
0x13: {  	s8 =	sshrl.u32 s8, $0x3;
	s10 =	smax.u32 s12, $0x1;
	s30 =	sadd.s32 $0x190, s13  }
0x14: {  	s11 =	sadd.s32 $0x3200, s11;
	s15 =	simm.s32 $0x3;
	s31 =	sshrl.u32 s30, $0x3  }
0x15: {  	s8 =	sadd.s32 s1, s8;
	s12 =	sadd.s32 $0x320, s13;
	s13 =	sadd.s32 s31, s1  }
.LBB2_1:
0x16: {  	[spmem:s14], [sflag:s6] =	dma.local [hbm:s5], $0x400  }
0x17: {  	_ =	swait.ge [sflag:s15], $0x400  }
0x18: {  	[sflag:s15] =	ssyncset.done $0x0  }
0x19: {  	[sflag:s15] =	ssyncadd.s32 $0xFFFFFC00  }
0x1a: {  	[bflag:$0x0] =	sbarrier.arrive $0xFFFF  }
0x1b: {  	[tilespmem:s4], [sflag:$0x1] =	stream.linear.gather [hbm4b:s7+s4], $0xC800, $0x38;
	[tilespmem:$0x1B400] =	vst v63  }
0x1c: {  	_ = 	snop  }
0x1d: {  	[tilespmem:s16], [sflag:$0x1] =	stream.linear.gather [hbm4b:s8+s4], $0x190, $0x38;
	[tilespmem:$0x1B400] =	vst v63  }
0x1e: {  	_ =	swait.ge [sflag:s17], $0xC800  }
0x1f: {  	[sflag:s17] =	ssyncset.done $0x0  }
0x20: {  	[sflag:s17] =	ssyncadd.s32 $0xFFFF3800  }
0x21: {  	_ =	swait.ge [sflag:s17], $0x190  }
0x22: {  	[sflag:s17] =	ssyncset.done $0x0  }
0x23: {  	s23 =	sadd.s32 $0xFFFFE700, s11;
	[sflag:s17] =	ssyncadd.s32 $0xFFFFFE70  }
0x24: {  	[tilespmem:s18], [sflag:$0x2] =	stream.linear.gather [hbm4b:s23+s4], $0xC800, $0x38;
	[tilespmem:$0x1B400] =	vst v63  }
0x25: {  	s30 =	sadd.s32 $0x0, s13  }
0x26: {  	[tilespmem:s19], [sflag:$0x2] =	stream.linear.gather [hbm4b:s30+s4], $0x190, $0x38;
	[tilespmem:$0x1B400] =	vst v63  }
0x27: {  	_ = 	snop  }
0x28: {  	[spmem:s2] =	stream.indirect.scatter.add.f32 [tilespmem:s4], [sflag:$0x3], $0x80, s16, s20, $0xb8;
	[tilespmem:$0x1B400] =	vst v63  }
0x29: {  	_ =	swait.ge [sflag:s15], $0xC800  }
0x2a: {  	[sflag:s15] =	ssyncset.done $0x0  }
0x2b: {  	[sflag:s15] =	ssyncadd.s32 $0xFFFF3800  }
0x2c: {  	_ =	swait.ge [sflag:s21], $0xC800  }
0x2d: {  	[sflag:s21] =	ssyncset.done $0x0  }
0x2e: {  	[sflag:s21] =	ssyncadd.s32 $0xFFFF3800  }
0x2f: {  	_ =	swait.ge [sflag:s21], $0x190  }
0x30: {  	[sflag:s21] =	ssyncset.done $0x0  }
0x31: {  	s31 =	sshrl.u32 s12, $0x3;
	[sflag:s21] =	ssyncadd.s32 $0xFFFFFE70  }
0x32: {  	[tilespmem:s4], [sflag:$0x1] =	stream.linear.gather [hbm4b:s11+s4], $0xC800, $0x38;
	[tilespmem:$0x1B400] =	vst v63  }
0x33: {  	s23 =	sadd.s32 s1, s31  }
0x34: {  	[tilespmem:s16], [sflag:$0x1] =	stream.linear.gather [hbm4b:s23+s4], $0x190, $0x38;
	[tilespmem:$0x1B400] =	vst v63  }
0x35: {  	_ = 	snop  }
0x36: {  	[spmem:s2] =	stream.indirect.scatter.add.f32 [tilespmem:s18], [sflag:$0x3], $0x80, s19, s20, $0xb8;
	[tilespmem:$0x1B400] =	vst v63  }
0x37: {  	s24 =	smov.u32 s11;
	_ =	swait.ge [sflag:s15], $0xC800  }
0x38: {  	s25 =	smov.u32 s12;
	s23 =	simm.s32 $0x64;
	[sflag:s15] =	ssyncset.done $0x0  }
.LBB2_2:
0x39: {  	[sflag:s15] =	ssyncadd.s32 $0xFFFF3800;
	s24 =	sadd.s32 $0x3200, s24;
	s25 =	sadd.s32 $0x320, s25  }
0x3a: {  	p0 =	sne.s32 s23, $0x44C;
	s26 =	smov.u32 s23;
	s23 =	sadd.s32 $0x64, s23  }
0x3b: {  	_ =	swait.ge [sflag:s17], $0xC800  }
0x3c: {  	[sflag:s17] =	ssyncset.done $0x0  }
0x3d: {  	[sflag:s17] =	ssyncadd.s32 $0xFFFF3800  }
0x3e: {  	_ =	swait.ge [sflag:s17], $0x190  }
0x3f: {  	[sflag:s17] =	ssyncset.done $0x0  }
0x40: {  	s28 =	sadd.s32 $0xFFFFE700, s24;
	[sflag:s17] =	ssyncadd.s32 $0xFFFFFE70  }
0x41: {  	[tilespmem:s18], [sflag:$0x2] =	stream.linear.gather [hbm4b:s28+s4], $0xC800, $0x38;
	[tilespmem:$0x1B400] =	vst v63  }
0x42: {  	s26 =	sadd.s32 s26, s13  }
0x43: {  	[tilespmem:s19], [sflag:$0x2] =	stream.linear.gather [hbm4b:s26+s4], $0x190, $0x38;
	[tilespmem:$0x1B400] =	vst v63  }
0x44: {  	_ = 	snop  }
0x45: {  	[spmem:s2] =	stream.indirect.scatter.add.f32 [tilespmem:s4], [sflag:$0x3], $0x80, s16, s20, $0xb8;
	[tilespmem:$0x1B400] =	vst v63  }
0x46: {  	_ =	swait.ge [sflag:s15], $0xC800  }
0x47: {  	[sflag:s15] =	ssyncset.done $0x0  }
0x48: {  	[sflag:s15] =	ssyncadd.s32 $0xFFFF3800  }
0x49: {  	_ =	swait.ge [sflag:s21], $0xC800  }
0x4a: {  	[sflag:s21] =	ssyncset.done $0x0  }
0x4b: {  	[sflag:s21] =	ssyncadd.s32 $0xFFFF3800  }
0x4c: {  	_ =	swait.ge [sflag:s21], $0x190  }
0x4d: {  	[sflag:s21] =	ssyncset.done $0x0  }
0x4e: {  	s26 =	sshrl.u32 s25, $0x3;
	[sflag:s21] =	ssyncadd.s32 $0xFFFFFE70  }
0x4f: {  	[tilespmem:s4], [sflag:$0x1] =	stream.linear.gather [hbm4b:s24+s4], $0xC800, $0x38;
	[tilespmem:$0x1B400] =	vst v63  }
0x50: {  	s26 =	sadd.s32 s1, s26  }
0x51: {  	[tilespmem:s16], [sflag:$0x1] =	stream.linear.gather [hbm4b:s26+s4], $0x190, $0x38;
	[tilespmem:$0x1B400] =	vst v63  }
.Ltmp0:
0x52: {  	_ = 	snop;
	(pc) =	sbr.rel @p0 .LBB2_2-.Ltmp0, $4  }
0x53: {  	_ = 	snop  }
0x54: {  	[spmem:s2] =	stream.indirect.scatter.add.f32 [tilespmem:s18], [sflag:$0x3], $0x80, s19, s20, $0xb8;
	[tilespmem:$0x1B400] =	vst v63  }
0x55: {  	_ =	swait.ge [sflag:s15], $0xC800  }
0x56: {  	[sflag:s15] =	ssyncset.done $0x0  }
0x57: {  	[sflag:s15] =	ssyncadd.s32 $0xFFFF3800  }
0x58: {  	_ =	swait.ge [sflag:s17], $0xC800  }
0x59: {  	[sflag:s17] =	ssyncset.done $0x0  }
0x5a: {  	[sflag:s17] =	ssyncadd.s32 $0xFFFF3800  }
0x5b: {  	_ =	swait.ge [sflag:s17], $0x190  }
0x5c: {  	[sflag:s17] =	ssyncset.done $0x0  }
0x5d: {  	[sflag:s17] =	ssyncadd.s32 $0xFFFFFE70  }
0x5e: {  	[spmem:s2] =	stream.indirect.scatter.add.f32 [tilespmem:s4], [sflag:$0x3], $0x80, s16, s20, $0xb8;
	[tilespmem:$0x1B400] =	vst v63  }
0x5f: {  	_ =	swait.ge [sflag:s15], $0xC800  }
0x60: {  	s22 =	sadd.s32 $0x1, s22;
	[sflag:s15] =	ssyncset.done $0x0  }
0x61: {  	p0 =	sne.s32 s22, s10;
	[sflag:s15] =	ssyncadd.s32 $0xFFFF3800  }
.Ltmp1:
0x62: {  	[bflag:$0x0] =	sbarrier.arrive $0xFFFF;
	(pc) =	sbr.rel @p0 .LBB2_1-.Ltmp1, $4  }
0x63: {  	[hbm:s9], [sflag:s6] =	dma.local [spmem:s14], $0x400  }
0x64: {  	_ =	swait.ge [sflag:s15], $0x400  }
0x65: {  	[sflag:s15] =	ssyncset.done $0x0  }
0x66: {  	[sflag:s15] =	ssyncadd.s32 $0xFFFFFC00  }
0x67: {  	_ =	sfence.sel $0x180000  }
0x68: {  	[bflag:$0x0] =	sbarrier.arrive $0xFFFF  }
0x69: {  	p0 =	sne.s32 s3, $0x0;
	_ =	strace $0x90000047  }
0x6a: {  	s0 =	sadd.s32 @!p0 $0x100000, s0;
	[bflag:$0x2] =	sbarrier.arrive $0xFFFF  }
0x6b: {  	[sflag:s0] =	ssyncadd.tile.s32 @!p0 $0x1;
	_ =	shalt  }
.Lfunc_end2:
_tile_overlayer_lowered:
.L_overlay_start_2:
0x6c: {  	(tag) =	ssettag $0x2  }
0x6d: {  	s0 =	rddreg [dreg:$0x0];
	s2 =	stileid.u32  }
0x6e: {  	s1 =	rddreg [dreg:$0x1];
	p0 =	sne.s32 s2, $0x0  }
0x6f: {  	s3 =	rddreg [dreg:$0x2];
	[bflag:$0x3] =	sbarrier.arrive $0xFFFF;
	s2 =	simm.s32 @!p0 $0x1C03  }
0x70: {  	[timem:s3], [sflag:s2] =	dma.local @!p0 [hbm:s0], s1  }
0x71: {  	s0 =	simm.s32 @!p0 $0x3  }
0x72: {  	_ =	swait.ge @!p0 [sflag:s0], s1  }
0x73: {  	s1 =	ssub.s32 @!p0 $0x0, s1;
	[sflag:s0] =	ssyncset.done @!p0 $0x0  }
0x74: {  	[sflag:s0] =	ssyncadd.s32 @!p0 s1  }
0x75: {  	[bflag:$0x3] =	sbarrier.arrive $0xFFFF  }
0x76: {  	_ =	shalt  }

</sc_bundles>
